<compile_context>
chip_gen: v7x
topology: tpu7x:2x2x1
jax: 0.10.2.dev20260603
libtpu: 0.0.44.dev20260713+nightly
codegen_flags: <defaults>
</compile_context>

<pallas_src>
import functools

import jax
import jax.numpy as jnp
from jax import lax
from jax.experimental import pallas as pl
from jax.experimental.pallas import tpu as pltpu
from jax.experimental.pallas import tpu_sc as plsc

NUM_EMB = 1000000
D = 32
BATCH = 4096
HIST = 200
TOTAL = BATCH * HIST

NC = 2
NS = 16
NW = NC * NS
PER_W = TOTAL // NW

G = 128
CHUNK = 1280
N_G = CHUNK // G
N_IT = PER_W // CHUNK
IDX_ROWS_W = PER_W // G

_CIN = 32768
_CIN_GRID = -(-NUM_EMB // _CIN)


_Q = _CIN // 4
_QSH = _Q.bit_length() - 1
_NEMB_PAD = _CIN_GRID * _CIN


def _conv_in_body(in_ref, o_ref):
    t = in_ref[...].T
    for k0 in range(4):
        o_ref[:, k0 * 32:(k0 + 1) * 32] = t[k0 * _Q:(k0 + 1) * _Q, :]


_conv_in = pl.pallas_call(
    _conv_in_body,
    grid=(_CIN_GRID,),
    in_specs=[pl.BlockSpec((D, _CIN), lambda i: (0, i))],
    out_specs=pl.BlockSpec((_Q, 128), lambda i: (i, 0)),
    out_shape=jax.ShapeDtypeStruct((_NEMB_PAD * D // 128, 128), jnp.float32),
)

_BROWS = TOTAL * D // 128 // NW


def _conv_out_body(in_ref, o_ref):
    def one(h4, carry):
        blk = in_ref[pl.Slice(h4, 128, HIST * D // 128), :]
        blkT = blk.T
        for j in range(4):
            o_ref[h4 * 4 + j, :, 0] = (
                blkT[j * 32:(j + 1) * 32, :].reshape(4, 8, 128))
        return carry

    lax.fori_loop(0, HIST // 4, one, 0)


_conv_out_a = pl.pallas_call(
    _conv_out_body,
    grid=(NW // 2,),
    in_specs=[pl.BlockSpec((_BROWS, 128), lambda i: (i, 0))],
    out_specs=pl.BlockSpec((HIST, 4, 1, 8, 128), lambda i: (0, 0, i, 0, 0)),
    out_shape=jax.ShapeDtypeStruct((HIST, 4, NW, 8, 128), jnp.float32),
)


def _conv_out_body_b(in_ref, prev_ref, o_ref):
    del prev_ref
    _conv_out_body(in_ref, o_ref)


_conv_out_b = pl.pallas_call(
    _conv_out_body_b,
    grid=(NW // 2,),
    in_specs=[pl.BlockSpec((_BROWS, 128), lambda i: (i, 0)),
              pl.BlockSpec(memory_space=pl.ANY)],
    out_specs=pl.BlockSpec((HIST, 4, 1, 8, 128),
                           lambda i: (0, 0, NW // 2 + i, 0, 0)),
    out_shape=jax.ShapeDtypeStruct((HIST, 4, NW, 8, 128), jnp.float32),
    input_output_aliases={1: 0},
)


_HTOT = TOTAL // 2
_HPER_W = _HTOT // NW
_HN_IT = _HPER_W // CHUNK
_HIDX_ROWS = _HPER_W // G


def _build(half):
    mesh = plsc.VectorSubcoreMesh(core_axis_name="c", subcore_axis_name="s")

    @functools.partial(
        pl.kernel,
        mesh=mesh,
        out_type=jax.ShapeDtypeStruct((_HTOT, D), jnp.float32),
        scratch_types=[
            pltpu.VMEM((_HIDX_ROWS, G), jnp.int32),
            pltpu.VMEM((CHUNK, D), jnp.float32),
            pltpu.VMEM((CHUNK, D), jnp.float32),
            pltpu.SemaphoreType.DMA,
            pltpu.SemaphoreType.DMA,
            pltpu.SemaphoreType.DMA,
            pltpu.SemaphoreType.DMA,
        ],
        compiler_params=pltpu.CompilerParams(use_tc_tiling_on_sc=False),
    )
    def body(idx_hbm, table_hbm, out_hbm, idx_all, rows0, rows1,
             sg0, sg1, so0, so1):
        rows = (rows0, rows1)
        sem_g = (sg0, sg1)
        sem_o = (so0, so1)
        wid = lax.axis_index("s") * NC + lax.axis_index("c")
        row_base = wid * _HPER_W
        idx_row0 = half * (_HTOT // G) + wid * _HIDX_ROWS

        pltpu.sync_copy(idx_hbm.at[pl.ds(idx_row0, _HIDX_ROWS)], idx_all)

        def permute_idx(r, carry):
            for j in range(G // 16):
                v = idx_all[r, pl.ds(j * 16, 16)]
                idx_all[r, pl.ds(j * 16, 16)] = (
                    (v & -_CIN) | ((v & (_Q - 1)) << 2) | ((v >> _QSH) & 3))
            return carry

        lax.fori_loop(0, _HIDX_ROWS, permute_idx, 0)

        def fire(g, slot):
            for j in range(N_G):
                pltpu.async_copy(table_hbm.at[idx_all.at[g * N_G + j]],
                                 rows[slot].at[pl.ds(j * G, G)],
                                 sem_g[slot])

        def drain_gathers(slot):
            for j in range(N_G):
                pltpu.make_async_copy(table_hbm.at[idx_all.at[0]],
                                      rows[slot].at[pl.ds(j * G, G)],
                                      sem_g[slot]).wait()

        def wait_store(slot):
            pltpu.make_async_copy(rows[slot],
                                  out_hbm.at[pl.ds(row_base, CHUNK)],
                                  sem_o[slot]).wait()

        fire(0, 0)

        def it(i, carry):
            for k in range(2):
                g = 2 * i + k
                slot = k
                nxt = 1 - k

                @pl.when(g >= 1)
                def _():
                    wait_store(nxt)

                @pl.when(g + 1 < _HN_IT)
                def _():
                    fire(g + 1, nxt)

                drain_gathers(slot)
                pltpu.async_copy(rows[slot],
                                 out_hbm.at[pl.ds(row_base + g * CHUNK,
                                                  CHUNK)],
                                 sem_o[slot])
            return carry

        lax.fori_loop(0, _HN_IT // 2, it, 0)
        wait_store((_HN_IT - 1) % 2)

    return body


_gather_a = _build(0)
_gather_b = _build(1)


def kernel(input_seq, weights):
    idx = input_seq.reshape(TOTAL // G, G)
    w128 = _conv_in(weights.T)
    w_lin = w128.reshape(_NEMB_PAD, D)
    ga = _gather_a(idx, w_lin)
    gb = _gather_b(idx, w_lin)
    oa = _conv_out_a(ga.reshape(_HTOT * D // 128, 128))
    out5 = _conv_out_b(gb.reshape(_HTOT * D // 128, 128), oa)
    return out5.transpose(2, 4, 0, 1, 3).reshape(BATCH, HIST, D)

# --- scband reference (transcript-rebuilt; emitter-appended) ---
"""Pipeline reference for scband-embedding-11055245819981 (READ-ONLY COPY).

The authoritative reference and input builder live on the scoring server;
editing this copy changes nothing except your own understanding.
"""

import jax, jax.numpy as jnp
import numpy as np

NUM_EMBEDDINGS = 1000000
EMBEDDING_DIM = 32
BATCH = 4096
HIST_LEN = 200


def setup_inputs(seed: int = 0) -> dict:
    key = jax.random.key(seed)
    k_idx, k_w = jax.random.split(key)
    input_seq = jax.random.randint(k_idx, (BATCH, HIST_LEN), 0, NUM_EMBEDDINGS, dtype=jnp.int64 if jax.config.jax_enable_x64 else jnp.int32).astype(jnp.int32)
    weights = jax.random.normal(k_w, (NUM_EMBEDDINGS, EMBEDDING_DIM), dtype=jnp.float32)
    return {"input_seq": input_seq, "weights": weights}


def reference(input_seq, weights):
    # Faithful translation of torch: self.weights[input_seq]
    # (input_seq is always integer dtype in this harness, so the dtype-check
    #  branch in the torch module is never taken.)
    return jnp.take(weights, input_seq, axis=0)

if __name__ == "__main__":
    import jax
    _d = setup_inputs()
    print(jax.jit(kernel)(*tuple(_d.values())))

</pallas_src>

<mosaic_0001>
#map = affine_map<(d0, d1) -> (0, 0)>
module attributes {stable_mosaic.version = 14 : i64} {
  func.func @body(%arg0: i32, %arg1: i32, %arg2: memref<6400x128xi32, #tpu.memory_space<hbm>>, %arg3: memref<1015808x32xf32, #tpu.memory_space<hbm>>, %arg4: memref<409600x32xf32, #tpu.memory_space<hbm>>, %arg5: memref<100x128xi32, #tpu.memory_space<vmem>>, %arg6: memref<1280x32xf32, #tpu.memory_space<vmem>>, %arg7: memref<1280x32xf32, #tpu.memory_space<vmem>>, %arg8: memref<!tpu.dma_semaphore, #tpu.memory_space<semaphore_mem>>, %arg9: memref<!tpu.dma_semaphore, #tpu.memory_space<semaphore_mem>>, %arg10: memref<!tpu.dma_semaphore, #tpu.memory_space<semaphore_mem>>, %arg11: memref<!tpu.dma_semaphore, #tpu.memory_space<semaphore_mem>>) attributes {dimension_semantics = [#tpu.dimension_semantics<core_parallel>, #tpu.dimension_semantics<subcore_parallel>], iteration_bounds = array<i64: 2, 16>, scalar_prefetch = 0 : i64, scratch_operands = 7 : i64, tpu.core_type = #tpu.core_type<sc_vector_subcore>, window_params = [{transform_indices = #map}, {transform_indices = #map}, {transform_indices = #map}]} {
    %mul3A = arith.constant 2 : i32
    %mul3A_0 = arith.muli %arg1, %mul3A : i32
    %add3A = arith.addi %mul3A_0, %arg0 : i32
    %mul3A_1 = arith.constant 12800 : i32
    %mul3A_2 = arith.muli %add3A, %mul3A_1 : i32
    %mul3A_3 = arith.constant 100 : i32
    %mul3A_4 = arith.muli %add3A, %mul3A_3 : i32
    %add3A_5 = arith.constant 0 : i32
    %add3A_6 = arith.addi %add3A_5, %mul3A_4 : i32
    "tpu.region"() ({
      %run_scoped3A = tpu.sem_alloc : memref<!tpu.dma_semaphore, #tpu.memory_space<semaphore_mem>>
      %dma_start3A_120 = arith.constant 0 : i32
      %dma_start3A_121 = tpu.memref_slice %arg2[%add3A_6, %dma_start3A_120] : memref<6400x128xi32, #tpu.memory_space<hbm>> -> memref<100x128xi32, #tpu.memory_space<hbm>>
      %dma_start3A_122 = arith.constant 0 : i32
      %dma_start3A_123 = tpu.memref_slice %arg2[%add3A_6, %dma_start3A_122] : memref<6400x128xi32, #tpu.memory_space<hbm>> -> memref<100x128xi32, #tpu.memory_space<hbm>>
      tpu.enqueue_dma source(%dma_start3A_123 : memref<100x128xi32, #tpu.memory_space<hbm>>) target(%arg5 : memref<100x128xi32, #tpu.memory_space<vmem>>) target_semaphore(%run_scoped3A : memref<!tpu.dma_semaphore, #tpu.memory_space<semaphore_mem>>)
      %dma_wait3A_124 = arith.constant 0 : i32
      %dma_wait3A_125 = tpu.memref_slice %arg2[%add3A_6, %dma_wait3A_124] : memref<6400x128xi32, #tpu.memory_space<hbm>> -> memref<100x128xi32, #tpu.memory_space<hbm>>
      %dma_wait3A_126 = arith.constant 0 : i32
      %dma_wait3A_127 = tpu.memref_slice %arg2[%add3A_6, %dma_wait3A_126] : memref<6400x128xi32, #tpu.memory_space<hbm>> -> memref<100x128xi32, #tpu.memory_space<hbm>>
      tpu.wait_dma2 semaphore(%run_scoped3A : memref<!tpu.dma_semaphore, #tpu.memory_space<semaphore_mem>>) src(%dma_wait3A_127 : memref<100x128xi32, #tpu.memory_space<hbm>>) dst(%arg5 : memref<100x128xi32, #tpu.memory_space<vmem>>)
      tpu.yield
    }) : () -> ()
    %scan3A = arith.constant 0 : i32
    %scan3A_7 = arith.constant 0 : i32
    %scan3A_8 = arith.constant 100 : i32
    %scan3A_9 = arith.addi %scan3A_7, %scan3A_8 : i32
    %scan3A_10 = arith.constant 1 : i32
    scf.for %scan3A_120 = %scan3A_7 to %scan3A_9 step %scan3A_10  : i32 {
      %get3A = arith.index_cast %scan3A_120 : i32 to index
      %get3A_121 = arith.constant 0 : index
      %get3A_122 = tpu.vector_load %arg5[%get3A, %get3A_121] {strides = array<i32>} : memref<100x128xi32, #tpu.memory_space<vmem>>, vector<1x16xi32>,
      %get3A_123 = vector.shape_cast %get3A_122 : vector<1x16xi32> to vector<16xi32>
      %and3A = arith.constant -32768 : i32
      %and3A_124 = vector.broadcast %and3A : i32 to vector<16xi32>
      %and3A_125 = arith.andi %get3A_123, %and3A_124 : vector<16xi32>
      %and3A_126 = arith.constant 8191 : i32
      %and3A_127 = vector.broadcast %and3A_126 : i32 to vector<16xi32>
      %and3A_128 = arith.andi %get3A_123, %and3A_127 : vector<16xi32>
      %shift_left3A = arith.constant 2 : i32
      %shift_left3A_129 = vector.broadcast %shift_left3A : i32 to vector<16xi32>
      %shift_left3A_130 = arith.shli %and3A_128, %shift_left3A_129 : vector<16xi32>
      %or3A = arith.ori %and3A_125, %shift_left3A_130 : vector<16xi32>
      %shift_right_arithmetic3A = arith.constant 13 : i32
      %shift_right_arithmetic3A_131 = vector.broadcast %shift_right_arithmetic3A : i32 to vector<16xi32>
      %shift_right_arithmetic3A_132 = arith.shrsi %get3A_123, %shift_right_arithmetic3A_131 : vector<16xi32>
      %and3A_133 = arith.constant 3 : i32
      %and3A_134 = vector.broadcast %and3A_133 : i32 to vector<16xi32>
      %and3A_135 = arith.andi %shift_right_arithmetic3A_132, %and3A_134 : vector<16xi32>
      %or3A_136 = arith.ori %or3A, %and3A_135 : vector<16xi32>
      %swap3A = arith.index_cast %scan3A_120 : i32 to index
      %swap3A_137 = arith.constant 0 : index
      %swap3A_138 = tpu.vector_load %arg5[%swap3A, %swap3A_137] {strides = array<i32>} : memref<100x128xi32, #tpu.memory_space<vmem>>, vector<1x16xi32>,
      %swap3A_139 = vector.shape_cast %swap3A_138 : vector<1x16xi32> to vector<16xi32>
      %swap3A_140 = vector.shape_cast %or3A_136 : vector<16xi32> to vector<1x16xi32>
      tpu.vector_store %arg5[%swap3A, %swap3A_137], %swap3A_140 {strides = array<i32>} : memref<100x128xi32, #tpu.memory_space<vmem>>, vector<1x16xi32>,
      %get3A_141 = arith.index_cast %scan3A_120 : i32 to index
      %get3A_142 = arith.constant 16 : index
      %get3A_143 = tpu.vector_load %arg5[%get3A_141, %get3A_142] {strides = array<i32>} : memref<100x128xi32, #tpu.memory_space<vmem>>, vector<1x16xi32>,
      %get3A_144 = vector.shape_cast %get3A_143 : vector<1x16xi32> to vector<16xi32>
      %and3A_145 = arith.constant -32768 : i32
      %and3A_146 = vector.broadcast %and3A_145 : i32 to vector<16xi32>
      %and3A_147 = arith.andi %get3A_144, %and3A_146 : vector<16xi32>
      %and3A_148 = arith.constant 8191 : i32
      %and3A_149 = vector.broadcast %and3A_148 : i32 to vector<16xi32>
      %and3A_150 = arith.andi %get3A_144, %and3A_149 : vector<16xi32>
      %shift_left3A_151 = arith.constant 2 : i32
      %shift_left3A_152 = vector.broadcast %shift_left3A_151 : i32 to vector<16xi32>
      %shift_left3A_153 = arith.shli %and3A_150, %shift_left3A_152 : vector<16xi32>
      %or3A_154 = arith.ori %and3A_147, %shift_left3A_153 : vector<16xi32>
      %shift_right_arithmetic3A_155 = arith.constant 13 : i32
      %shift_right_arithmetic3A_156 = vector.broadcast %shift_right_arithmetic3A_155 : i32 to vector<16xi32>
      %shift_right_arithmetic3A_157 = arith.shrsi %get3A_144, %shift_right_arithmetic3A_156 : vector<16xi32>
      %and3A_158 = arith.constant 3 : i32
      %and3A_159 = vector.broadcast %and3A_158 : i32 to vector<16xi32>
      %and3A_160 = arith.andi %shift_right_arithmetic3A_157, %and3A_159 : vector<16xi32>
      %or3A_161 = arith.ori %or3A_154, %and3A_160 : vector<16xi32>
      %swap3A_162 = arith.index_cast %scan3A_120 : i32 to index
      %swap3A_163 = arith.constant 16 : index
      %swap3A_164 = tpu.vector_load %arg5[%swap3A_162, %swap3A_163] {strides = array<i32>} : memref<100x128xi32, #tpu.memory_space<vmem>>, vector<1x16xi32>,
      %swap3A_165 = vector.shape_cast %swap3A_164 : vector<1x16xi32> to vector<16xi32>
      %swap3A_166 = vector.shape_cast %or3A_161 : vector<16xi32> to vector<1x16xi32>
      tpu.vector_store %arg5[%swap3A_162, %swap3A_163], %swap3A_166 {strides = array<i32>} : memref<100x128xi32, #tpu.memory_space<vmem>>, vector<1x16xi32>,
      %get3A_167 = arith.index_cast %scan3A_120 : i32 to index
      %get3A_168 = arith.constant 32 : index
      %get3A_169 = tpu.vector_load %arg5[%get3A_167, %get3A_168] {strides = array<i32>} : memref<100x128xi32, #tpu.memory_space<vmem>>, vector<1x16xi32>,
      %get3A_170 = vector.shape_cast %get3A_169 : vector<1x16xi32> to vector<16xi32>
      %and3A_171 = arith.constant -32768 : i32
      %and3A_172 = vector.broadcast %and3A_171 : i32 to vector<16xi32>
      %and3A_173 = arith.andi %get3A_170, %and3A_172 : vector<16xi32>
      %and3A_174 = arith.constant 8191 : i32
      %and3A_175 = vector.broadcast %and3A_174 : i32 to vector<16xi32>
      %and3A_176 = arith.andi %get3A_170, %and3A_175 : vector<16xi32>
      %shift_left3A_177 = arith.constant 2 : i32
      %shift_left3A_178 = vector.broadcast %shift_left3A_177 : i32 to vector<16xi32>
      %shift_left3A_179 = arith.shli %and3A_176, %shift_left3A_178 : vector<16xi32>
      %or3A_180 = arith.ori %and3A_173, %shift_left3A_179 : vector<16xi32>
      %shift_right_arithmetic3A_181 = arith.constant 13 : i32
      %shift_right_arithmetic3A_182 = vector.broadcast %shift_right_arithmetic3A_181 : i32 to vector<16xi32>
      %shift_right_arithmetic3A_183 = arith.shrsi %get3A_170, %shift_right_arithmetic3A_182 : vector<16xi32>
      %and3A_184 = arith.constant 3 : i32
      %and3A_185 = vector.broadcast %and3A_184 : i32 to vector<16xi32>
      %and3A_186 = arith.andi %shift_right_arithmetic3A_183, %and3A_185 : vector<16xi32>
      %or3A_187 = arith.ori %or3A_180, %and3A_186 : vector<16xi32>
      %swap3A_188 = arith.index_cast %scan3A_120 : i32 to index
      %swap3A_189 = arith.constant 32 : index
      %swap3A_190 = tpu.vector_load %arg5[%swap3A_188, %swap3A_189] {strides = array<i32>} : memref<100x128xi32, #tpu.memory_space<vmem>>, vector<1x16xi32>,
      %swap3A_191 = vector.shape_cast %swap3A_190 : vector<1x16xi32> to vector<16xi32>
      %swap3A_192 = vector.shape_cast %or3A_187 : vector<16xi32> to vector<1x16xi32>
      tpu.vector_store %arg5[%swap3A_188, %swap3A_189], %swap3A_192 {strides = array<i32>} : memref<100x128xi32, #tpu.memory_space<vmem>>, vector<1x16xi32>,
      %get3A_193 = arith.index_cast %scan3A_120 : i32 to index
      %get3A_194 = arith.constant 48 : index
      %get3A_195 = tpu.vector_load %arg5[%get3A_193, %get3A_194] {strides = array<i32>} : memref<100x128xi32, #tpu.memory_space<vmem>>, vector<1x16xi32>,
      %get3A_196 = vector.shape_cast %get3A_195 : vector<1x16xi32> to vector<16xi32>
      %and3A_197 = arith.constant -32768 : i32
      %and3A_198 = vector.broadcast %and3A_197 : i32 to vector<16xi32>
      %and3A_199 = arith.andi %get3A_196, %and3A_198 : vector<16xi32>
      %and3A_200 = arith.constant 8191 : i32
      %and3A_201 = vector.broadcast %and3A_200 : i32 to vector<16xi32>
      %and3A_202 = arith.andi %get3A_196, %and3A_201 : vector<16xi32>
      %shift_left3A_203 = arith.constant 2 : i32
      %shift_left3A_204 = vector.broadcast %shift_left3A_203 : i32 to vector<16xi32>
      %shift_left3A_205 = arith.shli %and3A_202, %shift_left3A_204 : vector<16xi32>
      %or3A_206 = arith.ori %and3A_199, %shift_left3A_205 : vector<16xi32>
      %shift_right_arithmetic3A_207 = arith.constant 13 : i32
      %shift_right_arithmetic3A_208 = vector.broadcast %shift_right_arithmetic3A_207 : i32 to vector<16xi32>
      %shift_right_arithmetic3A_209 = arith.shrsi %get3A_196, %shift_right_arithmetic3A_208 : vector<16xi32>
      %and3A_210 = arith.constant 3 : i32
      %and3A_211 = vector.broadcast %and3A_210 : i32 to vector<16xi32>
      %and3A_212 = arith.andi %shift_right_arithmetic3A_209, %and3A_211 : vector<16xi32>
      %or3A_213 = arith.ori %or3A_206, %and3A_212 : vector<16xi32>
      %swap3A_214 = arith.index_cast %scan3A_120 : i32 to index
      %swap3A_215 = arith.constant 48 : index
      %swap3A_216 = tpu.vector_load %arg5[%swap3A_214, %swap3A_215] {strides = array<i32>} : memref<100x128xi32, #tpu.memory_space<vmem>>, vector<1x16xi32>,
      %swap3A_217 = vector.shape_cast %swap3A_216 : vector<1x16xi32> to vector<16xi32>
      %swap3A_218 = vector.shape_cast %or3A_213 : vector<16xi32> to vector<1x16xi32>
      tpu.vector_store %arg5[%swap3A_214, %swap3A_215], %swap3A_218 {strides = array<i32>} : memref<100x128xi32, #tpu.memory_space<vmem>>, vector<1x16xi32>,
      %get3A_219 = arith.index_cast %scan3A_120 : i32 to index
      %get3A_220 = arith.constant 64 : index
      %get3A_221 = tpu.vector_load %arg5[%get3A_219, %get3A_220] {strides = array<i32>} : memref<100x128xi32, #tpu.memory_space<vmem>>, vector<1x16xi32>,
      %get3A_222 = vector.shape_cast %get3A_221 : vector<1x16xi32> to vector<16xi32>
      %and3A_223 = arith.constant -32768 : i32
      %and3A_224 = vector.broadcast %and3A_223 : i32 to vector<16xi32>
      %and3A_225 = arith.andi %get3A_222, %and3A_224 : vector<16xi32>
      %and3A_226 = arith.constant 8191 : i32
      %and3A_227 = vector.broadcast %and3A_226 : i32 to vector<16xi32>
      %and3A_228 = arith.andi %get3A_222, %and3A_227 : vector<16xi32>
      %shift_left3A_229 = arith.constant 2 : i32
      %shift_left3A_230 = vector.broadcast %shift_left3A_229 : i32 to vector<16xi32>
      %shift_left3A_231 = arith.shli %and3A_228, %shift_left3A_230 : vector<16xi32>
      %or3A_232 = arith.ori %and3A_225, %shift_left3A_231 : vector<16xi32>
      %shift_right_arithmetic3A_233 = arith.constant 13 : i32
      %shift_right_arithmetic3A_234 = vector.broadcast %shift_right_arithmetic3A_233 : i32 to vector<16xi32>
      %shift_right_arithmetic3A_235 = arith.shrsi %get3A_222, %shift_right_arithmetic3A_234 : vector<16xi32>
      %and3A_236 = arith.constant 3 : i32
      %and3A_237 = vector.broadcast %and3A_236 : i32 to vector<16xi32>
      %and3A_238 = arith.andi %shift_right_arithmetic3A_235, %and3A_237 : vector<16xi32>
      %or3A_239 = arith.ori %or3A_232, %and3A_238 : vector<16xi32>
      %swap3A_240 = arith.index_cast %scan3A_120 : i32 to index
      %swap3A_241 = arith.constant 64 : index
      %swap3A_242 = tpu.vector_load %arg5[%swap3A_240, %swap3A_241] {strides = array<i32>} : memref<100x128xi32, #tpu.memory_space<vmem>>, vector<1x16xi32>,
      %swap3A_243 = vector.shape_cast %swap3A_242 : vector<1x16xi32> to vector<16xi32>
      %swap3A_244 = vector.shape_cast %or3A_239 : vector<16xi32> to vector<1x16xi32>
      tpu.vector_store %arg5[%swap3A_240, %swap3A_241], %swap3A_244 {strides = array<i32>} : memref<100x128xi32, #tpu.memory_space<vmem>>, vector<1x16xi32>,
      %get3A_245 = arith.index_cast %scan3A_120 : i32 to index
      %get3A_246 = arith.constant 80 : index
      %get3A_247 = tpu.vector_load %arg5[%get3A_245, %get3A_246] {strides = array<i32>} : memref<100x128xi32, #tpu.memory_space<vmem>>, vector<1x16xi32>,
      %get3A_248 = vector.shape_cast %get3A_247 : vector<1x16xi32> to vector<16xi32>
      %and3A_249 = arith.constant -32768 : i32
      %and3A_250 = vector.broadcast %and3A_249 : i32 to vector<16xi32>
      %and3A_251 = arith.andi %get3A_248, %and3A_250 : vector<16xi32>
      %and3A_252 = arith.constant 8191 : i32
      %and3A_253 = vector.broadcast %and3A_252 : i32 to vector<16xi32>
      %and3A_254 = arith.andi %get3A_248, %and3A_253 : vector<16xi32>
      %shift_left3A_255 = arith.constant 2 : i32
      %shift_left3A_256 = vector.broadcast %shift_left3A_255 : i32 to vector<16xi32>
      %shift_left3A_257 = arith.shli %and3A_254, %shift_left3A_256 : vector<16xi32>
      %or3A_258 = arith.ori %and3A_251, %shift_left3A_257 : vector<16xi32>
      %shift_right_arithmetic3A_259 = arith.constant 13 : i32
      %shift_right_arithmetic3A_260 = vector.broadcast %shift_right_arithmetic3A_259 : i32 to vector<16xi32>
      %shift_right_arithmetic3A_261 = arith.shrsi %get3A_248, %shift_right_arithmetic3A_260 : vector<16xi32>
      %and3A_262 = arith.constant 3 : i32
      %and3A_263 = vector.broadcast %and3A_262 : i32 to vector<16xi32>
      %and3A_264 = arith.andi %shift_right_arithmetic3A_261, %and3A_263 : vector<16xi32>
      %or3A_265 = arith.ori %or3A_258, %and3A_264 : vector<16xi32>
      %swap3A_266 = arith.index_cast %scan3A_120 : i32 to index
      %swap3A_267 = arith.constant 80 : index
      %swap3A_268 = tpu.vector_load %arg5[%swap3A_266, %swap3A_267] {strides = array<i32>} : memref<100x128xi32, #tpu.memory_space<vmem>>, vector<1x16xi32>,
      %swap3A_269 = vector.shape_cast %swap3A_268 : vector<1x16xi32> to vector<16xi32>
      %swap3A_270 = vector.shape_cast %or3A_265 : vector<16xi32> to vector<1x16xi32>
      tpu.vector_store %arg5[%swap3A_266, %swap3A_267], %swap3A_270 {strides = array<i32>} : memref<100x128xi32, #tpu.memory_space<vmem>>, vector<1x16xi32>,
      %get3A_271 = arith.index_cast %scan3A_120 : i32 to index
      %get3A_272 = arith.constant 96 : index
      %get3A_273 = tpu.vector_load %arg5[%get3A_271, %get3A_272] {strides = array<i32>} : memref<100x128xi32, #tpu.memory_space<vmem>>, vector<1x16xi32>,
      %get3A_274 = vector.shape_cast %get3A_273 : vector<1x16xi32> to vector<16xi32>
      %and3A_275 = arith.constant -32768 : i32
      %and3A_276 = vector.broadcast %and3A_275 : i32 to vector<16xi32>
      %and3A_277 = arith.andi %get3A_274, %and3A_276 : vector<16xi32>
      %and3A_278 = arith.constant 8191 : i32
      %and3A_279 = vector.broadcast %and3A_278 : i32 to vector<16xi32>
      %and3A_280 = arith.andi %get3A_274, %and3A_279 : vector<16xi32>
      %shift_left3A_281 = arith.constant 2 : i32
      %shift_left3A_282 = vector.broadcast %shift_left3A_281 : i32 to vector<16xi32>
      %shift_left3A_283 = arith.shli %and3A_280, %shift_left3A_282 : vector<16xi32>
      %or3A_284 = arith.ori %and3A_277, %shift_left3A_283 : vector<16xi32>
      %shift_right_arithmetic3A_285 = arith.constant 13 : i32
      %shift_right_arithmetic3A_286 = vector.broadcast %shift_right_arithmetic3A_285 : i32 to vector<16xi32>
      %shift_right_arithmetic3A_287 = arith.shrsi %get3A_274, %shift_right_arithmetic3A_286 : vector<16xi32>
      %and3A_288 = arith.constant 3 : i32
      %and3A_289 = vector.broadcast %and3A_288 : i32 to vector<16xi32>
      %and3A_290 = arith.andi %shift_right_arithmetic3A_287, %and3A_289 : vector<16xi32>
      %or3A_291 = arith.ori %or3A_284, %and3A_290 : vector<16xi32>
      %swap3A_292 = arith.index_cast %scan3A_120 : i32 to index
      %swap3A_293 = arith.constant 96 : index
      %swap3A_294 = tpu.vector_load %arg5[%swap3A_292, %swap3A_293] {strides = array<i32>} : memref<100x128xi32, #tpu.memory_space<vmem>>, vector<1x16xi32>,
      %swap3A_295 = vector.shape_cast %swap3A_294 : vector<1x16xi32> to vector<16xi32>
      %swap3A_296 = vector.shape_cast %or3A_291 : vector<16xi32> to vector<1x16xi32>
      tpu.vector_store %arg5[%swap3A_292, %swap3A_293], %swap3A_296 {strides = array<i32>} : memref<100x128xi32, #tpu.memory_space<vmem>>, vector<1x16xi32>,
      %get3A_297 = arith.index_cast %scan3A_120 : i32 to index
      %get3A_298 = arith.constant 112 : index
      %get3A_299 = tpu.vector_load %arg5[%get3A_297, %get3A_298] {strides = array<i32>} : memref<100x128xi32, #tpu.memory_space<vmem>>, vector<1x16xi32>,
      %get3A_300 = vector.shape_cast %get3A_299 : vector<1x16xi32> to vector<16xi32>
      %and3A_301 = arith.constant -32768 : i32
      %and3A_302 = vector.broadcast %and3A_301 : i32 to vector<16xi32>
      %and3A_303 = arith.andi %get3A_300, %and3A_302 : vector<16xi32>
      %and3A_304 = arith.constant 8191 : i32
      %and3A_305 = vector.broadcast %and3A_304 : i32 to vector<16xi32>
      %and3A_306 = arith.andi %get3A_300, %and3A_305 : vector<16xi32>
      %shift_left3A_307 = arith.constant 2 : i32
      %shift_left3A_308 = vector.broadcast %shift_left3A_307 : i32 to vector<16xi32>
      %shift_left3A_309 = arith.shli %and3A_306, %shift_left3A_308 : vector<16xi32>
      %or3A_310 = arith.ori %and3A_303, %shift_left3A_309 : vector<16xi32>
      %shift_right_arithmetic3A_311 = arith.constant 13 : i32
      %shift_right_arithmetic3A_312 = vector.broadcast %shift_right_arithmetic3A_311 : i32 to vector<16xi32>
      %shift_right_arithmetic3A_313 = arith.shrsi %get3A_300, %shift_right_arithmetic3A_312 : vector<16xi32>
      %and3A_314 = arith.constant 3 : i32
      %and3A_315 = vector.broadcast %and3A_314 : i32 to vector<16xi32>
      %and3A_316 = arith.andi %shift_right_arithmetic3A_313, %and3A_315 : vector<16xi32>
      %or3A_317 = arith.ori %or3A_310, %and3A_316 : vector<16xi32>
      %swap3A_318 = arith.index_cast %scan3A_120 : i32 to index
      %swap3A_319 = arith.constant 112 : index
      %swap3A_320 = tpu.vector_load %arg5[%swap3A_318, %swap3A_319] {strides = array<i32>} : memref<100x128xi32, #tpu.memory_space<vmem>>, vector<1x16xi32>,
      %swap3A_321 = vector.shape_cast %swap3A_320 : vector<1x16xi32> to vector<16xi32>
      %swap3A_322 = vector.shape_cast %or3A_317 : vector<16xi32> to vector<1x16xi32>
      tpu.vector_store %arg5[%swap3A_318, %swap3A_319], %swap3A_322 {strides = array<i32>} : memref<100x128xi32, #tpu.memory_space<vmem>>, vector<1x16xi32>,
    }
    %scan3A_11 = arith.constant 100 : i32
    %dma_start3A = arith.constant 0 : i32
    %dma_start3A_12 = arith.constant 0 : i32
    %dma_start3A_13 = arith.constant 0 : i32
    %dma_start3A_14 = tpu.memref_slice %arg6[%dma_start3A_12, %dma_start3A_13] : memref<1280x32xf32, #tpu.memory_space<vmem>> -> memref<128x32xf32, #tpu.memory_space<vmem>>
    %dma_start3A_15 = arith.constant 0 : i32
    %dma_start3A_16 = tpu.memref_slice %arg5[%dma_start3A, %dma_start3A_15] : memref<100x128xi32, #tpu.memory_space<vmem>> -> memref<1x128xi32, #tpu.memory_space<vmem>>
    %dma_start3A_17 = tpu.memref_squeeze %dma_start3A_16 : memref<1x128xi32, #tpu.memory_space<vmem>> -> memref<128xi32, #tpu.memory_space<vmem>>
    %dma_start3A_18 = arith.constant 0 : i32
    %dma_start3A_19 = arith.constant 0 : i32
    %dma_start3A_20 = tpu.memref_slice %arg3[%dma_start3A_18, %dma_start3A_19] : memref<1015808x32xf32, #tpu.memory_space<hbm>> -> memref<1015808x32xf32, #tpu.memory_space<hbm>>
    tpu.enqueue_indirect_dma source(%dma_start3A_20 : memref<1015808x32xf32, #tpu.memory_space<hbm>>) target(%dma_start3A_14 : memref<128x32xf32, #tpu.memory_space<vmem>>) offsets(%dma_start3A_17 : memref<128xi32, #tpu.memory_space<vmem>>) semaphore(%arg8 : memref<!tpu.dma_semaphore, #tpu.memory_space<semaphore_mem>>)
    %dma_start3A_21 = arith.constant 1 : i32
    %dma_start3A_22 = arith.constant 128 : i32
    %dma_start3A_23 = arith.constant 0 : i32
    %dma_start3A_24 = tpu.memref_slice %arg6[%dma_start3A_22, %dma_start3A_23] : memref<1280x32xf32, #tpu.memory_space<vmem>> -> memref<128x32xf32, #tpu.memory_space<vmem>>
    %dma_start3A_25 = arith.constant 0 : i32
    %dma_start3A_26 = tpu.memref_slice %arg5[%dma_start3A_21, %dma_start3A_25] : memref<100x128xi32, #tpu.memory_space<vmem>> -> memref<1x128xi32, #tpu.memory_space<vmem>>
    %dma_start3A_27 = tpu.memref_squeeze %dma_start3A_26 : memref<1x128xi32, #tpu.memory_space<vmem>> -> memref<128xi32, #tpu.memory_space<vmem>>
    %dma_start3A_28 = arith.constant 0 : i32
    %dma_start3A_29 = arith.constant 0 : i32
    %dma_start3A_30 = tpu.memref_slice %arg3[%dma_start3A_28, %dma_start3A_29] : memref<1015808x32xf32, #tpu.memory_space<hbm>> -> memref<1015808x32xf32, #tpu.memory_space<hbm>>
    tpu.enqueue_indirect_dma source(%dma_start3A_30 : memref<1015808x32xf32, #tpu.memory_space<hbm>>) target(%dma_start3A_24 : memref<128x32xf32, #tpu.memory_space<vmem>>) offsets(%dma_start3A_27 : memref<128xi32, #tpu.memory_space<vmem>>) semaphore(%arg8 : memref<!tpu.dma_semaphore, #tpu.memory_space<semaphore_mem>>)
    %dma_start3A_31 = arith.constant 2 : i32
    %dma_start3A_32 = arith.constant 256 : i32
    %dma_start3A_33 = arith.constant 0 : i32
    %dma_start3A_34 = tpu.memref_slice %arg6[%dma_start3A_32, %dma_start3A_33] : memref<1280x32xf32, #tpu.memory_space<vmem>> -> memref<128x32xf32, #tpu.memory_space<vmem>>
    %dma_start3A_35 = arith.constant 0 : i32
    %dma_start3A_36 = tpu.memref_slice %arg5[%dma_start3A_31, %dma_start3A_35] : memref<100x128xi32, #tpu.memory_space<vmem>> -> memref<1x128xi32, #tpu.memory_space<vmem>>
    %dma_start3A_37 = tpu.memref_squeeze %dma_start3A_36 : memref<1x128xi32, #tpu.memory_space<vmem>> -> memref<128xi32, #tpu.memory_space<vmem>>
    %dma_start3A_38 = arith.constant 0 : i32
    %dma_start3A_39 = arith.constant 0 : i32
    %dma_start3A_40 = tpu.memref_slice %arg3[%dma_start3A_38, %dma_start3A_39] : memref<1015808x32xf32, #tpu.memory_space<hbm>> -> memref<1015808x32xf32, #tpu.memory_space<hbm>>
    tpu.enqueue_indirect_dma source(%dma_start3A_40 : memref<1015808x32xf32, #tpu.memory_space<hbm>>) target(%dma_start3A_34 : memref<128x32xf32, #tpu.memory_space<vmem>>) offsets(%dma_start3A_37 : memref<128xi32, #tpu.memory_space<vmem>>) semaphore(%arg8 : memref<!tpu.dma_semaphore, #tpu.memory_space<semaphore_mem>>)
    %dma_start3A_41 = arith.constant 3 : i32
    %dma_start3A_42 = arith.constant 384 : i32
    %dma_start3A_43 = arith.constant 0 : i32
    %dma_start3A_44 = tpu.memref_slice %arg6[%dma_start3A_42, %dma_start3A_43] : memref<1280x32xf32, #tpu.memory_space<vmem>> -> memref<128x32xf32, #tpu.memory_space<vmem>>
    %dma_start3A_45 = arith.constant 0 : i32
    %dma_start3A_46 = tpu.memref_slice %arg5[%dma_start3A_41, %dma_start3A_45] : memref<100x128xi32, #tpu.memory_space<vmem>> -> memref<1x128xi32, #tpu.memory_space<vmem>>
    %dma_start3A_47 = tpu.memref_squeeze %dma_start3A_46 : memref<1x128xi32, #tpu.memory_space<vmem>> -> memref<128xi32, #tpu.memory_space<vmem>>
    %dma_start3A_48 = arith.constant 0 : i32
    %dma_start3A_49 = arith.constant 0 : i32
    %dma_start3A_50 = tpu.memref_slice %arg3[%dma_start3A_48, %dma_start3A_49] : memref<1015808x32xf32, #tpu.memory_space<hbm>> -> memref<1015808x32xf32, #tpu.memory_space<hbm>>
    tpu.enqueue_indirect_dma source(%dma_start3A_50 : memref<1015808x32xf32, #tpu.memory_space<hbm>>) target(%dma_start3A_44 : memref<128x32xf32, #tpu.memory_space<vmem>>) offsets(%dma_start3A_47 : memref<128xi32, #tpu.memory_space<vmem>>) semaphore(%arg8 : memref<!tpu.dma_semaphore, #tpu.memory_space<semaphore_mem>>)
    %dma_start3A_51 = arith.constant 4 : i32
    %dma_start3A_52 = arith.constant 512 : i32
    %dma_start3A_53 = arith.constant 0 : i32
    %dma_start3A_54 = tpu.memref_slice %arg6[%dma_start3A_52, %dma_start3A_53] : memref<1280x32xf32, #tpu.memory_space<vmem>> -> memref<128x32xf32, #tpu.memory_space<vmem>>
    %dma_start3A_55 = arith.constant 0 : i32
    %dma_start3A_56 = tpu.memref_slice %arg5[%dma_start3A_51, %dma_start3A_55] : memref<100x128xi32, #tpu.memory_space<vmem>> -> memref<1x128xi32, #tpu.memory_space<vmem>>
    %dma_start3A_57 = tpu.memref_squeeze %dma_start3A_56 : memref<1x128xi32, #tpu.memory_space<vmem>> -> memref<128xi32, #tpu.memory_space<vmem>>
    %dma_start3A_58 = arith.constant 0 : i32
    %dma_start3A_59 = arith.constant 0 : i32
    %dma_start3A_60 = tpu.memref_slice %arg3[%dma_start3A_58, %dma_start3A_59] : memref<1015808x32xf32, #tpu.memory_space<hbm>> -> memref<1015808x32xf32, #tpu.memory_space<hbm>>
    tpu.enqueue_indirect_dma source(%dma_start3A_60 : memref<1015808x32xf32, #tpu.memory_space<hbm>>) target(%dma_start3A_54 : memref<128x32xf32, #tpu.memory_space<vmem>>) offsets(%dma_start3A_57 : memref<128xi32, #tpu.memory_space<vmem>>) semaphore(%arg8 : memref<!tpu.dma_semaphore, #tpu.memory_space<semaphore_mem>>)
    %dma_start3A_61 = arith.constant 5 : i32
    %dma_start3A_62 = arith.constant 640 : i32
    %dma_start3A_63 = arith.constant 0 : i32
    %dma_start3A_64 = tpu.memref_slice %arg6[%dma_start3A_62, %dma_start3A_63] : memref<1280x32xf32, #tpu.memory_space<vmem>> -> memref<128x32xf32, #tpu.memory_space<vmem>>
    %dma_start3A_65 = arith.constant 0 : i32
    %dma_start3A_66 = tpu.memref_slice %arg5[%dma_start3A_61, %dma_start3A_65] : memref<100x128xi32, #tpu.memory_space<vmem>> -> memref<1x128xi32, #tpu.memory_space<vmem>>
    %dma_start3A_67 = tpu.memref_squeeze %dma_start3A_66 : memref<1x128xi32, #tpu.memory_space<vmem>> -> memref<128xi32, #tpu.memory_space<vmem>>
    %dma_start3A_68 = arith.constant 0 : i32
    %dma_start3A_69 = arith.constant 0 : i32
    %dma_start3A_70 = tpu.memref_slice %arg3[%dma_start3A_68, %dma_start3A_69] : memref<1015808x32xf32, #tpu.memory_space<hbm>> -> memref<1015808x32xf32, #tpu.memory_space<hbm>>
    tpu.enqueue_indirect_dma source(%dma_start3A_70 : memref<1015808x32xf32, #tpu.memory_space<hbm>>) target(%dma_start3A_64 : memref<128x32xf32, #tpu.memory_space<vmem>>) offsets(%dma_start3A_67 : memref<128xi32, #tpu.memory_space<vmem>>) semaphore(%arg8 : memref<!tpu.dma_semaphore, #tpu.memory_space<semaphore_mem>>)
    %dma_start3A_71 = arith.constant 6 : i32
    %dma_start3A_72 = arith.constant 768 : i32
    %dma_start3A_73 = arith.constant 0 : i32
    %dma_start3A_74 = tpu.memref_slice %arg6[%dma_start3A_72, %dma_start3A_73] : memref<1280x32xf32, #tpu.memory_space<vmem>> -> memref<128x32xf32, #tpu.memory_space<vmem>>
    %dma_start3A_75 = arith.constant 0 : i32
    %dma_start3A_76 = tpu.memref_slice %arg5[%dma_start3A_71, %dma_start3A_75] : memref<100x128xi32, #tpu.memory_space<vmem>> -> memref<1x128xi32, #tpu.memory_space<vmem>>
    %dma_start3A_77 = tpu.memref_squeeze %dma_start3A_76 : memref<1x128xi32, #tpu.memory_space<vmem>> -> memref<128xi32, #tpu.memory_space<vmem>>
    %dma_start3A_78 = arith.constant 0 : i32
    %dma_start3A_79 = arith.constant 0 : i32
    %dma_start3A_80 = tpu.memref_slice %arg3[%dma_start3A_78, %dma_start3A_79] : memref<1015808x32xf32, #tpu.memory_space<hbm>> -> memref<1015808x32xf32, #tpu.memory_space<hbm>>
    tpu.enqueue_indirect_dma source(%dma_start3A_80 : memref<1015808x32xf32, #tpu.memory_space<hbm>>) target(%dma_start3A_74 : memref<128x32xf32, #tpu.memory_space<vmem>>) offsets(%dma_start3A_77 : memref<128xi32, #tpu.memory_space<vmem>>) semaphore(%arg8 : memref<!tpu.dma_semaphore, #tpu.memory_space<semaphore_mem>>)
    %dma_start3A_81 = arith.constant 7 : i32
    %dma_start3A_82 = arith.constant 896 : i32
    %dma_start3A_83 = arith.constant 0 : i32
    %dma_start3A_84 = tpu.memref_slice %arg6[%dma_start3A_82, %dma_start3A_83] : memref<1280x32xf32, #tpu.memory_space<vmem>> -> memref<128x32xf32, #tpu.memory_space<vmem>>
    %dma_start3A_85 = arith.constant 0 : i32
    %dma_start3A_86 = tpu.memref_slice %arg5[%dma_start3A_81, %dma_start3A_85] : memref<100x128xi32, #tpu.memory_space<vmem>> -> memref<1x128xi32, #tpu.memory_space<vmem>>
    %dma_start3A_87 = tpu.memref_squeeze %dma_start3A_86 : memref<1x128xi32, #tpu.memory_space<vmem>> -> memref<128xi32, #tpu.memory_space<vmem>>
    %dma_start3A_88 = arith.constant 0 : i32
    %dma_start3A_89 = arith.constant 0 : i32
    %dma_start3A_90 = tpu.memref_slice %arg3[%dma_start3A_88, %dma_start3A_89] : memref<1015808x32xf32, #tpu.memory_space<hbm>> -> memref<1015808x32xf32, #tpu.memory_space<hbm>>
    tpu.enqueue_indirect_dma source(%dma_start3A_90 : memref<1015808x32xf32, #tpu.memory_space<hbm>>) target(%dma_start3A_84 : memref<128x32xf32, #tpu.memory_space<vmem>>) offsets(%dma_start3A_87 : memref<128xi32, #tpu.memory_space<vmem>>) semaphore(%arg8 : memref<!tpu.dma_semaphore, #tpu.memory_space<semaphore_mem>>)
    %dma_start3A_91 = arith.constant 8 : i32
    %dma_start3A_92 = arith.constant 1024 : i32
    %dma_start3A_93 = arith.constant 0 : i32
    %dma_start3A_94 = tpu.memref_slice %arg6[%dma_start3A_92, %dma_start3A_93] : memref<1280x32xf32, #tpu.memory_space<vmem>> -> memref<128x32xf32, #tpu.memory_space<vmem>>
    %dma_start3A_95 = arith.constant 0 : i32
    %dma_start3A_96 = tpu.memref_slice %arg5[%dma_start3A_91, %dma_start3A_95] : memref<100x128xi32, #tpu.memory_space<vmem>> -> memref<1x128xi32, #tpu.memory_space<vmem>>
    %dma_start3A_97 = tpu.memref_squeeze %dma_start3A_96 : memref<1x128xi32, #tpu.memory_space<vmem>> -> memref<128xi32, #tpu.memory_space<vmem>>
    %dma_start3A_98 = arith.constant 0 : i32
    %dma_start3A_99 = arith.constant 0 : i32
    %dma_start3A_100 = tpu.memref_slice %arg3[%dma_start3A_98, %dma_start3A_99] : memref<1015808x32xf32, #tpu.memory_space<hbm>> -> memref<1015808x32xf32, #tpu.memory_space<hbm>>
    tpu.enqueue_indirect_dma source(%dma_start3A_100 : memref<1015808x32xf32, #tpu.memory_space<hbm>>) target(%dma_start3A_94 : memref<128x32xf32, #tpu.memory_space<vmem>>) offsets(%dma_start3A_97 : memref<128xi32, #tpu.memory_space<vmem>>) semaphore(%arg8 : memref<!tpu.dma_semaphore, #tpu.memory_space<semaphore_mem>>)
    %dma_start3A_101 = arith.constant 9 : i32
    %dma_start3A_102 = arith.constant 1152 : i32
    %dma_start3A_103 = arith.constant 0 : i32
    %dma_start3A_104 = tpu.memref_slice %arg6[%dma_start3A_102, %dma_start3A_103] : memref<1280x32xf32, #tpu.memory_space<vmem>> -> memref<128x32xf32, #tpu.memory_space<vmem>>
    %dma_start3A_105 = arith.constant 0 : i32
    %dma_start3A_106 = tpu.memref_slice %arg5[%dma_start3A_101, %dma_start3A_105] : memref<100x128xi32, #tpu.memory_space<vmem>> -> memref<1x128xi32, #tpu.memory_space<vmem>>
    %dma_start3A_107 = tpu.memref_squeeze %dma_start3A_106 : memref<1x128xi32, #tpu.memory_space<vmem>> -> memref<128xi32, #tpu.memory_space<vmem>>
    %dma_start3A_108 = arith.constant 0 : i32
    %dma_start3A_109 = arith.constant 0 : i32
    %dma_start3A_110 = tpu.memref_slice %arg3[%dma_start3A_108, %dma_start3A_109] : memref<1015808x32xf32, #tpu.memory_space<hbm>> -> memref<1015808x32xf32, #tpu.memory_space<hbm>>
    tpu.enqueue_indirect_dma source(%dma_start3A_110 : memref<1015808x32xf32, #tpu.memory_space<hbm>>) target(%dma_start3A_104 : memref<128x32xf32, #tpu.memory_space<vmem>>) offsets(%dma_start3A_107 : memref<128xi32, #tpu.memory_space<vmem>>) semaphore(%arg8 : memref<!tpu.dma_semaphore, #tpu.memory_space<semaphore_mem>>)
    %scan3A_111 = arith.constant 0 : i32
    %scan3A_112 = arith.constant 0 : i32
    %scan3A_113 = arith.constant 5 : i32
    %scan3A_114 = arith.addi %scan3A_112, %scan3A_113 : i32
    %scan3A_115 = arith.constant 1 : i32
    scf.for %scan3A_120 = %scan3A_112 to %scan3A_114 step %scan3A_115  : i32 {
      %mul3A_121 = arith.constant 2 : i32
      %mul3A_122 = arith.muli %mul3A_121, %scan3A_120 : i32
      %add3A_123 = arith.constant 0 : i32
      %add3A_124 = arith.addi %mul3A_122, %add3A_123 : i32
      %ge3A = arith.constant 1 : i32
      %ge3A_125 = arith.cmpi sge, %add3A_124, %ge3A : i32
      %convert_element_type3A = arith.extui %ge3A_125 : i1 to i32
      %cond3A = arith.constant 0 : i32
      %cond3A_126 = arith.cmpi ne, %convert_element_type3A, %cond3A : i32
      scf.if %cond3A_126 {
        %dma_wait3A_363 = arith.constant 0 : i32
        %dma_wait3A_364 = tpu.memref_slice %arg4[%mul3A_2, %dma_wait3A_363] : memref<409600x32xf32, #tpu.memory_space<hbm>> -> memref<1280x32xf32, #tpu.memory_space<hbm>>
        %dma_wait3A_365 = arith.constant 0 : i32
        %dma_wait3A_366 = tpu.memref_slice %arg4[%mul3A_2, %dma_wait3A_365] : memref<409600x32xf32, #tpu.memory_space<hbm>> -> memref<1280x32xf32, #tpu.memory_space<hbm>>
        tpu.wait_dma2 semaphore(%arg11 : memref<!tpu.dma_semaphore, #tpu.memory_space<semaphore_mem>>) src(%arg7 : memref<1280x32xf32, #tpu.memory_space<vmem>>) dst(%dma_wait3A_366 : memref<1280x32xf32, #tpu.memory_space<hbm>>)
      } else {
      }
      %add3A_127 = arith.constant 1 : i32
      %add3A_128 = arith.addi %add3A_124, %add3A_127 : i32
      %lt3A = arith.constant 10 : i32
      %lt3A_129 = arith.cmpi slt, %add3A_128, %lt3A : i32
      %convert_element_type3A_130 = arith.extui %lt3A_129 : i1 to i32
      %cond3A_131 = arith.constant 0 : i32
      %cond3A_132 = arith.cmpi ne, %convert_element_type3A_130, %cond3A_131 : i32
      scf.if %cond3A_132 {
        %add3A_363 = arith.constant 1 : i32
        %add3A_364 = arith.addi %add3A_124, %add3A_363 : i32
        %mul3A_365 = arith.constant 10 : i32
        %mul3A_366 = arith.muli %add3A_364, %mul3A_365 : i32
        %add3A_367 = arith.constant 0 : i32
        %add3A_368 = arith.addi %mul3A_366, %add3A_367 : i32
        %dma_start3A_369 = arith.constant 0 : i32
        %dma_start3A_370 = arith.constant 0 : i32
        %dma_start3A_371 = tpu.memref_slice %arg7[%dma_start3A_369, %dma_start3A_370] : memref<1280x32xf32, #tpu.memory_space<vmem>> -> memref<128x32xf32, #tpu.memory_space<vmem>>
        %dma_start3A_372 = arith.constant 0 : i32
        %dma_start3A_373 = tpu.memref_slice %arg5[%add3A_368, %dma_start3A_372] : memref<100x128xi32, #tpu.memory_space<vmem>> -> memref<1x128xi32, #tpu.memory_space<vmem>>
        %dma_start3A_374 = tpu.memref_squeeze %dma_start3A_373 : memref<1x128xi32, #tpu.memory_space<vmem>> -> memref<128xi32, #tpu.memory_space<vmem>>
        %dma_start3A_375 = arith.constant 0 : i32
        %dma_start3A_376 = arith.constant 0 : i32
        %dma_start3A_377 = tpu.memref_slice %arg3[%dma_start3A_375, %dma_start3A_376] : memref<1015808x32xf32, #tpu.memory_space<hbm>> -> memref<1015808x32xf32, #tpu.memory_space<hbm>>
        tpu.enqueue_indirect_dma source(%dma_start3A_377 : memref<1015808x32xf32, #tpu.memory_space<hbm>>) target(%dma_start3A_371 : memref<128x32xf32, #tpu.memory_space<vmem>>) offsets(%dma_start3A_374 : memref<128xi32, #tpu.memory_space<vmem>>) semaphore(%arg9 : memref<!tpu.dma_semaphore, #tpu.memory_space<semaphore_mem>>)
        %mul3A_378 = arith.constant 10 : i32
        %mul3A_379 = arith.muli %add3A_364, %mul3A_378 : i32
        %add3A_380 = arith.constant 1 : i32
        %add3A_381 = arith.addi %mul3A_379, %add3A_380 : i32
        %dma_start3A_382 = arith.constant 128 : i32
        %dma_start3A_383 = arith.constant 0 : i32
        %dma_start3A_384 = tpu.memref_slice %arg7[%dma_start3A_382, %dma_start3A_383] : memref<1280x32xf32, #tpu.memory_space<vmem>> -> memref<128x32xf32, #tpu.memory_space<vmem>>
        %dma_start3A_385 = arith.constant 0 : i32
        %dma_start3A_386 = tpu.memref_slice %arg5[%add3A_381, %dma_start3A_385] : memref<100x128xi32, #tpu.memory_space<vmem>> -> memref<1x128xi32, #tpu.memory_space<vmem>>
        %dma_start3A_387 = tpu.memref_squeeze %dma_start3A_386 : memref<1x128xi32, #tpu.memory_space<vmem>> -> memref<128xi32, #tpu.memory_space<vmem>>
        %dma_start3A_388 = arith.constant 0 : i32
        %dma_start3A_389 = arith.constant 0 : i32
        %dma_start3A_390 = tpu.memref_slice %arg3[%dma_start3A_388, %dma_start3A_389] : memref<1015808x32xf32, #tpu.memory_space<hbm>> -> memref<1015808x32xf32, #tpu.memory_space<hbm>>
        tpu.enqueue_indirect_dma source(%dma_start3A_390 : memref<1015808x32xf32, #tpu.memory_space<hbm>>) target(%dma_start3A_384 : memref<128x32xf32, #tpu.memory_space<vmem>>) offsets(%dma_start3A_387 : memref<128xi32, #tpu.memory_space<vmem>>) semaphore(%arg9 : memref<!tpu.dma_semaphore, #tpu.memory_space<semaphore_mem>>)
        %mul3A_391 = arith.constant 10 : i32
        %mul3A_392 = arith.muli %add3A_364, %mul3A_391 : i32
        %add3A_393 = arith.constant 2 : i32
        %add3A_394 = arith.addi %mul3A_392, %add3A_393 : i32
        %dma_start3A_395 = arith.constant 256 : i32
        %dma_start3A_396 = arith.constant 0 : i32
        %dma_start3A_397 = tpu.memref_slice %arg7[%dma_start3A_395, %dma_start3A_396] : memref<1280x32xf32, #tpu.memory_space<vmem>> -> memref<128x32xf32, #tpu.memory_space<vmem>>
        %dma_start3A_398 = arith.constant 0 : i32
        %dma_start3A_399 = tpu.memref_slice %arg5[%add3A_394, %dma_start3A_398] : memref<100x128xi32, #tpu.memory_space<vmem>> -> memref<1x128xi32, #tpu.memory_space<vmem>>
        %dma_start3A_400 = tpu.memref_squeeze %dma_start3A_399 : memref<1x128xi32, #tpu.memory_space<vmem>> -> memref<128xi32, #tpu.memory_space<vmem>>
        %dma_start3A_401 = arith.constant 0 : i32
        %dma_start3A_402 = arith.constant 0 : i32
        %dma_start3A_403 = tpu.memref_slice %arg3[%dma_start3A_401, %dma_start3A_402] : memref<1015808x32xf32, #tpu.memory_space<hbm>> -> memref<1015808x32xf32, #tpu.memory_space<hbm>>
        tpu.enqueue_indirect_dma source(%dma_start3A_403 : memref<1015808x32xf32, #tpu.memory_space<hbm>>) target(%dma_start3A_397 : memref<128x32xf32, #tpu.memory_space<vmem>>) offsets(%dma_start3A_400 : memref<128xi32, #tpu.memory_space<vmem>>) semaphore(%arg9 : memref<!tpu.dma_semaphore, #tpu.memory_space<semaphore_mem>>)
        %mul3A_404 = arith.constant 10 : i32
        %mul3A_405 = arith.muli %add3A_364, %mul3A_404 : i32
        %add3A_406 = arith.constant 3 : i32
        %add3A_407 = arith.addi %mul3A_405, %add3A_406 : i32
        %dma_start3A_408 = arith.constant 384 : i32
        %dma_start3A_409 = arith.constant 0 : i32
        %dma_start3A_410 = tpu.memref_slice %arg7[%dma_start3A_408, %dma_start3A_409] : memref<1280x32xf32, #tpu.memory_space<vmem>> -> memref<128x32xf32, #tpu.memory_space<vmem>>
        %dma_start3A_411 = arith.constant 0 : i32
        %dma_start3A_412 = tpu.memref_slice %arg5[%add3A_407, %dma_start3A_411] : memref<100x128xi32, #tpu.memory_space<vmem>> -> memref<1x128xi32, #tpu.memory_space<vmem>>
        %dma_start3A_413 = tpu.memref_squeeze %dma_start3A_412 : memref<1x128xi32, #tpu.memory_space<vmem>> -> memref<128xi32, #tpu.memory_space<vmem>>
        %dma_start3A_414 = arith.constant 0 : i32
        %dma_start3A_415 = arith.constant 0 : i32
        %dma_start3A_416 = tpu.memref_slice %arg3[%dma_start3A_414, %dma_start3A_415] : memref<1015808x32xf32, #tpu.memory_space<hbm>> -> memref<1015808x32xf32, #tpu.memory_space<hbm>>
        tpu.enqueue_indirect_dma source(%dma_start3A_416 : memref<1015808x32xf32, #tpu.memory_space<hbm>>) target(%dma_start3A_410 : memref<128x32xf32, #tpu.memory_space<vmem>>) offsets(%dma_start3A_413 : memref<128xi32, #tpu.memory_space<vmem>>) semaphore(%arg9 : memref<!tpu.dma_semaphore, #tpu.memory_space<semaphore_mem>>)
        %mul3A_417 = arith.constant 10 : i32
        %mul3A_418 = arith.muli %add3A_364, %mul3A_417 : i32
        %add3A_419 = arith.constant 4 : i32
        %add3A_420 = arith.addi %mul3A_418, %add3A_419 : i32
        %dma_start3A_421 = arith.constant 512 : i32
        %dma_start3A_422 = arith.constant 0 : i32
        %dma_start3A_423 = tpu.memref_slice %arg7[%dma_start3A_421, %dma_start3A_422] : memref<1280x32xf32, #tpu.memory_space<vmem>> -> memref<128x32xf32, #tpu.memory_space<vmem>>
        %dma_start3A_424 = arith.constant 0 : i32
        %dma_start3A_425 = tpu.memref_slice %arg5[%add3A_420, %dma_start3A_424] : memref<100x128xi32, #tpu.memory_space<vmem>> -> memref<1x128xi32, #tpu.memory_space<vmem>>
        %dma_start3A_426 = tpu.memref_squeeze %dma_start3A_425 : memref<1x128xi32, #tpu.memory_space<vmem>> -> memref<128xi32, #tpu.memory_space<vmem>>
        %dma_start3A_427 = arith.constant 0 : i32
        %dma_start3A_428 = arith.constant 0 : i32
        %dma_start3A_429 = tpu.memref_slice %arg3[%dma_start3A_427, %dma_start3A_428] : memref<1015808x32xf32, #tpu.memory_space<hbm>> -> memref<1015808x32xf32, #tpu.memory_space<hbm>>
        tpu.enqueue_indirect_dma source(%dma_start3A_429 : memref<1015808x32xf32, #tpu.memory_space<hbm>>) target(%dma_start3A_423 : memref<128x32xf32, #tpu.memory_space<vmem>>) offsets(%dma_start3A_426 : memref<128xi32, #tpu.memory_space<vmem>>) semaphore(%arg9 : memref<!tpu.dma_semaphore, #tpu.memory_space<semaphore_mem>>)
        %mul3A_430 = arith.constant 10 : i32
        %mul3A_431 = arith.muli %add3A_364, %mul3A_430 : i32
        %add3A_432 = arith.constant 5 : i32
        %add3A_433 = arith.addi %mul3A_431, %add3A_432 : i32
        %dma_start3A_434 = arith.constant 640 : i32
        %dma_start3A_435 = arith.constant 0 : i32
        %dma_start3A_436 = tpu.memref_slice %arg7[%dma_start3A_434, %dma_start3A_435] : memref<1280x32xf32, #tpu.memory_space<vmem>> -> memref<128x32xf32, #tpu.memory_space<vmem>>
        %dma_start3A_437 = arith.constant 0 : i32
        %dma_start3A_438 = tpu.memref_slice %arg5[%add3A_433, %dma_start3A_437] : memref<100x128xi32, #tpu.memory_space<vmem>> -> memref<1x128xi32, #tpu.memory_space<vmem>>
        %dma_start3A_439 = tpu.memref_squeeze %dma_start3A_438 : memref<1x128xi32, #tpu.memory_space<vmem>> -> memref<128xi32, #tpu.memory_space<vmem>>
        %dma_start3A_440 = arith.constant 0 : i32
        %dma_start3A_441 = arith.constant 0 : i32
        %dma_start3A_442 = tpu.memref_slice %arg3[%dma_start3A_440, %dma_start3A_441] : memref<1015808x32xf32, #tpu.memory_space<hbm>> -> memref<1015808x32xf32, #tpu.memory_space<hbm>>
        tpu.enqueue_indirect_dma source(%dma_start3A_442 : memref<1015808x32xf32, #tpu.memory_space<hbm>>) target(%dma_start3A_436 : memref<128x32xf32, #tpu.memory_space<vmem>>) offsets(%dma_start3A_439 : memref<128xi32, #tpu.memory_space<vmem>>) semaphore(%arg9 : memref<!tpu.dma_semaphore, #tpu.memory_space<semaphore_mem>>)
        %mul3A_443 = arith.constant 10 : i32
        %mul3A_444 = arith.muli %add3A_364, %mul3A_443 : i32
        %add3A_445 = arith.constant 6 : i32
        %add3A_446 = arith.addi %mul3A_444, %add3A_445 : i32
        %dma_start3A_447 = arith.constant 768 : i32
        %dma_start3A_448 = arith.constant 0 : i32
        %dma_start3A_449 = tpu.memref_slice %arg7[%dma_start3A_447, %dma_start3A_448] : memref<1280x32xf32, #tpu.memory_space<vmem>> -> memref<128x32xf32, #tpu.memory_space<vmem>>
        %dma_start3A_450 = arith.constant 0 : i32
        %dma_start3A_451 = tpu.memref_slice %arg5[%add3A_446, %dma_start3A_450] : memref<100x128xi32, #tpu.memory_space<vmem>> -> memref<1x128xi32, #tpu.memory_space<vmem>>
        %dma_start3A_452 = tpu.memref_squeeze %dma_start3A_451 : memref<1x128xi32, #tpu.memory_space<vmem>> -> memref<128xi32, #tpu.memory_space<vmem>>
        %dma_start3A_453 = arith.constant 0 : i32
        %dma_start3A_454 = arith.constant 0 : i32
        %dma_start3A_455 = tpu.memref_slice %arg3[%dma_start3A_453, %dma_start3A_454] : memref<1015808x32xf32, #tpu.memory_space<hbm>> -> memref<1015808x32xf32, #tpu.memory_space<hbm>>
        tpu.enqueue_indirect_dma source(%dma_start3A_455 : memref<1015808x32xf32, #tpu.memory_space<hbm>>) target(%dma_start3A_449 : memref<128x32xf32, #tpu.memory_space<vmem>>) offsets(%dma_start3A_452 : memref<128xi32, #tpu.memory_space<vmem>>) semaphore(%arg9 : memref<!tpu.dma_semaphore, #tpu.memory_space<semaphore_mem>>)
        %mul3A_456 = arith.constant 10 : i32
        %mul3A_457 = arith.muli %add3A_364, %mul3A_456 : i32
        %add3A_458 = arith.constant 7 : i32
        %add3A_459 = arith.addi %mul3A_457, %add3A_458 : i32
        %dma_start3A_460 = arith.constant 896 : i32
        %dma_start3A_461 = arith.constant 0 : i32
        %dma_start3A_462 = tpu.memref_slice %arg7[%dma_start3A_460, %dma_start3A_461] : memref<1280x32xf32, #tpu.memory_space<vmem>> -> memref<128x32xf32, #tpu.memory_space<vmem>>
        %dma_start3A_463 = arith.constant 0 : i32
        %dma_start3A_464 = tpu.memref_slice %arg5[%add3A_459, %dma_start3A_463] : memref<100x128xi32, #tpu.memory_space<vmem>> -> memref<1x128xi32, #tpu.memory_space<vmem>>
        %dma_start3A_465 = tpu.memref_squeeze %dma_start3A_464 : memref<1x128xi32, #tpu.memory_space<vmem>> -> memref<128xi32, #tpu.memory_space<vmem>>
        %dma_start3A_466 = arith.constant 0 : i32
        %dma_start3A_467 = arith.constant 0 : i32
        %dma_start3A_468 = tpu.memref_slice %arg3[%dma_start3A_466, %dma_start3A_467] : memref<1015808x32xf32, #tpu.memory_space<hbm>> -> memref<1015808x32xf32, #tpu.memory_space<hbm>>
        tpu.enqueue_indirect_dma source(%dma_start3A_468 : memref<1015808x32xf32, #tpu.memory_space<hbm>>) target(%dma_start3A_462 : memref<128x32xf32, #tpu.memory_space<vmem>>) offsets(%dma_start3A_465 : memref<128xi32, #tpu.memory_space<vmem>>) semaphore(%arg9 : memref<!tpu.dma_semaphore, #tpu.memory_space<semaphore_mem>>)
        %mul3A_469 = arith.constant 10 : i32
        %mul3A_470 = arith.muli %add3A_364, %mul3A_469 : i32
        %add3A_471 = arith.constant 8 : i32
        %add3A_472 = arith.addi %mul3A_470, %add3A_471 : i32
        %dma_start3A_473 = arith.constant 1024 : i32
        %dma_start3A_474 = arith.constant 0 : i32
        %dma_start3A_475 = tpu.memref_slice %arg7[%dma_start3A_473, %dma_start3A_474] : memref<1280x32xf32, #tpu.memory_space<vmem>> -> memref<128x32xf32, #tpu.memory_space<vmem>>
        %dma_start3A_476 = arith.constant 0 : i32
        %dma_start3A_477 = tpu.memref_slice %arg5[%add3A_472, %dma_start3A_476] : memref<100x128xi32, #tpu.memory_space<vmem>> -> memref<1x128xi32, #tpu.memory_space<vmem>>
        %dma_start3A_478 = tpu.memref_squeeze %dma_start3A_477 : memref<1x128xi32, #tpu.memory_space<vmem>> -> memref<128xi32, #tpu.memory_space<vmem>>
        %dma_start3A_479 = arith.constant 0 : i32
        %dma_start3A_480 = arith.constant 0 : i32
        %dma_start3A_481 = tpu.memref_slice %arg3[%dma_start3A_479, %dma_start3A_480] : memref<1015808x32xf32, #tpu.memory_space<hbm>> -> memref<1015808x32xf32, #tpu.memory_space<hbm>>
        tpu.enqueue_indirect_dma source(%dma_start3A_481 : memref<1015808x32xf32, #tpu.memory_space<hbm>>) target(%dma_start3A_475 : memref<128x32xf32, #tpu.memory_space<vmem>>) offsets(%dma_start3A_478 : memref<128xi32, #tpu.memory_space<vmem>>) semaphore(%arg9 : memref<!tpu.dma_semaphore, #tpu.memory_space<semaphore_mem>>)
        %mul3A_482 = arith.constant 10 : i32
        %mul3A_483 = arith.muli %add3A_364, %mul3A_482 : i32
        %add3A_484 = arith.constant 9 : i32
        %add3A_485 = arith.addi %mul3A_483, %add3A_484 : i32
        %dma_start3A_486 = arith.constant 1152 : i32
        %dma_start3A_487 = arith.constant 0 : i32
        %dma_start3A_488 = tpu.memref_slice %arg7[%dma_start3A_486, %dma_start3A_487] : memref<1280x32xf32, #tpu.memory_space<vmem>> -> memref<128x32xf32, #tpu.memory_space<vmem>>
        %dma_start3A_489 = arith.constant 0 : i32
        %dma_start3A_490 = tpu.memref_slice %arg5[%add3A_485, %dma_start3A_489] : memref<100x128xi32, #tpu.memory_space<vmem>> -> memref<1x128xi32, #tpu.memory_space<vmem>>
        %dma_start3A_491 = tpu.memref_squeeze %dma_start3A_490 : memref<1x128xi32, #tpu.memory_space<vmem>> -> memref<128xi32, #tpu.memory_space<vmem>>
        %dma_start3A_492 = arith.constant 0 : i32
        %dma_start3A_493 = arith.constant 0 : i32
        %dma_start3A_494 = tpu.memref_slice %arg3[%dma_start3A_492, %dma_start3A_493] : memref<1015808x32xf32, #tpu.memory_space<hbm>> -> memref<1015808x32xf32, #tpu.memory_space<hbm>>
        tpu.enqueue_indirect_dma source(%dma_start3A_494 : memref<1015808x32xf32, #tpu.memory_space<hbm>>) target(%dma_start3A_488 : memref<128x32xf32, #tpu.memory_space<vmem>>) offsets(%dma_start3A_491 : memref<128xi32, #tpu.memory_space<vmem>>) semaphore(%arg9 : memref<!tpu.dma_semaphore, #tpu.memory_space<semaphore_mem>>)
      } else {
      }
      %dma_wait3A_133 = arith.constant 0 : i32
      %dma_wait3A_134 = arith.constant 0 : i32
      %dma_wait3A_135 = arith.constant 0 : i32
      %dma_wait3A_136 = tpu.memref_slice %arg6[%dma_wait3A_134, %dma_wait3A_135] : memref<1280x32xf32, #tpu.memory_space<vmem>> -> memref<128x32xf32, #tpu.memory_space<vmem>>
      %dma_wait3A_137 = arith.constant 0 : i32
      %dma_wait3A_138 = tpu.memref_slice %arg5[%dma_wait3A_133, %dma_wait3A_137] : memref<100x128xi32, #tpu.memory_space<vmem>> -> memref<1x128xi32, #tpu.memory_space<vmem>>
      %dma_wait3A_139 = tpu.memref_squeeze %dma_wait3A_138 : memref<1x128xi32, #tpu.memory_space<vmem>> -> memref<128xi32, #tpu.memory_space<vmem>>
      %dma_wait3A_140 = arith.constant 0 : i32
      %dma_wait3A_141 = arith.constant 0 : i32
      %dma_wait3A_142 = tpu.memref_slice %arg3[%dma_wait3A_140, %dma_wait3A_141] : memref<1015808x32xf32, #tpu.memory_space<hbm>> -> memref<1015808x32xf32, #tpu.memory_space<hbm>>
      tpu.wait_indirect_dma semaphore(%arg8 : memref<!tpu.dma_semaphore, #tpu.memory_space<semaphore_mem>>) src(%dma_wait3A_142 : memref<1015808x32xf32, #tpu.memory_space<hbm>>) dst(%dma_wait3A_136 : memref<128x32xf32, #tpu.memory_space<vmem>>)
      %dma_wait3A_143 = arith.constant 0 : i32
      %dma_wait3A_144 = arith.constant 128 : i32
      %dma_wait3A_145 = arith.constant 0 : i32
      %dma_wait3A_146 = tpu.memref_slice %arg6[%dma_wait3A_144, %dma_wait3A_145] : memref<1280x32xf32, #tpu.memory_space<vmem>> -> memref<128x32xf32, #tpu.memory_space<vmem>>
      %dma_wait3A_147 = arith.constant 0 : i32
      %dma_wait3A_148 = tpu.memref_slice %arg5[%dma_wait3A_143, %dma_wait3A_147] : memref<100x128xi32, #tpu.memory_space<vmem>> -> memref<1x128xi32, #tpu.memory_space<vmem>>
      %dma_wait3A_149 = tpu.memref_squeeze %dma_wait3A_148 : memref<1x128xi32, #tpu.memory_space<vmem>> -> memref<128xi32, #tpu.memory_space<vmem>>
      %dma_wait3A_150 = arith.constant 0 : i32
      %dma_wait3A_151 = arith.constant 0 : i32
      %dma_wait3A_152 = tpu.memref_slice %arg3[%dma_wait3A_150, %dma_wait3A_151] : memref<1015808x32xf32, #tpu.memory_space<hbm>> -> memref<1015808x32xf32, #tpu.memory_space<hbm>>
      tpu.wait_indirect_dma semaphore(%arg8 : memref<!tpu.dma_semaphore, #tpu.memory_space<semaphore_mem>>) src(%dma_wait3A_152 : memref<1015808x32xf32, #tpu.memory_space<hbm>>) dst(%dma_wait3A_146 : memref<128x32xf32, #tpu.memory_space<vmem>>)
      %dma_wait3A_153 = arith.constant 0 : i32
      %dma_wait3A_154 = arith.constant 256 : i32
      %dma_wait3A_155 = arith.constant 0 : i32
      %dma_wait3A_156 = tpu.memref_slice %arg6[%dma_wait3A_154, %dma_wait3A_155] : memref<1280x32xf32, #tpu.memory_space<vmem>> -> memref<128x32xf32, #tpu.memory_space<vmem>>
      %dma_wait3A_157 = arith.constant 0 : i32
      %dma_wait3A_158 = tpu.memref_slice %arg5[%dma_wait3A_153, %dma_wait3A_157] : memref<100x128xi32, #tpu.memory_space<vmem>> -> memref<1x128xi32, #tpu.memory_space<vmem>>
      %dma_wait3A_159 = tpu.memref_squeeze %dma_wait3A_158 : memref<1x128xi32, #tpu.memory_space<vmem>> -> memref<128xi32, #tpu.memory_space<vmem>>
      %dma_wait3A_160 = arith.constant 0 : i32
      %dma_wait3A_161 = arith.constant 0 : i32
      %dma_wait3A_162 = tpu.memref_slice %arg3[%dma_wait3A_160, %dma_wait3A_161] : memref<1015808x32xf32, #tpu.memory_space<hbm>> -> memref<1015808x32xf32, #tpu.memory_space<hbm>>
      tpu.wait_indirect_dma semaphore(%arg8 : memref<!tpu.dma_semaphore, #tpu.memory_space<semaphore_mem>>) src(%dma_wait3A_162 : memref<1015808x32xf32, #tpu.memory_space<hbm>>) dst(%dma_wait3A_156 : memref<128x32xf32, #tpu.memory_space<vmem>>)
      %dma_wait3A_163 = arith.constant 0 : i32
      %dma_wait3A_164 = arith.constant 384 : i32
      %dma_wait3A_165 = arith.constant 0 : i32
      %dma_wait3A_166 = tpu.memref_slice %arg6[%dma_wait3A_164, %dma_wait3A_165] : memref<1280x32xf32, #tpu.memory_space<vmem>> -> memref<128x32xf32, #tpu.memory_space<vmem>>
      %dma_wait3A_167 = arith.constant 0 : i32
      %dma_wait3A_168 = tpu.memref_slice %arg5[%dma_wait3A_163, %dma_wait3A_167] : memref<100x128xi32, #tpu.memory_space<vmem>> -> memref<1x128xi32, #tpu.memory_space<vmem>>
      %dma_wait3A_169 = tpu.memref_squeeze %dma_wait3A_168 : memref<1x128xi32, #tpu.memory_space<vmem>> -> memref<128xi32, #tpu.memory_space<vmem>>
      %dma_wait3A_170 = arith.constant 0 : i32
      %dma_wait3A_171 = arith.constant 0 : i32
      %dma_wait3A_172 = tpu.memref_slice %arg3[%dma_wait3A_170, %dma_wait3A_171] : memref<1015808x32xf32, #tpu.memory_space<hbm>> -> memref<1015808x32xf32, #tpu.memory_space<hbm>>
      tpu.wait_indirect_dma semaphore(%arg8 : memref<!tpu.dma_semaphore, #tpu.memory_space<semaphore_mem>>) src(%dma_wait3A_172 : memref<1015808x32xf32, #tpu.memory_space<hbm>>) dst(%dma_wait3A_166 : memref<128x32xf32, #tpu.memory_space<vmem>>)
      %dma_wait3A_173 = arith.constant 0 : i32
      %dma_wait3A_174 = arith.constant 512 : i32
      %dma_wait3A_175 = arith.constant 0 : i32
      %dma_wait3A_176 = tpu.memref_slice %arg6[%dma_wait3A_174, %dma_wait3A_175] : memref<1280x32xf32, #tpu.memory_space<vmem>> -> memref<128x32xf32, #tpu.memory_space<vmem>>
      %dma_wait3A_177 = arith.constant 0 : i32
      %dma_wait3A_178 = tpu.memref_slice %arg5[%dma_wait3A_173, %dma_wait3A_177] : memref<100x128xi32, #tpu.memory_space<vmem>> -> memref<1x128xi32, #tpu.memory_space<vmem>>
      %dma_wait3A_179 = tpu.memref_squeeze %dma_wait3A_178 : memref<1x128xi32, #tpu.memory_space<vmem>> -> memref<128xi32, #tpu.memory_space<vmem>>
      %dma_wait3A_180 = arith.constant 0 : i32
      %dma_wait3A_181 = arith.constant 0 : i32
      %dma_wait3A_182 = tpu.memref_slice %arg3[%dma_wait3A_180, %dma_wait3A_181] : memref<1015808x32xf32, #tpu.memory_space<hbm>> -> memref<1015808x32xf32, #tpu.memory_space<hbm>>
      tpu.wait_indirect_dma semaphore(%arg8 : memref<!tpu.dma_semaphore, #tpu.memory_space<semaphore_mem>>) src(%dma_wait3A_182 : memref<1015808x32xf32, #tpu.memory_space<hbm>>) dst(%dma_wait3A_176 : memref<128x32xf32, #tpu.memory_space<vmem>>)
      %dma_wait3A_183 = arith.constant 0 : i32
      %dma_wait3A_184 = arith.constant 640 : i32
      %dma_wait3A_185 = arith.constant 0 : i32
      %dma_wait3A_186 = tpu.memref_slice %arg6[%dma_wait3A_184, %dma_wait3A_185] : memref<1280x32xf32, #tpu.memory_space<vmem>> -> memref<128x32xf32, #tpu.memory_space<vmem>>
      %dma_wait3A_187 = arith.constant 0 : i32
      %dma_wait3A_188 = tpu.memref_slice %arg5[%dma_wait3A_183, %dma_wait3A_187] : memref<100x128xi32, #tpu.memory_space<vmem>> -> memref<1x128xi32, #tpu.memory_space<vmem>>
      %dma_wait3A_189 = tpu.memref_squeeze %dma_wait3A_188 : memref<1x128xi32, #tpu.memory_space<vmem>> -> memref<128xi32, #tpu.memory_space<vmem>>
      %dma_wait3A_190 = arith.constant 0 : i32
      %dma_wait3A_191 = arith.constant 0 : i32
      %dma_wait3A_192 = tpu.memref_slice %arg3[%dma_wait3A_190, %dma_wait3A_191] : memref<1015808x32xf32, #tpu.memory_space<hbm>> -> memref<1015808x32xf32, #tpu.memory_space<hbm>>
      tpu.wait_indirect_dma semaphore(%arg8 : memref<!tpu.dma_semaphore, #tpu.memory_space<semaphore_mem>>) src(%dma_wait3A_192 : memref<1015808x32xf32, #tpu.memory_space<hbm>>) dst(%dma_wait3A_186 : memref<128x32xf32, #tpu.memory_space<vmem>>)
      %dma_wait3A_193 = arith.constant 0 : i32
      %dma_wait3A_194 = arith.constant 768 : i32
      %dma_wait3A_195 = arith.constant 0 : i32
      %dma_wait3A_196 = tpu.memref_slice %arg6[%dma_wait3A_194, %dma_wait3A_195] : memref<1280x32xf32, #tpu.memory_space<vmem>> -> memref<128x32xf32, #tpu.memory_space<vmem>>
      %dma_wait3A_197 = arith.constant 0 : i32
      %dma_wait3A_198 = tpu.memref_slice %arg5[%dma_wait3A_193, %dma_wait3A_197] : memref<100x128xi32, #tpu.memory_space<vmem>> -> memref<1x128xi32, #tpu.memory_space<vmem>>
      %dma_wait3A_199 = tpu.memref_squeeze %dma_wait3A_198 : memref<1x128xi32, #tpu.memory_space<vmem>> -> memref<128xi32, #tpu.memory_space<vmem>>
      %dma_wait3A_200 = arith.constant 0 : i32
      %dma_wait3A_201 = arith.constant 0 : i32
      %dma_wait3A_202 = tpu.memref_slice %arg3[%dma_wait3A_200, %dma_wait3A_201] : memref<1015808x32xf32, #tpu.memory_space<hbm>> -> memref<1015808x32xf32, #tpu.memory_space<hbm>>
      tpu.wait_indirect_dma semaphore(%arg8 : memref<!tpu.dma_semaphore, #tpu.memory_space<semaphore_mem>>) src(%dma_wait3A_202 : memref<1015808x32xf32, #tpu.memory_space<hbm>>) dst(%dma_wait3A_196 : memref<128x32xf32, #tpu.memory_space<vmem>>)
      %dma_wait3A_203 = arith.constant 0 : i32
      %dma_wait3A_204 = arith.constant 896 : i32
      %dma_wait3A_205 = arith.constant 0 : i32
      %dma_wait3A_206 = tpu.memref_slice %arg6[%dma_wait3A_204, %dma_wait3A_205] : memref<1280x32xf32, #tpu.memory_space<vmem>> -> memref<128x32xf32, #tpu.memory_space<vmem>>
      %dma_wait3A_207 = arith.constant 0 : i32
      %dma_wait3A_208 = tpu.memref_slice %arg5[%dma_wait3A_203, %dma_wait3A_207] : memref<100x128xi32, #tpu.memory_space<vmem>> -> memref<1x128xi32, #tpu.memory_space<vmem>>
      %dma_wait3A_209 = tpu.memref_squeeze %dma_wait3A_208 : memref<1x128xi32, #tpu.memory_space<vmem>> -> memref<128xi32, #tpu.memory_space<vmem>>
      %dma_wait3A_210 = arith.constant 0 : i32
      %dma_wait3A_211 = arith.constant 0 : i32
      %dma_wait3A_212 = tpu.memref_slice %arg3[%dma_wait3A_210, %dma_wait3A_211] : memref<1015808x32xf32, #tpu.memory_space<hbm>> -> memref<1015808x32xf32, #tpu.memory_space<hbm>>
      tpu.wait_indirect_dma semaphore(%arg8 : memref<!tpu.dma_semaphore, #tpu.memory_space<semaphore_mem>>) src(%dma_wait3A_212 : memref<1015808x32xf32, #tpu.memory_space<hbm>>) dst(%dma_wait3A_206 : memref<128x32xf32, #tpu.memory_space<vmem>>)
      %dma_wait3A_213 = arith.constant 0 : i32
      %dma_wait3A_214 = arith.constant 1024 : i32
      %dma_wait3A_215 = arith.constant 0 : i32
      %dma_wait3A_216 = tpu.memref_slice %arg6[%dma_wait3A_214, %dma_wait3A_215] : memref<1280x32xf32, #tpu.memory_space<vmem>> -> memref<128x32xf32, #tpu.memory_space<vmem>>
      %dma_wait3A_217 = arith.constant 0 : i32
      %dma_wait3A_218 = tpu.memref_slice %arg5[%dma_wait3A_213, %dma_wait3A_217] : memref<100x128xi32, #tpu.memory_space<vmem>> -> memref<1x128xi32, #tpu.memory_space<vmem>>
      %dma_wait3A_219 = tpu.memref_squeeze %dma_wait3A_218 : memref<1x128xi32, #tpu.memory_space<vmem>> -> memref<128xi32, #tpu.memory_space<vmem>>
      %dma_wait3A_220 = arith.constant 0 : i32
      %dma_wait3A_221 = arith.constant 0 : i32
      %dma_wait3A_222 = tpu.memref_slice %arg3[%dma_wait3A_220, %dma_wait3A_221] : memref<1015808x32xf32, #tpu.memory_space<hbm>> -> memref<1015808x32xf32, #tpu.memory_space<hbm>>
      tpu.wait_indirect_dma semaphore(%arg8 : memref<!tpu.dma_semaphore, #tpu.memory_space<semaphore_mem>>) src(%dma_wait3A_222 : memref<1015808x32xf32, #tpu.memory_space<hbm>>) dst(%dma_wait3A_216 : memref<128x32xf32, #tpu.memory_space<vmem>>)
      %dma_wait3A_223 = arith.constant 0 : i32
      %dma_wait3A_224 = arith.constant 1152 : i32
      %dma_wait3A_225 = arith.constant 0 : i32
      %dma_wait3A_226 = tpu.memref_slice %arg6[%dma_wait3A_224, %dma_wait3A_225] : memref<1280x32xf32, #tpu.memory_space<vmem>> -> memref<128x32xf32, #tpu.memory_space<vmem>>
      %dma_wait3A_227 = arith.constant 0 : i32
      %dma_wait3A_228 = tpu.memref_slice %arg5[%dma_wait3A_223, %dma_wait3A_227] : memref<100x128xi32, #tpu.memory_space<vmem>> -> memref<1x128xi32, #tpu.memory_space<vmem>>
      %dma_wait3A_229 = tpu.memref_squeeze %dma_wait3A_228 : memref<1x128xi32, #tpu.memory_space<vmem>> -> memref<128xi32, #tpu.memory_space<vmem>>
      %dma_wait3A_230 = arith.constant 0 : i32
      %dma_wait3A_231 = arith.constant 0 : i32
      %dma_wait3A_232 = tpu.memref_slice %arg3[%dma_wait3A_230, %dma_wait3A_231] : memref<1015808x32xf32, #tpu.memory_space<hbm>> -> memref<1015808x32xf32, #tpu.memory_space<hbm>>
      tpu.wait_indirect_dma semaphore(%arg8 : memref<!tpu.dma_semaphore, #tpu.memory_space<semaphore_mem>>) src(%dma_wait3A_232 : memref<1015808x32xf32, #tpu.memory_space<hbm>>) dst(%dma_wait3A_226 : memref<128x32xf32, #tpu.memory_space<vmem>>)
      %mul3A_233 = arith.constant 1280 : i32
      %mul3A_234 = arith.muli %add3A_124, %mul3A_233 : i32
      %add3A_235 = arith.addi %mul3A_2, %mul3A_234 : i32
      %dma_start3A_236 = arith.constant 0 : i32
      %dma_start3A_237 = tpu.memref_slice %arg4[%add3A_235, %dma_start3A_236] : memref<409600x32xf32, #tpu.memory_space<hbm>> -> memref<1280x32xf32, #tpu.memory_space<hbm>>
      %dma_start3A_238 = arith.constant 0 : i32
      %dma_start3A_239 = tpu.memref_slice %arg4[%add3A_235, %dma_start3A_238] : memref<409600x32xf32, #tpu.memory_space<hbm>> -> memref<1280x32xf32, #tpu.memory_space<hbm>>
      tpu.enqueue_dma source(%arg6 : memref<1280x32xf32, #tpu.memory_space<vmem>>) target(%dma_start3A_239 : memref<1280x32xf32, #tpu.memory_space<hbm>>) target_semaphore(%arg10 : memref<!tpu.dma_semaphore, #tpu.memory_space<semaphore_mem>>)
      %mul3A_240 = arith.constant 2 : i32
      %mul3A_241 = arith.muli %mul3A_240, %scan3A_120 : i32
      %add3A_242 = arith.constant 1 : i32
      %add3A_243 = arith.addi %mul3A_241, %add3A_242 : i32
      %ge3A_244 = arith.constant 1 : i32
      %ge3A_245 = arith.cmpi sge, %add3A_243, %ge3A_244 : i32
      %convert_element_type3A_246 = arith.extui %ge3A_245 : i1 to i32
      %cond3A_247 = arith.constant 0 : i32
      %cond3A_248 = arith.cmpi ne, %convert_element_type3A_246, %cond3A_247 : i32
      scf.if %cond3A_248 {
        %dma_wait3A_363 = arith.constant 0 : i32
        %dma_wait3A_364 = tpu.memref_slice %arg4[%mul3A_2, %dma_wait3A_363] : memref<409600x32xf32, #tpu.memory_space<hbm>> -> memref<1280x32xf32, #tpu.memory_space<hbm>>
        %dma_wait3A_365 = arith.constant 0 : i32
        %dma_wait3A_366 = tpu.memref_slice %arg4[%mul3A_2, %dma_wait3A_365] : memref<409600x32xf32, #tpu.memory_space<hbm>> -> memref<1280x32xf32, #tpu.memory_space<hbm>>
        tpu.wait_dma2 semaphore(%arg10 : memref<!tpu.dma_semaphore, #tpu.memory_space<semaphore_mem>>) src(%arg6 : memref<1280x32xf32, #tpu.memory_space<vmem>>) dst(%dma_wait3A_366 : memref<1280x32xf32, #tpu.memory_space<hbm>>)
      } else {
      }
      %add3A_249 = arith.constant 1 : i32
      %add3A_250 = arith.addi %add3A_243, %add3A_249 : i32
      %lt3A_251 = arith.constant 10 : i32
      %lt3A_252 = arith.cmpi slt, %add3A_250, %lt3A_251 : i32
      %convert_element_type3A_253 = arith.extui %lt3A_252 : i1 to i32
      %cond3A_254 = arith.constant 0 : i32
      %cond3A_255 = arith.cmpi ne, %convert_element_type3A_253, %cond3A_254 : i32
      scf.if %cond3A_255 {
        %add3A_363 = arith.constant 1 : i32
        %add3A_364 = arith.addi %add3A_243, %add3A_363 : i32
        %mul3A_365 = arith.constant 10 : i32
        %mul3A_366 = arith.muli %add3A_364, %mul3A_365 : i32
        %add3A_367 = arith.constant 0 : i32
        %add3A_368 = arith.addi %mul3A_366, %add3A_367 : i32
        %dma_start3A_369 = arith.constant 0 : i32
        %dma_start3A_370 = arith.constant 0 : i32
        %dma_start3A_371 = tpu.memref_slice %arg6[%dma_start3A_369, %dma_start3A_370] : memref<1280x32xf32, #tpu.memory_space<vmem>> -> memref<128x32xf32, #tpu.memory_space<vmem>>
        %dma_start3A_372 = arith.constant 0 : i32
        %dma_start3A_373 = tpu.memref_slice %arg5[%add3A_368, %dma_start3A_372] : memref<100x128xi32, #tpu.memory_space<vmem>> -> memref<1x128xi32, #tpu.memory_space<vmem>>
        %dma_start3A_374 = tpu.memref_squeeze %dma_start3A_373 : memref<1x128xi32, #tpu.memory_space<vmem>> -> memref<128xi32, #tpu.memory_space<vmem>>
        %dma_start3A_375 = arith.constant 0 : i32
        %dma_start3A_376 = arith.constant 0 : i32
        %dma_start3A_377 = tpu.memref_slice %arg3[%dma_start3A_375, %dma_start3A_376] : memref<1015808x32xf32, #tpu.memory_space<hbm>> -> memref<1015808x32xf32, #tpu.memory_space<hbm>>
        tpu.enqueue_indirect_dma source(%dma_start3A_377 : memref<1015808x32xf32, #tpu.memory_space<hbm>>) target(%dma_start3A_371 : memref<128x32xf32, #tpu.memory_space<vmem>>) offsets(%dma_start3A_374 : memref<128xi32, #tpu.memory_space<vmem>>) semaphore(%arg8 : memref<!tpu.dma_semaphore, #tpu.memory_space<semaphore_mem>>)
        %mul3A_378 = arith.constant 10 : i32
        %mul3A_379 = arith.muli %add3A_364, %mul3A_378 : i32
        %add3A_380 = arith.constant 1 : i32
        %add3A_381 = arith.addi %mul3A_379, %add3A_380 : i32
        %dma_start3A_382 = arith.constant 128 : i32
        %dma_start3A_383 = arith.constant 0 : i32
        %dma_start3A_384 = tpu.memref_slice %arg6[%dma_start3A_382, %dma_start3A_383] : memref<1280x32xf32, #tpu.memory_space<vmem>> -> memref<128x32xf32, #tpu.memory_space<vmem>>
        %dma_start3A_385 = arith.constant 0 : i32
        %dma_start3A_386 = tpu.memref_slice %arg5[%add3A_381, %dma_start3A_385] : memref<100x128xi32, #tpu.memory_space<vmem>> -> memref<1x128xi32, #tpu.memory_space<vmem>>
        %dma_start3A_387 = tpu.memref_squeeze %dma_start3A_386 : memref<1x128xi32, #tpu.memory_space<vmem>> -> memref<128xi32, #tpu.memory_space<vmem>>
        %dma_start3A_388 = arith.constant 0 : i32
        %dma_start3A_389 = arith.constant 0 : i32
        %dma_start3A_390 = tpu.memref_slice %arg3[%dma_start3A_388, %dma_start3A_389] : memref<1015808x32xf32, #tpu.memory_space<hbm>> -> memref<1015808x32xf32, #tpu.memory_space<hbm>>
        tpu.enqueue_indirect_dma source(%dma_start3A_390 : memref<1015808x32xf32, #tpu.memory_space<hbm>>) target(%dma_start3A_384 : memref<128x32xf32, #tpu.memory_space<vmem>>) offsets(%dma_start3A_387 : memref<128xi32, #tpu.memory_space<vmem>>) semaphore(%arg8 : memref<!tpu.dma_semaphore, #tpu.memory_space<semaphore_mem>>)
        %mul3A_391 = arith.constant 10 : i32
        %mul3A_392 = arith.muli %add3A_364, %mul3A_391 : i32
        %add3A_393 = arith.constant 2 : i32
        %add3A_394 = arith.addi %mul3A_392, %add3A_393 : i32
        %dma_start3A_395 = arith.constant 256 : i32
        %dma_start3A_396 = arith.constant 0 : i32
        %dma_start3A_397 = tpu.memref_slice %arg6[%dma_start3A_395, %dma_start3A_396] : memref<1280x32xf32, #tpu.memory_space<vmem>> -> memref<128x32xf32, #tpu.memory_space<vmem>>
        %dma_start3A_398 = arith.constant 0 : i32
        %dma_start3A_399 = tpu.memref_slice %arg5[%add3A_394, %dma_start3A_398] : memref<100x128xi32, #tpu.memory_space<vmem>> -> memref<1x128xi32, #tpu.memory_space<vmem>>
        %dma_start3A_400 = tpu.memref_squeeze %dma_start3A_399 : memref<1x128xi32, #tpu.memory_space<vmem>> -> memref<128xi32, #tpu.memory_space<vmem>>
        %dma_start3A_401 = arith.constant 0 : i32
        %dma_start3A_402 = arith.constant 0 : i32
        %dma_start3A_403 = tpu.memref_slice %arg3[%dma_start3A_401, %dma_start3A_402] : memref<1015808x32xf32, #tpu.memory_space<hbm>> -> memref<1015808x32xf32, #tpu.memory_space<hbm>>
        tpu.enqueue_indirect_dma source(%dma_start3A_403 : memref<1015808x32xf32, #tpu.memory_space<hbm>>) target(%dma_start3A_397 : memref<128x32xf32, #tpu.memory_space<vmem>>) offsets(%dma_start3A_400 : memref<128xi32, #tpu.memory_space<vmem>>) semaphore(%arg8 : memref<!tpu.dma_semaphore, #tpu.memory_space<semaphore_mem>>)
        %mul3A_404 = arith.constant 10 : i32
        %mul3A_405 = arith.muli %add3A_364, %mul3A_404 : i32
        %add3A_406 = arith.constant 3 : i32
        %add3A_407 = arith.addi %mul3A_405, %add3A_406 : i32
        %dma_start3A_408 = arith.constant 384 : i32
        %dma_start3A_409 = arith.constant 0 : i32
        %dma_start3A_410 = tpu.memref_slice %arg6[%dma_start3A_408, %dma_start3A_409] : memref<1280x32xf32, #tpu.memory_space<vmem>> -> memref<128x32xf32, #tpu.memory_space<vmem>>
        %dma_start3A_411 = arith.constant 0 : i32
        %dma_start3A_412 = tpu.memref_slice %arg5[%add3A_407, %dma_start3A_411] : memref<100x128xi32, #tpu.memory_space<vmem>> -> memref<1x128xi32, #tpu.memory_space<vmem>>
        %dma_start3A_413 = tpu.memref_squeeze %dma_start3A_412 : memref<1x128xi32, #tpu.memory_space<vmem>> -> memref<128xi32, #tpu.memory_space<vmem>>
        %dma_start3A_414 = arith.constant 0 : i32
        %dma_start3A_415 = arith.constant 0 : i32
        %dma_start3A_416 = tpu.memref_slice %arg3[%dma_start3A_414, %dma_start3A_415] : memref<1015808x32xf32, #tpu.memory_space<hbm>> -> memref<1015808x32xf32, #tpu.memory_space<hbm>>
        tpu.enqueue_indirect_dma source(%dma_start3A_416 : memref<1015808x32xf32, #tpu.memory_space<hbm>>) target(%dma_start3A_410 : memref<128x32xf32, #tpu.memory_space<vmem>>) offsets(%dma_start3A_413 : memref<128xi32, #tpu.memory_space<vmem>>) semaphore(%arg8 : memref<!tpu.dma_semaphore, #tpu.memory_space<semaphore_mem>>)
        %mul3A_417 = arith.constant 10 : i32
        %mul3A_418 = arith.muli %add3A_364, %mul3A_417 : i32
        %add3A_419 = arith.constant 4 : i32
        %add3A_420 = arith.addi %mul3A_418, %add3A_419 : i32
        %dma_start3A_421 = arith.constant 512 : i32
        %dma_start3A_422 = arith.constant 0 : i32
        %dma_start3A_423 = tpu.memref_slice %arg6[%dma_start3A_421, %dma_start3A_422] : memref<1280x32xf32, #tpu.memory_space<vmem>> -> memref<128x32xf32, #tpu.memory_space<vmem>>
        %dma_start3A_424 = arith.constant 0 : i32
        %dma_start3A_425 = tpu.memref_slice %arg5[%add3A_420, %dma_start3A_424] : memref<100x128xi32, #tpu.memory_space<vmem>> -> memref<1x128xi32, #tpu.memory_space<vmem>>
        %dma_start3A_426 = tpu.memref_squeeze %dma_start3A_425 : memref<1x128xi32, #tpu.memory_space<vmem>> -> memref<128xi32, #tpu.memory_space<vmem>>
        %dma_start3A_427 = arith.constant 0 : i32
        %dma_start3A_428 = arith.constant 0 : i32
        %dma_start3A_429 = tpu.memref_slice %arg3[%dma_start3A_427, %dma_start3A_428] : memref<1015808x32xf32, #tpu.memory_space<hbm>> -> memref<1015808x32xf32, #tpu.memory_space<hbm>>
        tpu.enqueue_indirect_dma source(%dma_start3A_429 : memref<1015808x32xf32, #tpu.memory_space<hbm>>) target(%dma_start3A_423 : memref<128x32xf32, #tpu.memory_space<vmem>>) offsets(%dma_start3A_426 : memref<128xi32, #tpu.memory_space<vmem>>) semaphore(%arg8 : memref<!tpu.dma_semaphore, #tpu.memory_space<semaphore_mem>>)
        %mul3A_430 = arith.constant 10 : i32
        %mul3A_431 = arith.muli %add3A_364, %mul3A_430 : i32
        %add3A_432 = arith.constant 5 : i32
        %add3A_433 = arith.addi %mul3A_431, %add3A_432 : i32
        %dma_start3A_434 = arith.constant 640 : i32
        %dma_start3A_435 = arith.constant 0 : i32
        %dma_start3A_436 = tpu.memref_slice %arg6[%dma_start3A_434, %dma_start3A_435] : memref<1280x32xf32, #tpu.memory_space<vmem>> -> memref<128x32xf32, #tpu.memory_space<vmem>>
        %dma_start3A_437 = arith.constant 0 : i32
        %dma_start3A_438 = tpu.memref_slice %arg5[%add3A_433, %dma_start3A_437] : memref<100x128xi32, #tpu.memory_space<vmem>> -> memref<1x128xi32, #tpu.memory_space<vmem>>
        %dma_start3A_439 = tpu.memref_squeeze %dma_start3A_438 : memref<1x128xi32, #tpu.memory_space<vmem>> -> memref<128xi32, #tpu.memory_space<vmem>>
        %dma_start3A_440 = arith.constant 0 : i32
        %dma_start3A_441 = arith.constant 0 : i32
        %dma_start3A_442 = tpu.memref_slice %arg3[%dma_start3A_440, %dma_start3A_441] : memref<1015808x32xf32, #tpu.memory_space<hbm>> -> memref<1015808x32xf32, #tpu.memory_space<hbm>>
        tpu.enqueue_indirect_dma source(%dma_start3A_442 : memref<1015808x32xf32, #tpu.memory_space<hbm>>) target(%dma_start3A_436 : memref<128x32xf32, #tpu.memory_space<vmem>>) offsets(%dma_start3A_439 : memref<128xi32, #tpu.memory_space<vmem>>) semaphore(%arg8 : memref<!tpu.dma_semaphore, #tpu.memory_space<semaphore_mem>>)
        %mul3A_443 = arith.constant 10 : i32
        %mul3A_444 = arith.muli %add3A_364, %mul3A_443 : i32
        %add3A_445 = arith.constant 6 : i32
        %add3A_446 = arith.addi %mul3A_444, %add3A_445 : i32
        %dma_start3A_447 = arith.constant 768 : i32
        %dma_start3A_448 = arith.constant 0 : i32
        %dma_start3A_449 = tpu.memref_slice %arg6[%dma_start3A_447, %dma_start3A_448] : memref<1280x32xf32, #tpu.memory_space<vmem>> -> memref<128x32xf32, #tpu.memory_space<vmem>>
        %dma_start3A_450 = arith.constant 0 : i32
        %dma_start3A_451 = tpu.memref_slice %arg5[%add3A_446, %dma_start3A_450] : memref<100x128xi32, #tpu.memory_space<vmem>> -> memref<1x128xi32, #tpu.memory_space<vmem>>
        %dma_start3A_452 = tpu.memref_squeeze %dma_start3A_451 : memref<1x128xi32, #tpu.memory_space<vmem>> -> memref<128xi32, #tpu.memory_space<vmem>>
        %dma_start3A_453 = arith.constant 0 : i32
        %dma_start3A_454 = arith.constant 0 : i32
        %dma_start3A_455 = tpu.memref_slice %arg3[%dma_start3A_453, %dma_start3A_454] : memref<1015808x32xf32, #tpu.memory_space<hbm>> -> memref<1015808x32xf32, #tpu.memory_space<hbm>>
        tpu.enqueue_indirect_dma source(%dma_start3A_455 : memref<1015808x32xf32, #tpu.memory_space<hbm>>) target(%dma_start3A_449 : memref<128x32xf32, #tpu.memory_space<vmem>>) offsets(%dma_start3A_452 : memref<128xi32, #tpu.memory_space<vmem>>) semaphore(%arg8 : memref<!tpu.dma_semaphore, #tpu.memory_space<semaphore_mem>>)
        %mul3A_456 = arith.constant 10 : i32
        %mul3A_457 = arith.muli %add3A_364, %mul3A_456 : i32
        %add3A_458 = arith.constant 7 : i32
        %add3A_459 = arith.addi %mul3A_457, %add3A_458 : i32
        %dma_start3A_460 = arith.constant 896 : i32
        %dma_start3A_461 = arith.constant 0 : i32
        %dma_start3A_462 = tpu.memref_slice %arg6[%dma_start3A_460, %dma_start3A_461] : memref<1280x32xf32, #tpu.memory_space<vmem>> -> memref<128x32xf32, #tpu.memory_space<vmem>>
        %dma_start3A_463 = arith.constant 0 : i32
        %dma_start3A_464 = tpu.memref_slice %arg5[%add3A_459, %dma_start3A_463] : memref<100x128xi32, #tpu.memory_space<vmem>> -> memref<1x128xi32, #tpu.memory_space<vmem>>
        %dma_start3A_465 = tpu.memref_squeeze %dma_start3A_464 : memref<1x128xi32, #tpu.memory_space<vmem>> -> memref<128xi32, #tpu.memory_space<vmem>>
        %dma_start3A_466 = arith.constant 0 : i32
        %dma_start3A_467 = arith.constant 0 : i32
        %dma_start3A_468 = tpu.memref_slice %arg3[%dma_start3A_466, %dma_start3A_467] : memref<1015808x32xf32, #tpu.memory_space<hbm>> -> memref<1015808x32xf32, #tpu.memory_space<hbm>>
        tpu.enqueue_indirect_dma source(%dma_start3A_468 : memref<1015808x32xf32, #tpu.memory_space<hbm>>) target(%dma_start3A_462 : memref<128x32xf32, #tpu.memory_space<vmem>>) offsets(%dma_start3A_465 : memref<128xi32, #tpu.memory_space<vmem>>) semaphore(%arg8 : memref<!tpu.dma_semaphore, #tpu.memory_space<semaphore_mem>>)
        %mul3A_469 = arith.constant 10 : i32
        %mul3A_470 = arith.muli %add3A_364, %mul3A_469 : i32
        %add3A_471 = arith.constant 8 : i32
        %add3A_472 = arith.addi %mul3A_470, %add3A_471 : i32
        %dma_start3A_473 = arith.constant 1024 : i32
        %dma_start3A_474 = arith.constant 0 : i32
        %dma_start3A_475 = tpu.memref_slice %arg6[%dma_start3A_473, %dma_start3A_474] : memref<1280x32xf32, #tpu.memory_space<vmem>> -> memref<128x32xf32, #tpu.memory_space<vmem>>
        %dma_start3A_476 = arith.constant 0 : i32
        %dma_start3A_477 = tpu.memref_slice %arg5[%add3A_472, %dma_start3A_476] : memref<100x128xi32, #tpu.memory_space<vmem>> -> memref<1x128xi32, #tpu.memory_space<vmem>>
        %dma_start3A_478 = tpu.memref_squeeze %dma_start3A_477 : memref<1x128xi32, #tpu.memory_space<vmem>> -> memref<128xi32, #tpu.memory_space<vmem>>
        %dma_start3A_479 = arith.constant 0 : i32
        %dma_start3A_480 = arith.constant 0 : i32
        %dma_start3A_481 = tpu.memref_slice %arg3[%dma_start3A_479, %dma_start3A_480] : memref<1015808x32xf32, #tpu.memory_space<hbm>> -> memref<1015808x32xf32, #tpu.memory_space<hbm>>
        tpu.enqueue_indirect_dma source(%dma_start3A_481 : memref<1015808x32xf32, #tpu.memory_space<hbm>>) target(%dma_start3A_475 : memref<128x32xf32, #tpu.memory_space<vmem>>) offsets(%dma_start3A_478 : memref<128xi32, #tpu.memory_space<vmem>>) semaphore(%arg8 : memref<!tpu.dma_semaphore, #tpu.memory_space<semaphore_mem>>)
        %mul3A_482 = arith.constant 10 : i32
        %mul3A_483 = arith.muli %add3A_364, %mul3A_482 : i32
        %add3A_484 = arith.constant 9 : i32
        %add3A_485 = arith.addi %mul3A_483, %add3A_484 : i32
        %dma_start3A_486 = arith.constant 1152 : i32
        %dma_start3A_487 = arith.constant 0 : i32
        %dma_start3A_488 = tpu.memref_slice %arg6[%dma_start3A_486, %dma_start3A_487] : memref<1280x32xf32, #tpu.memory_space<vmem>> -> memref<128x32xf32, #tpu.memory_space<vmem>>
        %dma_start3A_489 = arith.constant 0 : i32
        %dma_start3A_490 = tpu.memref_slice %arg5[%add3A_485, %dma_start3A_489] : memref<100x128xi32, #tpu.memory_space<vmem>> -> memref<1x128xi32, #tpu.memory_space<vmem>>
        %dma_start3A_491 = tpu.memref_squeeze %dma_start3A_490 : memref<1x128xi32, #tpu.memory_space<vmem>> -> memref<128xi32, #tpu.memory_space<vmem>>
        %dma_start3A_492 = arith.constant 0 : i32
        %dma_start3A_493 = arith.constant 0 : i32
        %dma_start3A_494 = tpu.memref_slice %arg3[%dma_start3A_492, %dma_start3A_493] : memref<1015808x32xf32, #tpu.memory_space<hbm>> -> memref<1015808x32xf32, #tpu.memory_space<hbm>>
        tpu.enqueue_indirect_dma source(%dma_start3A_494 : memref<1015808x32xf32, #tpu.memory_space<hbm>>) target(%dma_start3A_488 : memref<128x32xf32, #tpu.memory_space<vmem>>) offsets(%dma_start3A_491 : memref<128xi32, #tpu.memory_space<vmem>>) semaphore(%arg8 : memref<!tpu.dma_semaphore, #tpu.memory_space<semaphore_mem>>)
      } else {
      }
      %dma_wait3A_256 = arith.constant 0 : i32
      %dma_wait3A_257 = arith.constant 0 : i32
      %dma_wait3A_258 = arith.constant 0 : i32
      %dma_wait3A_259 = tpu.memref_slice %arg7[%dma_wait3A_257, %dma_wait3A_258] : memref<1280x32xf32, #tpu.memory_space<vmem>> -> memref<128x32xf32, #tpu.memory_space<vmem>>
      %dma_wait3A_260 = arith.constant 0 : i32
      %dma_wait3A_261 = tpu.memref_slice %arg5[%dma_wait3A_256, %dma_wait3A_260] : memref<100x128xi32, #tpu.memory_space<vmem>> -> memref<1x128xi32, #tpu.memory_space<vmem>>
      %dma_wait3A_262 = tpu.memref_squeeze %dma_wait3A_261 : memref<1x128xi32, #tpu.memory_space<vmem>> -> memref<128xi32, #tpu.memory_space<vmem>>
      %dma_wait3A_263 = arith.constant 0 : i32
      %dma_wait3A_264 = arith.constant 0 : i32
      %dma_wait3A_265 = tpu.memref_slice %arg3[%dma_wait3A_263, %dma_wait3A_264] : memref<1015808x32xf32, #tpu.memory_space<hbm>> -> memref<1015808x32xf32, #tpu.memory_space<hbm>>
      tpu.wait_indirect_dma semaphore(%arg9 : memref<!tpu.dma_semaphore, #tpu.memory_space<semaphore_mem>>) src(%dma_wait3A_265 : memref<1015808x32xf32, #tpu.memory_space<hbm>>) dst(%dma_wait3A_259 : memref<128x32xf32, #tpu.memory_space<vmem>>)
      %dma_wait3A_266 = arith.constant 0 : i32
      %dma_wait3A_267 = arith.constant 128 : i32
      %dma_wait3A_268 = arith.constant 0 : i32
      %dma_wait3A_269 = tpu.memref_slice %arg7[%dma_wait3A_267, %dma_wait3A_268] : memref<1280x32xf32, #tpu.memory_space<vmem>> -> memref<128x32xf32, #tpu.memory_space<vmem>>
      %dma_wait3A_270 = arith.constant 0 : i32
      %dma_wait3A_271 = tpu.memref_slice %arg5[%dma_wait3A_266, %dma_wait3A_270] : memref<100x128xi32, #tpu.memory_space<vmem>> -> memref<1x128xi32, #tpu.memory_space<vmem>>
      %dma_wait3A_272 = tpu.memref_squeeze %dma_wait3A_271 : memref<1x128xi32, #tpu.memory_space<vmem>> -> memref<128xi32, #tpu.memory_space<vmem>>
      %dma_wait3A_273 = arith.constant 0 : i32
      %dma_wait3A_274 = arith.constant 0 : i32
      %dma_wait3A_275 = tpu.memref_slice %arg3[%dma_wait3A_273, %dma_wait3A_274] : memref<1015808x32xf32, #tpu.memory_space<hbm>> -> memref<1015808x32xf32, #tpu.memory_space<hbm>>
      tpu.wait_indirect_dma semaphore(%arg9 : memref<!tpu.dma_semaphore, #tpu.memory_space<semaphore_mem>>) src(%dma_wait3A_275 : memref<1015808x32xf32, #tpu.memory_space<hbm>>) dst(%dma_wait3A_269 : memref<128x32xf32, #tpu.memory_space<vmem>>)
      %dma_wait3A_276 = arith.constant 0 : i32
      %dma_wait3A_277 = arith.constant 256 : i32
      %dma_wait3A_278 = arith.constant 0 : i32
      %dma_wait3A_279 = tpu.memref_slice %arg7[%dma_wait3A_277, %dma_wait3A_278] : memref<1280x32xf32, #tpu.memory_space<vmem>> -> memref<128x32xf32, #tpu.memory_space<vmem>>
      %dma_wait3A_280 = arith.constant 0 : i32
      %dma_wait3A_281 = tpu.memref_slice %arg5[%dma_wait3A_276, %dma_wait3A_280] : memref<100x128xi32, #tpu.memory_space<vmem>> -> memref<1x128xi32, #tpu.memory_space<vmem>>
      %dma_wait3A_282 = tpu.memref_squeeze %dma_wait3A_281 : memref<1x128xi32, #tpu.memory_space<vmem>> -> memref<128xi32, #tpu.memory_space<vmem>>
      %dma_wait3A_283 = arith.constant 0 : i32
      %dma_wait3A_284 = arith.constant 0 : i32
      %dma_wait3A_285 = tpu.memref_slice %arg3[%dma_wait3A_283, %dma_wait3A_284] : memref<1015808x32xf32, #tpu.memory_space<hbm>> -> memref<1015808x32xf32, #tpu.memory_space<hbm>>
      tpu.wait_indirect_dma semaphore(%arg9 : memref<!tpu.dma_semaphore, #tpu.memory_space<semaphore_mem>>) src(%dma_wait3A_285 : memref<1015808x32xf32, #tpu.memory_space<hbm>>) dst(%dma_wait3A_279 : memref<128x32xf32, #tpu.memory_space<vmem>>)
      %dma_wait3A_286 = arith.constant 0 : i32
      %dma_wait3A_287 = arith.constant 384 : i32
      %dma_wait3A_288 = arith.constant 0 : i32
      %dma_wait3A_289 = tpu.memref_slice %arg7[%dma_wait3A_287, %dma_wait3A_288] : memref<1280x32xf32, #tpu.memory_space<vmem>> -> memref<128x32xf32, #tpu.memory_space<vmem>>
      %dma_wait3A_290 = arith.constant 0 : i32
      %dma_wait3A_291 = tpu.memref_slice %arg5[%dma_wait3A_286, %dma_wait3A_290] : memref<100x128xi32, #tpu.memory_space<vmem>> -> memref<1x128xi32, #tpu.memory_space<vmem>>
      %dma_wait3A_292 = tpu.memref_squeeze %dma_wait3A_291 : memref<1x128xi32, #tpu.memory_space<vmem>> -> memref<128xi32, #tpu.memory_space<vmem>>
      %dma_wait3A_293 = arith.constant 0 : i32
      %dma_wait3A_294 = arith.constant 0 : i32
      %dma_wait3A_295 = tpu.memref_slice %arg3[%dma_wait3A_293, %dma_wait3A_294] : memref<1015808x32xf32, #tpu.memory_space<hbm>> -> memref<1015808x32xf32, #tpu.memory_space<hbm>>
      tpu.wait_indirect_dma semaphore(%arg9 : memref<!tpu.dma_semaphore, #tpu.memory_space<semaphore_mem>>) src(%dma_wait3A_295 : memref<1015808x32xf32, #tpu.memory_space<hbm>>) dst(%dma_wait3A_289 : memref<128x32xf32, #tpu.memory_space<vmem>>)
      %dma_wait3A_296 = arith.constant 0 : i32
      %dma_wait3A_297 = arith.constant 512 : i32
      %dma_wait3A_298 = arith.constant 0 : i32
      %dma_wait3A_299 = tpu.memref_slice %arg7[%dma_wait3A_297, %dma_wait3A_298] : memref<1280x32xf32, #tpu.memory_space<vmem>> -> memref<128x32xf32, #tpu.memory_space<vmem>>
      %dma_wait3A_300 = arith.constant 0 : i32
      %dma_wait3A_301 = tpu.memref_slice %arg5[%dma_wait3A_296, %dma_wait3A_300] : memref<100x128xi32, #tpu.memory_space<vmem>> -> memref<1x128xi32, #tpu.memory_space<vmem>>
      %dma_wait3A_302 = tpu.memref_squeeze %dma_wait3A_301 : memref<1x128xi32, #tpu.memory_space<vmem>> -> memref<128xi32, #tpu.memory_space<vmem>>
      %dma_wait3A_303 = arith.constant 0 : i32
      %dma_wait3A_304 = arith.constant 0 : i32
      %dma_wait3A_305 = tpu.memref_slice %arg3[%dma_wait3A_303, %dma_wait3A_304] : memref<1015808x32xf32, #tpu.memory_space<hbm>> -> memref<1015808x32xf32, #tpu.memory_space<hbm>>
      tpu.wait_indirect_dma semaphore(%arg9 : memref<!tpu.dma_semaphore, #tpu.memory_space<semaphore_mem>>) src(%dma_wait3A_305 : memref<1015808x32xf32, #tpu.memory_space<hbm>>) dst(%dma_wait3A_299 : memref<128x32xf32, #tpu.memory_space<vmem>>)
      %dma_wait3A_306 = arith.constant 0 : i32
      %dma_wait3A_307 = arith.constant 640 : i32
      %dma_wait3A_308 = arith.constant 0 : i32
      %dma_wait3A_309 = tpu.memref_slice %arg7[%dma_wait3A_307, %dma_wait3A_308] : memref<1280x32xf32, #tpu.memory_space<vmem>> -> memref<128x32xf32, #tpu.memory_space<vmem>>
      %dma_wait3A_310 = arith.constant 0 : i32
      %dma_wait3A_311 = tpu.memref_slice %arg5[%dma_wait3A_306, %dma_wait3A_310] : memref<100x128xi32, #tpu.memory_space<vmem>> -> memref<1x128xi32, #tpu.memory_space<vmem>>
      %dma_wait3A_312 = tpu.memref_squeeze %dma_wait3A_311 : memref<1x128xi32, #tpu.memory_space<vmem>> -> memref<128xi32, #tpu.memory_space<vmem>>
      %dma_wait3A_313 = arith.constant 0 : i32
      %dma_wait3A_314 = arith.constant 0 : i32
      %dma_wait3A_315 = tpu.memref_slice %arg3[%dma_wait3A_313, %dma_wait3A_314] : memref<1015808x32xf32, #tpu.memory_space<hbm>> -> memref<1015808x32xf32, #tpu.memory_space<hbm>>
      tpu.wait_indirect_dma semaphore(%arg9 : memref<!tpu.dma_semaphore, #tpu.memory_space<semaphore_mem>>) src(%dma_wait3A_315 : memref<1015808x32xf32, #tpu.memory_space<hbm>>) dst(%dma_wait3A_309 : memref<128x32xf32, #tpu.memory_space<vmem>>)
      %dma_wait3A_316 = arith.constant 0 : i32
      %dma_wait3A_317 = arith.constant 768 : i32
      %dma_wait3A_318 = arith.constant 0 : i32
      %dma_wait3A_319 = tpu.memref_slice %arg7[%dma_wait3A_317, %dma_wait3A_318] : memref<1280x32xf32, #tpu.memory_space<vmem>> -> memref<128x32xf32, #tpu.memory_space<vmem>>
      %dma_wait3A_320 = arith.constant 0 : i32
      %dma_wait3A_321 = tpu.memref_slice %arg5[%dma_wait3A_316, %dma_wait3A_320] : memref<100x128xi32, #tpu.memory_space<vmem>> -> memref<1x128xi32, #tpu.memory_space<vmem>>
      %dma_wait3A_322 = tpu.memref_squeeze %dma_wait3A_321 : memref<1x128xi32, #tpu.memory_space<vmem>> -> memref<128xi32, #tpu.memory_space<vmem>>
      %dma_wait3A_323 = arith.constant 0 : i32
      %dma_wait3A_324 = arith.constant 0 : i32
      %dma_wait3A_325 = tpu.memref_slice %arg3[%dma_wait3A_323, %dma_wait3A_324] : memref<1015808x32xf32, #tpu.memory_space<hbm>> -> memref<1015808x32xf32, #tpu.memory_space<hbm>>
      tpu.wait_indirect_dma semaphore(%arg9 : memref<!tpu.dma_semaphore, #tpu.memory_space<semaphore_mem>>) src(%dma_wait3A_325 : memref<1015808x32xf32, #tpu.memory_space<hbm>>) dst(%dma_wait3A_319 : memref<128x32xf32, #tpu.memory_space<vmem>>)
      %dma_wait3A_326 = arith.constant 0 : i32
      %dma_wait3A_327 = arith.constant 896 : i32
      %dma_wait3A_328 = arith.constant 0 : i32
      %dma_wait3A_329 = tpu.memref_slice %arg7[%dma_wait3A_327, %dma_wait3A_328] : memref<1280x32xf32, #tpu.memory_space<vmem>> -> memref<128x32xf32, #tpu.memory_space<vmem>>
      %dma_wait3A_330 = arith.constant 0 : i32
      %dma_wait3A_331 = tpu.memref_slice %arg5[%dma_wait3A_326, %dma_wait3A_330] : memref<100x128xi32, #tpu.memory_space<vmem>> -> memref<1x128xi32, #tpu.memory_space<vmem>>
      %dma_wait3A_332 = tpu.memref_squeeze %dma_wait3A_331 : memref<1x128xi32, #tpu.memory_space<vmem>> -> memref<128xi32, #tpu.memory_space<vmem>>
      %dma_wait3A_333 = arith.constant 0 : i32
      %dma_wait3A_334 = arith.constant 0 : i32
      %dma_wait3A_335 = tpu.memref_slice %arg3[%dma_wait3A_333, %dma_wait3A_334] : memref<1015808x32xf32, #tpu.memory_space<hbm>> -> memref<1015808x32xf32, #tpu.memory_space<hbm>>
      tpu.wait_indirect_dma semaphore(%arg9 : memref<!tpu.dma_semaphore, #tpu.memory_space<semaphore_mem>>) src(%dma_wait3A_335 : memref<1015808x32xf32, #tpu.memory_space<hbm>>) dst(%dma_wait3A_329 : memref<128x32xf32, #tpu.memory_space<vmem>>)
      %dma_wait3A_336 = arith.constant 0 : i32
      %dma_wait3A_337 = arith.constant 1024 : i32
      %dma_wait3A_338 = arith.constant 0 : i32
      %dma_wait3A_339 = tpu.memref_slice %arg7[%dma_wait3A_337, %dma_wait3A_338] : memref<1280x32xf32, #tpu.memory_space<vmem>> -> memref<128x32xf32, #tpu.memory_space<vmem>>
      %dma_wait3A_340 = arith.constant 0 : i32
      %dma_wait3A_341 = tpu.memref_slice %arg5[%dma_wait3A_336, %dma_wait3A_340] : memref<100x128xi32, #tpu.memory_space<vmem>> -> memref<1x128xi32, #tpu.memory_space<vmem>>
      %dma_wait3A_342 = tpu.memref_squeeze %dma_wait3A_341 : memref<1x128xi32, #tpu.memory_space<vmem>> -> memref<128xi32, #tpu.memory_space<vmem>>
      %dma_wait3A_343 = arith.constant 0 : i32
      %dma_wait3A_344 = arith.constant 0 : i32
      %dma_wait3A_345 = tpu.memref_slice %arg3[%dma_wait3A_343, %dma_wait3A_344] : memref<1015808x32xf32, #tpu.memory_space<hbm>> -> memref<1015808x32xf32, #tpu.memory_space<hbm>>
      tpu.wait_indirect_dma semaphore(%arg9 : memref<!tpu.dma_semaphore, #tpu.memory_space<semaphore_mem>>) src(%dma_wait3A_345 : memref<1015808x32xf32, #tpu.memory_space<hbm>>) dst(%dma_wait3A_339 : memref<128x32xf32, #tpu.memory_space<vmem>>)
      %dma_wait3A_346 = arith.constant 0 : i32
      %dma_wait3A_347 = arith.constant 1152 : i32
      %dma_wait3A_348 = arith.constant 0 : i32
      %dma_wait3A_349 = tpu.memref_slice %arg7[%dma_wait3A_347, %dma_wait3A_348] : memref<1280x32xf32, #tpu.memory_space<vmem>> -> memref<128x32xf32, #tpu.memory_space<vmem>>
      %dma_wait3A_350 = arith.constant 0 : i32
      %dma_wait3A_351 = tpu.memref_slice %arg5[%dma_wait3A_346, %dma_wait3A_350] : memref<100x128xi32, #tpu.memory_space<vmem>> -> memref<1x128xi32, #tpu.memory_space<vmem>>
      %dma_wait3A_352 = tpu.memref_squeeze %dma_wait3A_351 : memref<1x128xi32, #tpu.memory_space<vmem>> -> memref<128xi32, #tpu.memory_space<vmem>>
      %dma_wait3A_353 = arith.constant 0 : i32
      %dma_wait3A_354 = arith.constant 0 : i32
      %dma_wait3A_355 = tpu.memref_slice %arg3[%dma_wait3A_353, %dma_wait3A_354] : memref<1015808x32xf32, #tpu.memory_space<hbm>> -> memref<1015808x32xf32, #tpu.memory_space<hbm>>
      tpu.wait_indirect_dma semaphore(%arg9 : memref<!tpu.dma_semaphore, #tpu.memory_space<semaphore_mem>>) src(%dma_wait3A_355 : memref<1015808x32xf32, #tpu.memory_space<hbm>>) dst(%dma_wait3A_349 : memref<128x32xf32, #tpu.memory_space<vmem>>)
      %mul3A_356 = arith.constant 1280 : i32
      %mul3A_357 = arith.muli %add3A_243, %mul3A_356 : i32
      %add3A_358 = arith.addi %mul3A_2, %mul3A_357 : i32
      %dma_start3A_359 = arith.constant 0 : i32
      %dma_start3A_360 = tpu.memref_slice %arg4[%add3A_358, %dma_start3A_359] : memref<409600x32xf32, #tpu.memory_space<hbm>> -> memref<1280x32xf32, #tpu.memory_space<hbm>>
      %dma_start3A_361 = arith.constant 0 : i32
      %dma_start3A_362 = tpu.memref_slice %arg4[%add3A_358, %dma_start3A_361] : memref<409600x32xf32, #tpu.memory_space<hbm>> -> memref<1280x32xf32, #tpu.memory_space<hbm>>
      tpu.enqueue_dma source(%arg7 : memref<1280x32xf32, #tpu.memory_space<vmem>>) target(%dma_start3A_362 : memref<1280x32xf32, #tpu.memory_space<hbm>>) target_semaphore(%arg11 : memref<!tpu.dma_semaphore, #tpu.memory_space<semaphore_mem>>)
    }
    %scan3A_116 = arith.constant 5 : i32
    %dma_wait3A = arith.constant 0 : i32
    %dma_wait3A_117 = tpu.memref_slice %arg4[%mul3A_2, %dma_wait3A] : memref<409600x32xf32, #tpu.memory_space<hbm>> -> memref<1280x32xf32, #tpu.memory_space<hbm>>
    %dma_wait3A_118 = arith.constant 0 : i32
    %dma_wait3A_119 = tpu.memref_slice %arg4[%mul3A_2, %dma_wait3A_118] : memref<409600x32xf32, #tpu.memory_space<hbm>> -> memref<1280x32xf32, #tpu.memory_space<hbm>>
    tpu.wait_dma2 semaphore(%arg11 : memref<!tpu.dma_semaphore, #tpu.memory_space<semaphore_mem>>) src(%arg7 : memref<1280x32xf32, #tpu.memory_space<vmem>>) dst(%dma_wait3A_119 : memref<1280x32xf32, #tpu.memory_space<hbm>>)
    return
  }
}

#map = affine_map<(d0, d1) -> (0, 0)>
module attributes {stable_mosaic.version = 14 : i64} {
  func.func @body(%arg0: i32, %arg1: i32, %arg2: memref<6400x128xi32, #tpu.memory_space<hbm>>, %arg3: memref<1015808x32xf32, #tpu.memory_space<hbm>>, %arg4: memref<409600x32xf32, #tpu.memory_space<hbm>>, %arg5: memref<100x128xi32, #tpu.memory_space<vmem>>, %arg6: memref<1280x32xf32, #tpu.memory_space<vmem>>, %arg7: memref<1280x32xf32, #tpu.memory_space<vmem>>, %arg8: memref<!tpu.dma_semaphore, #tpu.memory_space<semaphore_mem>>, %arg9: memref<!tpu.dma_semaphore, #tpu.memory_space<semaphore_mem>>, %arg10: memref<!tpu.dma_semaphore, #tpu.memory_space<semaphore_mem>>, %arg11: memref<!tpu.dma_semaphore, #tpu.memory_space<semaphore_mem>>) attributes {dimension_semantics = [#tpu.dimension_semantics<core_parallel>, #tpu.dimension_semantics<subcore_parallel>], iteration_bounds = array<i64: 2, 16>, scalar_prefetch = 0 : i64, scratch_operands = 7 : i64, tpu.core_type = #tpu.core_type<sc_vector_subcore>, window_params = [{transform_indices = #map}, {transform_indices = #map}, {transform_indices = #map}]} {
    %mul3A = arith.constant 2 : i32
    %mul3A_0 = arith.muli %arg1, %mul3A : i32
    %add3A = arith.addi %mul3A_0, %arg0 : i32
    %mul3A_1 = arith.constant 12800 : i32
    %mul3A_2 = arith.muli %add3A, %mul3A_1 : i32
    %mul3A_3 = arith.constant 100 : i32
    %mul3A_4 = arith.muli %add3A, %mul3A_3 : i32
    %add3A_5 = arith.constant 3200 : i32
    %add3A_6 = arith.addi %add3A_5, %mul3A_4 : i32
    "tpu.region"() ({
      %run_scoped3A = tpu.sem_alloc : memref<!tpu.dma_semaphore, #tpu.memory_space<semaphore_mem>>
      %dma_start3A_120 = arith.constant 0 : i32
      %dma_start3A_121 = tpu.memref_slice %arg2[%add3A_6, %dma_start3A_120] : memref<6400x128xi32, #tpu.memory_space<hbm>> -> memref<100x128xi32, #tpu.memory_space<hbm>>
      %dma_start3A_122 = arith.constant 0 : i32
      %dma_start3A_123 = tpu.memref_slice %arg2[%add3A_6, %dma_start3A_122] : memref<6400x128xi32, #tpu.memory_space<hbm>> -> memref<100x128xi32, #tpu.memory_space<hbm>>
      tpu.enqueue_dma source(%dma_start3A_123 : memref<100x128xi32, #tpu.memory_space<hbm>>) target(%arg5 : memref<100x128xi32, #tpu.memory_space<vmem>>) target_semaphore(%run_scoped3A : memref<!tpu.dma_semaphore, #tpu.memory_space<semaphore_mem>>)
      %dma_wait3A_124 = arith.constant 0 : i32
      %dma_wait3A_125 = tpu.memref_slice %arg2[%add3A_6, %dma_wait3A_124] : memref<6400x128xi32, #tpu.memory_space<hbm>> -> memref<100x128xi32, #tpu.memory_space<hbm>>
      %dma_wait3A_126 = arith.constant 0 : i32
      %dma_wait3A_127 = tpu.memref_slice %arg2[%add3A_6, %dma_wait3A_126] : memref<6400x128xi32, #tpu.memory_space<hbm>> -> memref<100x128xi32, #tpu.memory_space<hbm>>
      tpu.wait_dma2 semaphore(%run_scoped3A : memref<!tpu.dma_semaphore, #tpu.memory_space<semaphore_mem>>) src(%dma_wait3A_127 : memref<100x128xi32, #tpu.memory_space<hbm>>) dst(%arg5 : memref<100x128xi32, #tpu.memory_space<vmem>>)
      tpu.yield
    }) : () -> ()
    %scan3A = arith.constant 0 : i32
    %scan3A_7 = arith.constant 0 : i32
    %scan3A_8 = arith.constant 100 : i32
    %scan3A_9 = arith.addi %scan3A_7, %scan3A_8 : i32
    %scan3A_10 = arith.constant 1 : i32
    scf.for %scan3A_120 = %scan3A_7 to %scan3A_9 step %scan3A_10  : i32 {
      %get3A = arith.index_cast %scan3A_120 : i32 to index
      %get3A_121 = arith.constant 0 : index
      %get3A_122 = tpu.vector_load %arg5[%get3A, %get3A_121] {strides = array<i32>} : memref<100x128xi32, #tpu.memory_space<vmem>>, vector<1x16xi32>,
      %get3A_123 = vector.shape_cast %get3A_122 : vector<1x16xi32> to vector<16xi32>
      %and3A = arith.constant -32768 : i32
      %and3A_124 = vector.broadcast %and3A : i32 to vector<16xi32>
      %and3A_125 = arith.andi %get3A_123, %and3A_124 : vector<16xi32>
      %and3A_126 = arith.constant 8191 : i32
      %and3A_127 = vector.broadcast %and3A_126 : i32 to vector<16xi32>
      %and3A_128 = arith.andi %get3A_123, %and3A_127 : vector<16xi32>
      %shift_left3A = arith.constant 2 : i32
      %shift_left3A_129 = vector.broadcast %shift_left3A : i32 to vector<16xi32>
      %shift_left3A_130 = arith.shli %and3A_128, %shift_left3A_129 : vector<16xi32>
      %or3A = arith.ori %and3A_125, %shift_left3A_130 : vector<16xi32>
      %shift_right_arithmetic3A = arith.constant 13 : i32
      %shift_right_arithmetic3A_131 = vector.broadcast %shift_right_arithmetic3A : i32 to vector<16xi32>
      %shift_right_arithmetic3A_132 = arith.shrsi %get3A_123, %shift_right_arithmetic3A_131 : vector<16xi32>
      %and3A_133 = arith.constant 3 : i32
      %and3A_134 = vector.broadcast %and3A_133 : i32 to vector<16xi32>
      %and3A_135 = arith.andi %shift_right_arithmetic3A_132, %and3A_134 : vector<16xi32>
      %or3A_136 = arith.ori %or3A, %and3A_135 : vector<16xi32>
      %swap3A = arith.index_cast %scan3A_120 : i32 to index
      %swap3A_137 = arith.constant 0 : index
      %swap3A_138 = tpu.vector_load %arg5[%swap3A, %swap3A_137] {strides = array<i32>} : memref<100x128xi32, #tpu.memory_space<vmem>>, vector<1x16xi32>,
      %swap3A_139 = vector.shape_cast %swap3A_138 : vector<1x16xi32> to vector<16xi32>
      %swap3A_140 = vector.shape_cast %or3A_136 : vector<16xi32> to vector<1x16xi32>
      tpu.vector_store %arg5[%swap3A, %swap3A_137], %swap3A_140 {strides = array<i32>} : memref<100x128xi32, #tpu.memory_space<vmem>>, vector<1x16xi32>,
      %get3A_141 = arith.index_cast %scan3A_120 : i32 to index
      %get3A_142 = arith.constant 16 : index
      %get3A_143 = tpu.vector_load %arg5[%get3A_141, %get3A_142] {strides = array<i32>} : memref<100x128xi32, #tpu.memory_space<vmem>>, vector<1x16xi32>,
      %get3A_144 = vector.shape_cast %get3A_143 : vector<1x16xi32> to vector<16xi32>
      %and3A_145 = arith.constant -32768 : i32
      %and3A_146 = vector.broadcast %and3A_145 : i32 to vector<16xi32>
      %and3A_147 = arith.andi %get3A_144, %and3A_146 : vector<16xi32>
      %and3A_148 = arith.constant 8191 : i32
      %and3A_149 = vector.broadcast %and3A_148 : i32 to vector<16xi32>
      %and3A_150 = arith.andi %get3A_144, %and3A_149 : vector<16xi32>
      %shift_left3A_151 = arith.constant 2 : i32
      %shift_left3A_152 = vector.broadcast %shift_left3A_151 : i32 to vector<16xi32>
      %shift_left3A_153 = arith.shli %and3A_150, %shift_left3A_152 : vector<16xi32>
      %or3A_154 = arith.ori %and3A_147, %shift_left3A_153 : vector<16xi32>
      %shift_right_arithmetic3A_155 = arith.constant 13 : i32
      %shift_right_arithmetic3A_156 = vector.broadcast %shift_right_arithmetic3A_155 : i32 to vector<16xi32>
      %shift_right_arithmetic3A_157 = arith.shrsi %get3A_144, %shift_right_arithmetic3A_156 : vector<16xi32>
      %and3A_158 = arith.constant 3 : i32
      %and3A_159 = vector.broadcast %and3A_158 : i32 to vector<16xi32>
      %and3A_160 = arith.andi %shift_right_arithmetic3A_157, %and3A_159 : vector<16xi32>
      %or3A_161 = arith.ori %or3A_154, %and3A_160 : vector<16xi32>
      %swap3A_162 = arith.index_cast %scan3A_120 : i32 to index
      %swap3A_163 = arith.constant 16 : index
      %swap3A_164 = tpu.vector_load %arg5[%swap3A_162, %swap3A_163] {strides = array<i32>} : memref<100x128xi32, #tpu.memory_space<vmem>>, vector<1x16xi32>,
      %swap3A_165 = vector.shape_cast %swap3A_164 : vector<1x16xi32> to vector<16xi32>
      %swap3A_166 = vector.shape_cast %or3A_161 : vector<16xi32> to vector<1x16xi32>
      tpu.vector_store %arg5[%swap3A_162, %swap3A_163], %swap3A_166 {strides = array<i32>} : memref<100x128xi32, #tpu.memory_space<vmem>>, vector<1x16xi32>,
      %get3A_167 = arith.index_cast %scan3A_120 : i32 to index
      %get3A_168 = arith.constant 32 : index
      %get3A_169 = tpu.vector_load %arg5[%get3A_167, %get3A_168] {strides = array<i32>} : memref<100x128xi32, #tpu.memory_space<vmem>>, vector<1x16xi32>,
      %get3A_170 = vector.shape_cast %get3A_169 : vector<1x16xi32> to vector<16xi32>
      %and3A_171 = arith.constant -32768 : i32
      %and3A_172 = vector.broadcast %and3A_171 : i32 to vector<16xi32>
      %and3A_173 = arith.andi %get3A_170, %and3A_172 : vector<16xi32>
      %and3A_174 = arith.constant 8191 : i32
      %and3A_175 = vector.broadcast %and3A_174 : i32 to vector<16xi32>
      %and3A_176 = arith.andi %get3A_170, %and3A_175 : vector<16xi32>
      %shift_left3A_177 = arith.constant 2 : i32
      %shift_left3A_178 = vector.broadcast %shift_left3A_177 : i32 to vector<16xi32>
      %shift_left3A_179 = arith.shli %and3A_176, %shift_left3A_178 : vector<16xi32>
      %or3A_180 = arith.ori %and3A_173, %shift_left3A_179 : vector<16xi32>
      %shift_right_arithmetic3A_181 = arith.constant 13 : i32
      %shift_right_arithmetic3A_182 = vector.broadcast %shift_right_arithmetic3A_181 : i32 to vector<16xi32>
      %shift_right_arithmetic3A_183 = arith.shrsi %get3A_170, %shift_right_arithmetic3A_182 : vector<16xi32>
      %and3A_184 = arith.constant 3 : i32
      %and3A_185 = vector.broadcast %and3A_184 : i32 to vector<16xi32>
      %and3A_186 = arith.andi %shift_right_arithmetic3A_183, %and3A_185 : vector<16xi32>
      %or3A_187 = arith.ori %or3A_180, %and3A_186 : vector<16xi32>
      %swap3A_188 = arith.index_cast %scan3A_120 : i32 to index
      %swap3A_189 = arith.constant 32 : index
      %swap3A_190 = tpu.vector_load %arg5[%swap3A_188, %swap3A_189] {strides = array<i32>} : memref<100x128xi32, #tpu.memory_space<vmem>>, vector<1x16xi32>,
      %swap3A_191 = vector.shape_cast %swap3A_190 : vector<1x16xi32> to vector<16xi32>
      %swap3A_192 = vector.shape_cast %or3A_187 : vector<16xi32> to vector<1x16xi32>
      tpu.vector_store %arg5[%swap3A_188, %swap3A_189], %swap3A_192 {strides = array<i32>} : memref<100x128xi32, #tpu.memory_space<vmem>>, vector<1x16xi32>,
      %get3A_193 = arith.index_cast %scan3A_120 : i32 to index
      %get3A_194 = arith.constant 48 : index
      %get3A_195 = tpu.vector_load %arg5[%get3A_193, %get3A_194] {strides = array<i32>} : memref<100x128xi32, #tpu.memory_space<vmem>>, vector<1x16xi32>,
      %get3A_196 = vector.shape_cast %get3A_195 : vector<1x16xi32> to vector<16xi32>
      %and3A_197 = arith.constant -32768 : i32
      %and3A_198 = vector.broadcast %and3A_197 : i32 to vector<16xi32>
      %and3A_199 = arith.andi %get3A_196, %and3A_198 : vector<16xi32>
      %and3A_200 = arith.constant 8191 : i32
      %and3A_201 = vector.broadcast %and3A_200 : i32 to vector<16xi32>
      %and3A_202 = arith.andi %get3A_196, %and3A_201 : vector<16xi32>
      %shift_left3A_203 = arith.constant 2 : i32
      %shift_left3A_204 = vector.broadcast %shift_left3A_203 : i32 to vector<16xi32>
      %shift_left3A_205 = arith.shli %and3A_202, %shift_left3A_204 : vector<16xi32>
      %or3A_206 = arith.ori %and3A_199, %shift_left3A_205 : vector<16xi32>
      %shift_right_arithmetic3A_207 = arith.constant 13 : i32
      %shift_right_arithmetic3A_208 = vector.broadcast %shift_right_arithmetic3A_207 : i32 to vector<16xi32>
      %shift_right_arithmetic3A_209 = arith.shrsi %get3A_196, %shift_right_arithmetic3A_208 : vector<16xi32>
      %and3A_210 = arith.constant 3 : i32
      %and3A_211 = vector.broadcast %and3A_210 : i32 to vector<16xi32>
      %and3A_212 = arith.andi %shift_right_arithmetic3A_209, %and3A_211 : vector<16xi32>
      %or3A_213 = arith.ori %or3A_206, %and3A_212 : vector<16xi32>
      %swap3A_214 = arith.index_cast %scan3A_120 : i32 to index
      %swap3A_215 = arith.constant 48 : index
      %swap3A_216 = tpu.vector_load %arg5[%swap3A_214, %swap3A_215] {strides = array<i32>} : memref<100x128xi32, #tpu.memory_space<vmem>>, vector<1x16xi32>,
      %swap3A_217 = vector.shape_cast %swap3A_216 : vector<1x16xi32> to vector<16xi32>
      %swap3A_218 = vector.shape_cast %or3A_213 : vector<16xi32> to vector<1x16xi32>
      tpu.vector_store %arg5[%swap3A_214, %swap3A_215], %swap3A_218 {strides = array<i32>} : memref<100x128xi32, #tpu.memory_space<vmem>>, vector<1x16xi32>,
      %get3A_219 = arith.index_cast %scan3A_120 : i32 to index
      %get3A_220 = arith.constant 64 : index
      %get3A_221 = tpu.vector_load %arg5[%get3A_219, %get3A_220] {strides = array<i32>} : memref<100x128xi32, #tpu.memory_space<vmem>>, vector<1x16xi32>,
      %get3A_222 = vector.shape_cast %get3A_221 : vector<1x16xi32> to vector<16xi32>
      %and3A_223 = arith.constant -32768 : i32
      %and3A_224 = vector.broadcast %and3A_223 : i32 to vector<16xi32>
      %and3A_225 = arith.andi %get3A_222, %and3A_224 : vector<16xi32>
      %and3A_226 = arith.constant 8191 : i32
      %and3A_227 = vector.broadcast %and3A_226 : i32 to vector<16xi32>
      %and3A_228 = arith.andi %get3A_222, %and3A_227 : vector<16xi32>
      %shift_left3A_229 = arith.constant 2 : i32
      %shift_left3A_230 = vector.broadcast %shift_left3A_229 : i32 to vector<16xi32>
      %shift_left3A_231 = arith.shli %and3A_228, %shift_left3A_230 : vector<16xi32>
      %or3A_232 = arith.ori %and3A_225, %shift_left3A_231 : vector<16xi32>
      %shift_right_arithmetic3A_233 = arith.constant 13 : i32
      %shift_right_arithmetic3A_234 = vector.broadcast %shift_right_arithmetic3A_233 : i32 to vector<16xi32>
      %shift_right_arithmetic3A_235 = arith.shrsi %get3A_222, %shift_right_arithmetic3A_234 : vector<16xi32>
      %and3A_236 = arith.constant 3 : i32
      %and3A_237 = vector.broadcast %and3A_236 : i32 to vector<16xi32>
      %and3A_238 = arith.andi %shift_right_arithmetic3A_235, %and3A_237 : vector<16xi32>
      %or3A_239 = arith.ori %or3A_232, %and3A_238 : vector<16xi32>
      %swap3A_240 = arith.index_cast %scan3A_120 : i32 to index
      %swap3A_241 = arith.constant 64 : index
      %swap3A_242 = tpu.vector_load %arg5[%swap3A_240, %swap3A_241] {strides = array<i32>} : memref<100x128xi32, #tpu.memory_space<vmem>>, vector<1x16xi32>,
      %swap3A_243 = vector.shape_cast %swap3A_242 : vector<1x16xi32> to vector<16xi32>
      %swap3A_244 = vector.shape_cast %or3A_239 : vector<16xi32> to vector<1x16xi32>
      tpu.vector_store %arg5[%swap3A_240, %swap3A_241], %swap3A_244 {strides = array<i32>} : memref<100x128xi32, #tpu.memory_space<vmem>>, vector<1x16xi32>,
      %get3A_245 = arith.index_cast %scan3A_120 : i32 to index
      %get3A_246 = arith.constant 80 : index
      %get3A_247 = tpu.vector_load %arg5[%get3A_245, %get3A_246] {strides = array<i32>} : memref<100x128xi32, #tpu.memory_space<vmem>>, vector<1x16xi32>,
      %get3A_248 = vector.shape_cast %get3A_247 : vector<1x16xi32> to vector<16xi32>
      %and3A_249 = arith.constant -32768 : i32
      %and3A_250 = vector.broadcast %and3A_249 : i32 to vector<16xi32>
      %and3A_251 = arith.andi %get3A_248, %and3A_250 : vector<16xi32>
      %and3A_252 = arith.constant 8191 : i32
      %and3A_253 = vector.broadcast %and3A_252 : i32 to vector<16xi32>
      %and3A_254 = arith.andi %get3A_248, %and3A_253 : vector<16xi32>
      %shift_left3A_255 = arith.constant 2 : i32
      %shift_left3A_256 = vector.broadcast %shift_left3A_255 : i32 to vector<16xi32>
      %shift_left3A_257 = arith.shli %and3A_254, %shift_left3A_256 : vector<16xi32>
      %or3A_258 = arith.ori %and3A_251, %shift_left3A_257 : vector<16xi32>
      %shift_right_arithmetic3A_259 = arith.constant 13 : i32
      %shift_right_arithmetic3A_260 = vector.broadcast %shift_right_arithmetic3A_259 : i32 to vector<16xi32>
      %shift_right_arithmetic3A_261 = arith.shrsi %get3A_248, %shift_right_arithmetic3A_260 : vector<16xi32>
      %and3A_262 = arith.constant 3 : i32
      %and3A_263 = vector.broadcast %and3A_262 : i32 to vector<16xi32>
      %and3A_264 = arith.andi %shift_right_arithmetic3A_261, %and3A_263 : vector<16xi32>
      %or3A_265 = arith.ori %or3A_258, %and3A_264 : vector<16xi32>
      %swap3A_266 = arith.index_cast %scan3A_120 : i32 to index
      %swap3A_267 = arith.constant 80 : index
      %swap3A_268 = tpu.vector_load %arg5[%swap3A_266, %swap3A_267] {strides = array<i32>} : memref<100x128xi32, #tpu.memory_space<vmem>>, vector<1x16xi32>,
      %swap3A_269 = vector.shape_cast %swap3A_268 : vector<1x16xi32> to vector<16xi32>
      %swap3A_270 = vector.shape_cast %or3A_265 : vector<16xi32> to vector<1x16xi32>
      tpu.vector_store %arg5[%swap3A_266, %swap3A_267], %swap3A_270 {strides = array<i32>} : memref<100x128xi32, #tpu.memory_space<vmem>>, vector<1x16xi32>,
      %get3A_271 = arith.index_cast %scan3A_120 : i32 to index
      %get3A_272 = arith.constant 96 : index
      %get3A_273 = tpu.vector_load %arg5[%get3A_271, %get3A_272] {strides = array<i32>} : memref<100x128xi32, #tpu.memory_space<vmem>>, vector<1x16xi32>,
      %get3A_274 = vector.shape_cast %get3A_273 : vector<1x16xi32> to vector<16xi32>
      %and3A_275 = arith.constant -32768 : i32
      %and3A_276 = vector.broadcast %and3A_275 : i32 to vector<16xi32>
      %and3A_277 = arith.andi %get3A_274, %and3A_276 : vector<16xi32>
      %and3A_278 = arith.constant 8191 : i32
      %and3A_279 = vector.broadcast %and3A_278 : i32 to vector<16xi32>
      %and3A_280 = arith.andi %get3A_274, %and3A_279 : vector<16xi32>
      %shift_left3A_281 = arith.constant 2 : i32
      %shift_left3A_282 = vector.broadcast %shift_left3A_281 : i32 to vector<16xi32>
      %shift_left3A_283 = arith.shli %and3A_280, %shift_left3A_282 : vector<16xi32>
      %or3A_284 = arith.ori %and3A_277, %shift_left3A_283 : vector<16xi32>
      %shift_right_arithmetic3A_285 = arith.constant 13 : i32
      %shift_right_arithmetic3A_286 = vector.broadcast %shift_right_arithmetic3A_285 : i32 to vector<16xi32>
      %shift_right_arithmetic3A_287 = arith.shrsi %get3A_274, %shift_right_arithmetic3A_286 : vector<16xi32>
      %and3A_288 = arith.constant 3 : i32
      %and3A_289 = vector.broadcast %and3A_288 : i32 to vector<16xi32>
      %and3A_290 = arith.andi %shift_right_arithmetic3A_287, %and3A_289 : vector<16xi32>
      %or3A_291 = arith.ori %or3A_284, %and3A_290 : vector<16xi32>
      %swap3A_292 = arith.index_cast %scan3A_120 : i32 to index
      %swap3A_293 = arith.constant 96 : index
      %swap3A_294 = tpu.vector_load %arg5[%swap3A_292, %swap3A_293] {strides = array<i32>} : memref<100x128xi32, #tpu.memory_space<vmem>>, vector<1x16xi32>,
      %swap3A_295 = vector.shape_cast %swap3A_294 : vector<1x16xi32> to vector<16xi32>
      %swap3A_296 = vector.shape_cast %or3A_291 : vector<16xi32> to vector<1x16xi32>
      tpu.vector_store %arg5[%swap3A_292, %swap3A_293], %swap3A_296 {strides = array<i32>} : memref<100x128xi32, #tpu.memory_space<vmem>>, vector<1x16xi32>,
      %get3A_297 = arith.index_cast %scan3A_120 : i32 to index
      %get3A_298 = arith.constant 112 : index
      %get3A_299 = tpu.vector_load %arg5[%get3A_297, %get3A_298] {strides = array<i32>} : memref<100x128xi32, #tpu.memory_space<vmem>>, vector<1x16xi32>,
      %get3A_300 = vector.shape_cast %get3A_299 : vector<1x16xi32> to vector<16xi32>
      %and3A_301 = arith.constant -32768 : i32
      %and3A_302 = vector.broadcast %and3A_301 : i32 to vector<16xi32>
      %and3A_303 = arith.andi %get3A_300, %and3A_302 : vector<16xi32>
      %and3A_304 = arith.constant 8191 : i32
      %and3A_305 = vector.broadcast %and3A_304 : i32 to vector<16xi32>
      %and3A_306 = arith.andi %get3A_300, %and3A_305 : vector<16xi32>
      %shift_left3A_307 = arith.constant 2 : i32
      %shift_left3A_308 = vector.broadcast %shift_left3A_307 : i32 to vector<16xi32>
      %shift_left3A_309 = arith.shli %and3A_306, %shift_left3A_308 : vector<16xi32>
      %or3A_310 = arith.ori %and3A_303, %shift_left3A_309 : vector<16xi32>
      %shift_right_arithmetic3A_311 = arith.constant 13 : i32
      %shift_right_arithmetic3A_312 = vector.broadcast %shift_right_arithmetic3A_311 : i32 to vector<16xi32>
      %shift_right_arithmetic3A_313 = arith.shrsi %get3A_300, %shift_right_arithmetic3A_312 : vector<16xi32>
      %and3A_314 = arith.constant 3 : i32
      %and3A_315 = vector.broadcast %and3A_314 : i32 to vector<16xi32>
      %and3A_316 = arith.andi %shift_right_arithmetic3A_313, %and3A_315 : vector<16xi32>
      %or3A_317 = arith.ori %or3A_310, %and3A_316 : vector<16xi32>
      %swap3A_318 = arith.index_cast %scan3A_120 : i32 to index
      %swap3A_319 = arith.constant 112 : index
      %swap3A_320 = tpu.vector_load %arg5[%swap3A_318, %swap3A_319] {strides = array<i32>} : memref<100x128xi32, #tpu.memory_space<vmem>>, vector<1x16xi32>,
      %swap3A_321 = vector.shape_cast %swap3A_320 : vector<1x16xi32> to vector<16xi32>
      %swap3A_322 = vector.shape_cast %or3A_317 : vector<16xi32> to vector<1x16xi32>
      tpu.vector_store %arg5[%swap3A_318, %swap3A_319], %swap3A_322 {strides = array<i32>} : memref<100x128xi32, #tpu.memory_space<vmem>>, vector<1x16xi32>,
    }
    %scan3A_11 = arith.constant 100 : i32
    %dma_start3A = arith.constant 0 : i32
    %dma_start3A_12 = arith.constant 0 : i32
    %dma_start3A_13 = arith.constant 0 : i32
    %dma_start3A_14 = tpu.memref_slice %arg6[%dma_start3A_12, %dma_start3A_13] : memref<1280x32xf32, #tpu.memory_space<vmem>> -> memref<128x32xf32, #tpu.memory_space<vmem>>
    %dma_start3A_15 = arith.constant 0 : i32
    %dma_start3A_16 = tpu.memref_slice %arg5[%dma_start3A, %dma_start3A_15] : memref<100x128xi32, #tpu.memory_space<vmem>> -> memref<1x128xi32, #tpu.memory_space<vmem>>
    %dma_start3A_17 = tpu.memref_squeeze %dma_start3A_16 : memref<1x128xi32, #tpu.memory_space<vmem>> -> memref<128xi32, #tpu.memory_space<vmem>>
    %dma_start3A_18 = arith.constant 0 : i32
    %dma_start3A_19 = arith.constant 0 : i32
    %dma_start3A_20 = tpu.memref_slice %arg3[%dma_start3A_18, %dma_start3A_19] : memref<1015808x32xf32, #tpu.memory_space<hbm>> -> memref<1015808x32xf32, #tpu.memory_space<hbm>>
    tpu.enqueue_indirect_dma source(%dma_start3A_20 : memref<1015808x32xf32, #tpu.memory_space<hbm>>) target(%dma_start3A_14 : memref<128x32xf32, #tpu.memory_space<vmem>>) offsets(%dma_start3A_17 : memref<128xi32, #tpu.memory_space<vmem>>) semaphore(%arg8 : memref<!tpu.dma_semaphore, #tpu.memory_space<semaphore_mem>>)
    %dma_start3A_21 = arith.constant 1 : i32
    %dma_start3A_22 = arith.constant 128 : i32
    %dma_start3A_23 = arith.constant 0 : i32
    %dma_start3A_24 = tpu.memref_slice %arg6[%dma_start3A_22, %dma_start3A_23] : memref<1280x32xf32, #tpu.memory_space<vmem>> -> memref<128x32xf32, #tpu.memory_space<vmem>>
    %dma_start3A_25 = arith.constant 0 : i32
    %dma_start3A_26 = tpu.memref_slice %arg5[%dma_start3A_21, %dma_start3A_25] : memref<100x128xi32, #tpu.memory_space<vmem>> -> memref<1x128xi32, #tpu.memory_space<vmem>>
    %dma_start3A_27 = tpu.memref_squeeze %dma_start3A_26 : memref<1x128xi32, #tpu.memory_space<vmem>> -> memref<128xi32, #tpu.memory_space<vmem>>
    %dma_start3A_28 = arith.constant 0 : i32
    %dma_start3A_29 = arith.constant 0 : i32
    %dma_start3A_30 = tpu.memref_slice %arg3[%dma_start3A_28, %dma_start3A_29] : memref<1015808x32xf32, #tpu.memory_space<hbm>> -> memref<1015808x32xf32, #tpu.memory_space<hbm>>
    tpu.enqueue_indirect_dma source(%dma_start3A_30 : memref<1015808x32xf32, #tpu.memory_space<hbm>>) target(%dma_start3A_24 : memref<128x32xf32, #tpu.memory_space<vmem>>) offsets(%dma_start3A_27 : memref<128xi32, #tpu.memory_space<vmem>>) semaphore(%arg8 : memref<!tpu.dma_semaphore, #tpu.memory_space<semaphore_mem>>)
    %dma_start3A_31 = arith.constant 2 : i32
    %dma_start3A_32 = arith.constant 256 : i32
    %dma_start3A_33 = arith.constant 0 : i32
    %dma_start3A_34 = tpu.memref_slice %arg6[%dma_start3A_32, %dma_start3A_33] : memref<1280x32xf32, #tpu.memory_space<vmem>> -> memref<128x32xf32, #tpu.memory_space<vmem>>
    %dma_start3A_35 = arith.constant 0 : i32
    %dma_start3A_36 = tpu.memref_slice %arg5[%dma_start3A_31, %dma_start3A_35] : memref<100x128xi32, #tpu.memory_space<vmem>> -> memref<1x128xi32, #tpu.memory_space<vmem>>
    %dma_start3A_37 = tpu.memref_squeeze %dma_start3A_36 : memref<1x128xi32, #tpu.memory_space<vmem>> -> memref<128xi32, #tpu.memory_space<vmem>>
    %dma_start3A_38 = arith.constant 0 : i32
    %dma_start3A_39 = arith.constant 0 : i32
    %dma_start3A_40 = tpu.memref_slice %arg3[%dma_start3A_38, %dma_start3A_39] : memref<1015808x32xf32, #tpu.memory_space<hbm>> -> memref<1015808x32xf32, #tpu.memory_space<hbm>>
    tpu.enqueue_indirect_dma source(%dma_start3A_40 : memref<1015808x32xf32, #tpu.memory_space<hbm>>) target(%dma_start3A_34 : memref<128x32xf32, #tpu.memory_space<vmem>>) offsets(%dma_start3A_37 : memref<128xi32, #tpu.memory_space<vmem>>) semaphore(%arg8 : memref<!tpu.dma_semaphore, #tpu.memory_space<semaphore_mem>>)
    %dma_start3A_41 = arith.constant 3 : i32
    %dma_start3A_42 = arith.constant 384 : i32
    %dma_start3A_43 = arith.constant 0 : i32
    %dma_start3A_44 = tpu.memref_slice %arg6[%dma_start3A_42, %dma_start3A_43] : memref<1280x32xf32, #tpu.memory_space<vmem>> -> memref<128x32xf32, #tpu.memory_space<vmem>>
    %dma_start3A_45 = arith.constant 0 : i32
    %dma_start3A_46 = tpu.memref_slice %arg5[%dma_start3A_41, %dma_start3A_45] : memref<100x128xi32, #tpu.memory_space<vmem>> -> memref<1x128xi32, #tpu.memory_space<vmem>>
    %dma_start3A_47 = tpu.memref_squeeze %dma_start3A_46 : memref<1x128xi32, #tpu.memory_space<vmem>> -> memref<128xi32, #tpu.memory_space<vmem>>
    %dma_start3A_48 = arith.constant 0 : i32
    %dma_start3A_49 = arith.constant 0 : i32
    %dma_start3A_50 = tpu.memref_slice %arg3[%dma_start3A_48, %dma_start3A_49] : memref<1015808x32xf32, #tpu.memory_space<hbm>> -> memref<1015808x32xf32, #tpu.memory_space<hbm>>
    tpu.enqueue_indirect_dma source(%dma_start3A_50 : memref<1015808x32xf32, #tpu.memory_space<hbm>>) target(%dma_start3A_44 : memref<128x32xf32, #tpu.memory_space<vmem>>) offsets(%dma_start3A_47 : memref<128xi32, #tpu.memory_space<vmem>>) semaphore(%arg8 : memref<!tpu.dma_semaphore, #tpu.memory_space<semaphore_mem>>)
    %dma_start3A_51 = arith.constant 4 : i32
    %dma_start3A_52 = arith.constant 512 : i32
    %dma_start3A_53 = arith.constant 0 : i32
    %dma_start3A_54 = tpu.memref_slice %arg6[%dma_start3A_52, %dma_start3A_53] : memref<1280x32xf32, #tpu.memory_space<vmem>> -> memref<128x32xf32, #tpu.memory_space<vmem>>
    %dma_start3A_55 = arith.constant 0 : i32
    %dma_start3A_56 = tpu.memref_slice %arg5[%dma_start3A_51, %dma_start3A_55] : memref<100x128xi32, #tpu.memory_space<vmem>> -> memref<1x128xi32, #tpu.memory_space<vmem>>
    %dma_start3A_57 = tpu.memref_squeeze %dma_start3A_56 : memref<1x128xi32, #tpu.memory_space<vmem>> -> memref<128xi32, #tpu.memory_space<vmem>>
    %dma_start3A_58 = arith.constant 0 : i32
    %dma_start3A_59 = arith.constant 0 : i32
    %dma_start3A_60 = tpu.memref_slice %arg3[%dma_start3A_58, %dma_start3A_59] : memref<1015808x32xf32, #tpu.memory_space<hbm>> -> memref<1015808x32xf32, #tpu.memory_space<hbm>>
    tpu.enqueue_indirect_dma source(%dma_start3A_60 : memref<1015808x32xf32, #tpu.memory_space<hbm>>) target(%dma_start3A_54 : memref<128x32xf32, #tpu.memory_space<vmem>>) offsets(%dma_start3A_57 : memref<128xi32, #tpu.memory_space<vmem>>) semaphore(%arg8 : memref<!tpu.dma_semaphore, #tpu.memory_space<semaphore_mem>>)
    %dma_start3A_61 = arith.constant 5 : i32
    %dma_start3A_62 = arith.constant 640 : i32
    %dma_start3A_63 = arith.constant 0 : i32
    %dma_start3A_64 = tpu.memref_slice %arg6[%dma_start3A_62, %dma_start3A_63] : memref<1280x32xf32, #tpu.memory_space<vmem>> -> memref<128x32xf32, #tpu.memory_space<vmem>>
    %dma_start3A_65 = arith.constant 0 : i32
    %dma_start3A_66 = tpu.memref_slice %arg5[%dma_start3A_61, %dma_start3A_65] : memref<100x128xi32, #tpu.memory_space<vmem>> -> memref<1x128xi32, #tpu.memory_space<vmem>>
    %dma_start3A_67 = tpu.memref_squeeze %dma_start3A_66 : memref<1x128xi32, #tpu.memory_space<vmem>> -> memref<128xi32, #tpu.memory_space<vmem>>
    %dma_start3A_68 = arith.constant 0 : i32
    %dma_start3A_69 = arith.constant 0 : i32
    %dma_start3A_70 = tpu.memref_slice %arg3[%dma_start3A_68, %dma_start3A_69] : memref<1015808x32xf32, #tpu.memory_space<hbm>> -> memref<1015808x32xf32, #tpu.memory_space<hbm>>
    tpu.enqueue_indirect_dma source(%dma_start3A_70 : memref<1015808x32xf32, #tpu.memory_space<hbm>>) target(%dma_start3A_64 : memref<128x32xf32, #tpu.memory_space<vmem>>) offsets(%dma_start3A_67 : memref<128xi32, #tpu.memory_space<vmem>>) semaphore(%arg8 : memref<!tpu.dma_semaphore, #tpu.memory_space<semaphore_mem>>)
    %dma_start3A_71 = arith.constant 6 : i32
    %dma_start3A_72 = arith.constant 768 : i32
    %dma_start3A_73 = arith.constant 0 : i32
    %dma_start3A_74 = tpu.memref_slice %arg6[%dma_start3A_72, %dma_start3A_73] : memref<1280x32xf32, #tpu.memory_space<vmem>> -> memref<128x32xf32, #tpu.memory_space<vmem>>
    %dma_start3A_75 = arith.constant 0 : i32
    %dma_start3A_76 = tpu.memref_slice %arg5[%dma_start3A_71, %dma_start3A_75] : memref<100x128xi32, #tpu.memory_space<vmem>> -> memref<1x128xi32, #tpu.memory_space<vmem>>
    %dma_start3A_77 = tpu.memref_squeeze %dma_start3A_76 : memref<1x128xi32, #tpu.memory_space<vmem>> -> memref<128xi32, #tpu.memory_space<vmem>>
    %dma_start3A_78 = arith.constant 0 : i32
    %dma_start3A_79 = arith.constant 0 : i32
    %dma_start3A_80 = tpu.memref_slice %arg3[%dma_start3A_78, %dma_start3A_79] : memref<1015808x32xf32, #tpu.memory_space<hbm>> -> memref<1015808x32xf32, #tpu.memory_space<hbm>>
    tpu.enqueue_indirect_dma source(%dma_start3A_80 : memref<1015808x32xf32, #tpu.memory_space<hbm>>) target(%dma_start3A_74 : memref<128x32xf32, #tpu.memory_space<vmem>>) offsets(%dma_start3A_77 : memref<128xi32, #tpu.memory_space<vmem>>) semaphore(%arg8 : memref<!tpu.dma_semaphore, #tpu.memory_space<semaphore_mem>>)
    %dma_start3A_81 = arith.constant 7 : i32
    %dma_start3A_82 = arith.constant 896 : i32
    %dma_start3A_83 = arith.constant 0 : i32
    %dma_start3A_84 = tpu.memref_slice %arg6[%dma_start3A_82, %dma_start3A_83] : memref<1280x32xf32, #tpu.memory_space<vmem>> -> memref<128x32xf32, #tpu.memory_space<vmem>>
    %dma_start3A_85 = arith.constant 0 : i32
    %dma_start3A_86 = tpu.memref_slice %arg5[%dma_start3A_81, %dma_start3A_85] : memref<100x128xi32, #tpu.memory_space<vmem>> -> memref<1x128xi32, #tpu.memory_space<vmem>>
    %dma_start3A_87 = tpu.memref_squeeze %dma_start3A_86 : memref<1x128xi32, #tpu.memory_space<vmem>> -> memref<128xi32, #tpu.memory_space<vmem>>
    %dma_start3A_88 = arith.constant 0 : i32
    %dma_start3A_89 = arith.constant 0 : i32
    %dma_start3A_90 = tpu.memref_slice %arg3[%dma_start3A_88, %dma_start3A_89] : memref<1015808x32xf32, #tpu.memory_space<hbm>> -> memref<1015808x32xf32, #tpu.memory_space<hbm>>
    tpu.enqueue_indirect_dma source(%dma_start3A_90 : memref<1015808x32xf32, #tpu.memory_space<hbm>>) target(%dma_start3A_84 : memref<128x32xf32, #tpu.memory_space<vmem>>) offsets(%dma_start3A_87 : memref<128xi32, #tpu.memory_space<vmem>>) semaphore(%arg8 : memref<!tpu.dma_semaphore, #tpu.memory_space<semaphore_mem>>)
    %dma_start3A_91 = arith.constant 8 : i32
    %dma_start3A_92 = arith.constant 1024 : i32
    %dma_start3A_93 = arith.constant 0 : i32
    %dma_start3A_94 = tpu.memref_slice %arg6[%dma_start3A_92, %dma_start3A_93] : memref<1280x32xf32, #tpu.memory_space<vmem>> -> memref<128x32xf32, #tpu.memory_space<vmem>>
    %dma_start3A_95 = arith.constant 0 : i32
    %dma_start3A_96 = tpu.memref_slice %arg5[%dma_start3A_91, %dma_start3A_95] : memref<100x128xi32, #tpu.memory_space<vmem>> -> memref<1x128xi32, #tpu.memory_space<vmem>>
    %dma_start3A_97 = tpu.memref_squeeze %dma_start3A_96 : memref<1x128xi32, #tpu.memory_space<vmem>> -> memref<128xi32, #tpu.memory_space<vmem>>
    %dma_start3A_98 = arith.constant 0 : i32
    %dma_start3A_99 = arith.constant 0 : i32
    %dma_start3A_100 = tpu.memref_slice %arg3[%dma_start3A_98, %dma_start3A_99] : memref<1015808x32xf32, #tpu.memory_space<hbm>> -> memref<1015808x32xf32, #tpu.memory_space<hbm>>
    tpu.enqueue_indirect_dma source(%dma_start3A_100 : memref<1015808x32xf32, #tpu.memory_space<hbm>>) target(%dma_start3A_94 : memref<128x32xf32, #tpu.memory_space<vmem>>) offsets(%dma_start3A_97 : memref<128xi32, #tpu.memory_space<vmem>>) semaphore(%arg8 : memref<!tpu.dma_semaphore, #tpu.memory_space<semaphore_mem>>)
    %dma_start3A_101 = arith.constant 9 : i32
    %dma_start3A_102 = arith.constant 1152 : i32
    %dma_start3A_103 = arith.constant 0 : i32
    %dma_start3A_104 = tpu.memref_slice %arg6[%dma_start3A_102, %dma_start3A_103] : memref<1280x32xf32, #tpu.memory_space<vmem>> -> memref<128x32xf32, #tpu.memory_space<vmem>>
    %dma_start3A_105 = arith.constant 0 : i32
    %dma_start3A_106 = tpu.memref_slice %arg5[%dma_start3A_101, %dma_start3A_105] : memref<100x128xi32, #tpu.memory_space<vmem>> -> memref<1x128xi32, #tpu.memory_space<vmem>>
    %dma_start3A_107 = tpu.memref_squeeze %dma_start3A_106 : memref<1x128xi32, #tpu.memory_space<vmem>> -> memref<128xi32, #tpu.memory_space<vmem>>
    %dma_start3A_108 = arith.constant 0 : i32
    %dma_start3A_109 = arith.constant 0 : i32
    %dma_start3A_110 = tpu.memref_slice %arg3[%dma_start3A_108, %dma_start3A_109] : memref<1015808x32xf32, #tpu.memory_space<hbm>> -> memref<1015808x32xf32, #tpu.memory_space<hbm>>
    tpu.enqueue_indirect_dma source(%dma_start3A_110 : memref<1015808x32xf32, #tpu.memory_space<hbm>>) target(%dma_start3A_104 : memref<128x32xf32, #tpu.memory_space<vmem>>) offsets(%dma_start3A_107 : memref<128xi32, #tpu.memory_space<vmem>>) semaphore(%arg8 : memref<!tpu.dma_semaphore, #tpu.memory_space<semaphore_mem>>)
    %scan3A_111 = arith.constant 0 : i32
    %scan3A_112 = arith.constant 0 : i32
    %scan3A_113 = arith.constant 5 : i32
    %scan3A_114 = arith.addi %scan3A_112, %scan3A_113 : i32
    %scan3A_115 = arith.constant 1 : i32
    scf.for %scan3A_120 = %scan3A_112 to %scan3A_114 step %scan3A_115  : i32 {
      %mul3A_121 = arith.constant 2 : i32
      %mul3A_122 = arith.muli %mul3A_121, %scan3A_120 : i32
      %add3A_123 = arith.constant 0 : i32
      %add3A_124 = arith.addi %mul3A_122, %add3A_123 : i32
      %ge3A = arith.constant 1 : i32
      %ge3A_125 = arith.cmpi sge, %add3A_124, %ge3A : i32
      %convert_element_type3A = arith.extui %ge3A_125 : i1 to i32
      %cond3A = arith.constant 0 : i32
      %cond3A_126 = arith.cmpi ne, %convert_element_type3A, %cond3A : i32
      scf.if %cond3A_126 {
        %dma_wait3A_363 = arith.constant 0 : i32
        %dma_wait3A_364 = tpu.memref_slice %arg4[%mul3A_2, %dma_wait3A_363] : memref<409600x32xf32, #tpu.memory_space<hbm>> -> memref<1280x32xf32, #tpu.memory_space<hbm>>
        %dma_wait3A_365 = arith.constant 0 : i32
        %dma_wait3A_366 = tpu.memref_slice %arg4[%mul3A_2, %dma_wait3A_365] : memref<409600x32xf32, #tpu.memory_space<hbm>> -> memref<1280x32xf32, #tpu.memory_space<hbm>>
        tpu.wait_dma2 semaphore(%arg11 : memref<!tpu.dma_semaphore, #tpu.memory_space<semaphore_mem>>) src(%arg7 : memref<1280x32xf32, #tpu.memory_space<vmem>>) dst(%dma_wait3A_366 : memref<1280x32xf32, #tpu.memory_space<hbm>>)
      } else {
      }
      %add3A_127 = arith.constant 1 : i32
      %add3A_128 = arith.addi %add3A_124, %add3A_127 : i32
      %lt3A = arith.constant 10 : i32
      %lt3A_129 = arith.cmpi slt, %add3A_128, %lt3A : i32
      %convert_element_type3A_130 = arith.extui %lt3A_129 : i1 to i32
      %cond3A_131 = arith.constant 0 : i32
      %cond3A_132 = arith.cmpi ne, %convert_element_type3A_130, %cond3A_131 : i32
      scf.if %cond3A_132 {
        %add3A_363 = arith.constant 1 : i32
        %add3A_364 = arith.addi %add3A_124, %add3A_363 : i32
        %mul3A_365 = arith.constant 10 : i32
        %mul3A_366 = arith.muli %add3A_364, %mul3A_365 : i32
        %add3A_367 = arith.constant 0 : i32
        %add3A_368 = arith.addi %mul3A_366, %add3A_367 : i32
        %dma_start3A_369 = arith.constant 0 : i32
        %dma_start3A_370 = arith.constant 0 : i32
        %dma_start3A_371 = tpu.memref_slice %arg7[%dma_start3A_369, %dma_start3A_370] : memref<1280x32xf32, #tpu.memory_space<vmem>> -> memref<128x32xf32, #tpu.memory_space<vmem>>
        %dma_start3A_372 = arith.constant 0 : i32
        %dma_start3A_373 = tpu.memref_slice %arg5[%add3A_368, %dma_start3A_372] : memref<100x128xi32, #tpu.memory_space<vmem>> -> memref<1x128xi32, #tpu.memory_space<vmem>>
        %dma_start3A_374 = tpu.memref_squeeze %dma_start3A_373 : memref<1x128xi32, #tpu.memory_space<vmem>> -> memref<128xi32, #tpu.memory_space<vmem>>
        %dma_start3A_375 = arith.constant 0 : i32
        %dma_start3A_376 = arith.constant 0 : i32
        %dma_start3A_377 = tpu.memref_slice %arg3[%dma_start3A_375, %dma_start3A_376] : memref<1015808x32xf32, #tpu.memory_space<hbm>> -> memref<1015808x32xf32, #tpu.memory_space<hbm>>
        tpu.enqueue_indirect_dma source(%dma_start3A_377 : memref<1015808x32xf32, #tpu.memory_space<hbm>>) target(%dma_start3A_371 : memref<128x32xf32, #tpu.memory_space<vmem>>) offsets(%dma_start3A_374 : memref<128xi32, #tpu.memory_space<vmem>>) semaphore(%arg9 : memref<!tpu.dma_semaphore, #tpu.memory_space<semaphore_mem>>)
        %mul3A_378 = arith.constant 10 : i32
        %mul3A_379 = arith.muli %add3A_364, %mul3A_378 : i32
        %add3A_380 = arith.constant 1 : i32
        %add3A_381 = arith.addi %mul3A_379, %add3A_380 : i32
        %dma_start3A_382 = arith.constant 128 : i32
        %dma_start3A_383 = arith.constant 0 : i32
        %dma_start3A_384 = tpu.memref_slice %arg7[%dma_start3A_382, %dma_start3A_383] : memref<1280x32xf32, #tpu.memory_space<vmem>> -> memref<128x32xf32, #tpu.memory_space<vmem>>
        %dma_start3A_385 = arith.constant 0 : i32
        %dma_start3A_386 = tpu.memref_slice %arg5[%add3A_381, %dma_start3A_385] : memref<100x128xi32, #tpu.memory_space<vmem>> -> memref<1x128xi32, #tpu.memory_space<vmem>>
        %dma_start3A_387 = tpu.memref_squeeze %dma_start3A_386 : memref<1x128xi32, #tpu.memory_space<vmem>> -> memref<128xi32, #tpu.memory_space<vmem>>
        %dma_start3A_388 = arith.constant 0 : i32
        %dma_start3A_389 = arith.constant 0 : i32
        %dma_start3A_390 = tpu.memref_slice %arg3[%dma_start3A_388, %dma_start3A_389] : memref<1015808x32xf32, #tpu.memory_space<hbm>> -> memref<1015808x32xf32, #tpu.memory_space<hbm>>
        tpu.enqueue_indirect_dma source(%dma_start3A_390 : memref<1015808x32xf32, #tpu.memory_space<hbm>>) target(%dma_start3A_384 : memref<128x32xf32, #tpu.memory_space<vmem>>) offsets(%dma_start3A_387 : memref<128xi32, #tpu.memory_space<vmem>>) semaphore(%arg9 : memref<!tpu.dma_semaphore, #tpu.memory_space<semaphore_mem>>)
        %mul3A_391 = arith.constant 10 : i32
        %mul3A_392 = arith.muli %add3A_364, %mul3A_391 : i32
        %add3A_393 = arith.constant 2 : i32
        %add3A_394 = arith.addi %mul3A_392, %add3A_393 : i32
        %dma_start3A_395 = arith.constant 256 : i32
        %dma_start3A_396 = arith.constant 0 : i32
        %dma_start3A_397 = tpu.memref_slice %arg7[%dma_start3A_395, %dma_start3A_396] : memref<1280x32xf32, #tpu.memory_space<vmem>> -> memref<128x32xf32, #tpu.memory_space<vmem>>
        %dma_start3A_398 = arith.constant 0 : i32
        %dma_start3A_399 = tpu.memref_slice %arg5[%add3A_394, %dma_start3A_398] : memref<100x128xi32, #tpu.memory_space<vmem>> -> memref<1x128xi32, #tpu.memory_space<vmem>>
        %dma_start3A_400 = tpu.memref_squeeze %dma_start3A_399 : memref<1x128xi32, #tpu.memory_space<vmem>> -> memref<128xi32, #tpu.memory_space<vmem>>
        %dma_start3A_401 = arith.constant 0 : i32
        %dma_start3A_402 = arith.constant 0 : i32
        %dma_start3A_403 = tpu.memref_slice %arg3[%dma_start3A_401, %dma_start3A_402] : memref<1015808x32xf32, #tpu.memory_space<hbm>> -> memref<1015808x32xf32, #tpu.memory_space<hbm>>
        tpu.enqueue_indirect_dma source(%dma_start3A_403 : memref<1015808x32xf32, #tpu.memory_space<hbm>>) target(%dma_start3A_397 : memref<128x32xf32, #tpu.memory_space<vmem>>) offsets(%dma_start3A_400 : memref<128xi32, #tpu.memory_space<vmem>>) semaphore(%arg9 : memref<!tpu.dma_semaphore, #tpu.memory_space<semaphore_mem>>)
        %mul3A_404 = arith.constant 10 : i32
        %mul3A_405 = arith.muli %add3A_364, %mul3A_404 : i32
        %add3A_406 = arith.constant 3 : i32
        %add3A_407 = arith.addi %mul3A_405, %add3A_406 : i32
        %dma_start3A_408 = arith.constant 384 : i32
        %dma_start3A_409 = arith.constant 0 : i32
        %dma_start3A_410 = tpu.memref_slice %arg7[%dma_start3A_408, %dma_start3A_409] : memref<1280x32xf32, #tpu.memory_space<vmem>> -> memref<128x32xf32, #tpu.memory_space<vmem>>
        %dma_start3A_411 = arith.constant 0 : i32
        %dma_start3A_412 = tpu.memref_slice %arg5[%add3A_407, %dma_start3A_411] : memref<100x128xi32, #tpu.memory_space<vmem>> -> memref<1x128xi32, #tpu.memory_space<vmem>>
        %dma_start3A_413 = tpu.memref_squeeze %dma_start3A_412 : memref<1x128xi32, #tpu.memory_space<vmem>> -> memref<128xi32, #tpu.memory_space<vmem>>
        %dma_start3A_414 = arith.constant 0 : i32
        %dma_start3A_415 = arith.constant 0 : i32
        %dma_start3A_416 = tpu.memref_slice %arg3[%dma_start3A_414, %dma_start3A_415] : memref<1015808x32xf32, #tpu.memory_space<hbm>> -> memref<1015808x32xf32, #tpu.memory_space<hbm>>
        tpu.enqueue_indirect_dma source(%dma_start3A_416 : memref<1015808x32xf32, #tpu.memory_space<hbm>>) target(%dma_start3A_410 : memref<128x32xf32, #tpu.memory_space<vmem>>) offsets(%dma_start3A_413 : memref<128xi32, #tpu.memory_space<vmem>>) semaphore(%arg9 : memref<!tpu.dma_semaphore, #tpu.memory_space<semaphore_mem>>)
        %mul3A_417 = arith.constant 10 : i32
        %mul3A_418 = arith.muli %add3A_364, %mul3A_417 : i32
        %add3A_419 = arith.constant 4 : i32
        %add3A_420 = arith.addi %mul3A_418, %add3A_419 : i32
        %dma_start3A_421 = arith.constant 512 : i32
        %dma_start3A_422 = arith.constant 0 : i32
        %dma_start3A_423 = tpu.memref_slice %arg7[%dma_start3A_421, %dma_start3A_422] : memref<1280x32xf32, #tpu.memory_space<vmem>> -> memref<128x32xf32, #tpu.memory_space<vmem>>
        %dma_start3A_424 = arith.constant 0 : i32
        %dma_start3A_425 = tpu.memref_slice %arg5[%add3A_420, %dma_start3A_424] : memref<100x128xi32, #tpu.memory_space<vmem>> -> memref<1x128xi32, #tpu.memory_space<vmem>>
        %dma_start3A_426 = tpu.memref_squeeze %dma_start3A_425 : memref<1x128xi32, #tpu.memory_space<vmem>> -> memref<128xi32, #tpu.memory_space<vmem>>
        %dma_start3A_427 = arith.constant 0 : i32
        %dma_start3A_428 = arith.constant 0 : i32
        %dma_start3A_429 = tpu.memref_slice %arg3[%dma_start3A_427, %dma_start3A_428] : memref<1015808x32xf32, #tpu.memory_space<hbm>> -> memref<1015808x32xf32, #tpu.memory_space<hbm>>
        tpu.enqueue_indirect_dma source(%dma_start3A_429 : memref<1015808x32xf32, #tpu.memory_space<hbm>>) target(%dma_start3A_423 : memref<128x32xf32, #tpu.memory_space<vmem>>) offsets(%dma_start3A_426 : memref<128xi32, #tpu.memory_space<vmem>>) semaphore(%arg9 : memref<!tpu.dma_semaphore, #tpu.memory_space<semaphore_mem>>)
        %mul3A_430 = arith.constant 10 : i32
        %mul3A_431 = arith.muli %add3A_364, %mul3A_430 : i32
        %add3A_432 = arith.constant 5 : i32
        %add3A_433 = arith.addi %mul3A_431, %add3A_432 : i32
        %dma_start3A_434 = arith.constant 640 : i32
        %dma_start3A_435 = arith.constant 0 : i32
        %dma_start3A_436 = tpu.memref_slice %arg7[%dma_start3A_434, %dma_start3A_435] : memref<1280x32xf32, #tpu.memory_space<vmem>> -> memref<128x32xf32, #tpu.memory_space<vmem>>
        %dma_start3A_437 = arith.constant 0 : i32
        %dma_start3A_438 = tpu.memref_slice %arg5[%add3A_433, %dma_start3A_437] : memref<100x128xi32, #tpu.memory_space<vmem>> -> memref<1x128xi32, #tpu.memory_space<vmem>>
        %dma_start3A_439 = tpu.memref_squeeze %dma_start3A_438 : memref<1x128xi32, #tpu.memory_space<vmem>> -> memref<128xi32, #tpu.memory_space<vmem>>
        %dma_start3A_440 = arith.constant 0 : i32
        %dma_start3A_441 = arith.constant 0 : i32
        %dma_start3A_442 = tpu.memref_slice %arg3[%dma_start3A_440, %dma_start3A_441] : memref<1015808x32xf32, #tpu.memory_space<hbm>> -> memref<1015808x32xf32, #tpu.memory_space<hbm>>
        tpu.enqueue_indirect_dma source(%dma_start3A_442 : memref<1015808x32xf32, #tpu.memory_space<hbm>>) target(%dma_start3A_436 : memref<128x32xf32, #tpu.memory_space<vmem>>) offsets(%dma_start3A_439 : memref<128xi32, #tpu.memory_space<vmem>>) semaphore(%arg9 : memref<!tpu.dma_semaphore, #tpu.memory_space<semaphore_mem>>)
        %mul3A_443 = arith.constant 10 : i32
        %mul3A_444 = arith.muli %add3A_364, %mul3A_443 : i32
        %add3A_445 = arith.constant 6 : i32
        %add3A_446 = arith.addi %mul3A_444, %add3A_445 : i32
        %dma_start3A_447 = arith.constant 768 : i32
        %dma_start3A_448 = arith.constant 0 : i32
        %dma_start3A_449 = tpu.memref_slice %arg7[%dma_start3A_447, %dma_start3A_448] : memref<1280x32xf32, #tpu.memory_space<vmem>> -> memref<128x32xf32, #tpu.memory_space<vmem>>
        %dma_start3A_450 = arith.constant 0 : i32
        %dma_start3A_451 = tpu.memref_slice %arg5[%add3A_446, %dma_start3A_450] : memref<100x128xi32, #tpu.memory_space<vmem>> -> memref<1x128xi32, #tpu.memory_space<vmem>>
        %dma_start3A_452 = tpu.memref_squeeze %dma_start3A_451 : memref<1x128xi32, #tpu.memory_space<vmem>> -> memref<128xi32, #tpu.memory_space<vmem>>
        %dma_start3A_453 = arith.constant 0 : i32
        %dma_start3A_454 = arith.constant 0 : i32
        %dma_start3A_455 = tpu.memref_slice %arg3[%dma_start3A_453, %dma_start3A_454] : memref<1015808x32xf32, #tpu.memory_space<hbm>> -> memref<1015808x32xf32, #tpu.memory_space<hbm>>
        tpu.enqueue_indirect_dma source(%dma_start3A_455 : memref<1015808x32xf32, #tpu.memory_space<hbm>>) target(%dma_start3A_449 : memref<128x32xf32, #tpu.memory_space<vmem>>) offsets(%dma_start3A_452 : memref<128xi32, #tpu.memory_space<vmem>>) semaphore(%arg9 : memref<!tpu.dma_semaphore, #tpu.memory_space<semaphore_mem>>)
        %mul3A_456 = arith.constant 10 : i32
        %mul3A_457 = arith.muli %add3A_364, %mul3A_456 : i32
        %add3A_458 = arith.constant 7 : i32
        %add3A_459 = arith.addi %mul3A_457, %add3A_458 : i32
        %dma_start3A_460 = arith.constant 896 : i32
        %dma_start3A_461 = arith.constant 0 : i32
        %dma_start3A_462 = tpu.memref_slice %arg7[%dma_start3A_460, %dma_start3A_461] : memref<1280x32xf32, #tpu.memory_space<vmem>> -> memref<128x32xf32, #tpu.memory_space<vmem>>
        %dma_start3A_463 = arith.constant 0 : i32
        %dma_start3A_464 = tpu.memref_slice %arg5[%add3A_459, %dma_start3A_463] : memref<100x128xi32, #tpu.memory_space<vmem>> -> memref<1x128xi32, #tpu.memory_space<vmem>>
        %dma_start3A_465 = tpu.memref_squeeze %dma_start3A_464 : memref<1x128xi32, #tpu.memory_space<vmem>> -> memref<128xi32, #tpu.memory_space<vmem>>
        %dma_start3A_466 = arith.constant 0 : i32
        %dma_start3A_467 = arith.constant 0 : i32
        %dma_start3A_468 = tpu.memref_slice %arg3[%dma_start3A_466, %dma_start3A_467] : memref<1015808x32xf32, #tpu.memory_space<hbm>> -> memref<1015808x32xf32, #tpu.memory_space<hbm>>
        tpu.enqueue_indirect_dma source(%dma_start3A_468 : memref<1015808x32xf32, #tpu.memory_space<hbm>>) target(%dma_start3A_462 : memref<128x32xf32, #tpu.memory_space<vmem>>) offsets(%dma_start3A_465 : memref<128xi32, #tpu.memory_space<vmem>>) semaphore(%arg9 : memref<!tpu.dma_semaphore, #tpu.memory_space<semaphore_mem>>)
        %mul3A_469 = arith.constant 10 : i32
        %mul3A_470 = arith.muli %add3A_364, %mul3A_469 : i32
        %add3A_471 = arith.constant 8 : i32
        %add3A_472 = arith.addi %mul3A_470, %add3A_471 : i32
        %dma_start3A_473 = arith.constant 1024 : i32
        %dma_start3A_474 = arith.constant 0 : i32
        %dma_start3A_475 = tpu.memref_slice %arg7[%dma_start3A_473, %dma_start3A_474] : memref<1280x32xf32, #tpu.memory_space<vmem>> -> memref<128x32xf32, #tpu.memory_space<vmem>>
        %dma_start3A_476 = arith.constant 0 : i32
        %dma_start3A_477 = tpu.memref_slice %arg5[%add3A_472, %dma_start3A_476] : memref<100x128xi32, #tpu.memory_space<vmem>> -> memref<1x128xi32, #tpu.memory_space<vmem>>
        %dma_start3A_478 = tpu.memref_squeeze %dma_start3A_477 : memref<1x128xi32, #tpu.memory_space<vmem>> -> memref<128xi32, #tpu.memory_space<vmem>>
        %dma_start3A_479 = arith.constant 0 : i32
        %dma_start3A_480 = arith.constant 0 : i32
        %dma_start3A_481 = tpu.memref_slice %arg3[%dma_start3A_479, %dma_start3A_480] : memref<1015808x32xf32, #tpu.memory_space<hbm>> -> memref<1015808x32xf32, #tpu.memory_space<hbm>>
        tpu.enqueue_indirect_dma source(%dma_start3A_481 : memref<1015808x32xf32, #tpu.memory_space<hbm>>) target(%dma_start3A_475 : memref<128x32xf32, #tpu.memory_space<vmem>>) offsets(%dma_start3A_478 : memref<128xi32, #tpu.memory_space<vmem>>) semaphore(%arg9 : memref<!tpu.dma_semaphore, #tpu.memory_space<semaphore_mem>>)
        %mul3A_482 = arith.constant 10 : i32
        %mul3A_483 = arith.muli %add3A_364, %mul3A_482 : i32
        %add3A_484 = arith.constant 9 : i32
        %add3A_485 = arith.addi %mul3A_483, %add3A_484 : i32
        %dma_start3A_486 = arith.constant 1152 : i32
        %dma_start3A_487 = arith.constant 0 : i32
        %dma_start3A_488 = tpu.memref_slice %arg7[%dma_start3A_486, %dma_start3A_487] : memref<1280x32xf32, #tpu.memory_space<vmem>> -> memref<128x32xf32, #tpu.memory_space<vmem>>
        %dma_start3A_489 = arith.constant 0 : i32
        %dma_start3A_490 = tpu.memref_slice %arg5[%add3A_485, %dma_start3A_489] : memref<100x128xi32, #tpu.memory_space<vmem>> -> memref<1x128xi32, #tpu.memory_space<vmem>>
        %dma_start3A_491 = tpu.memref_squeeze %dma_start3A_490 : memref<1x128xi32, #tpu.memory_space<vmem>> -> memref<128xi32, #tpu.memory_space<vmem>>
        %dma_start3A_492 = arith.constant 0 : i32
        %dma_start3A_493 = arith.constant 0 : i32
        %dma_start3A_494 = tpu.memref_slice %arg3[%dma_start3A_492, %dma_start3A_493] : memref<1015808x32xf32, #tpu.memory_space<hbm>> -> memref<1015808x32xf32, #tpu.memory_space<hbm>>
        tpu.enqueue_indirect_dma source(%dma_start3A_494 : memref<1015808x32xf32, #tpu.memory_space<hbm>>) target(%dma_start3A_488 : memref<128x32xf32, #tpu.memory_space<vmem>>) offsets(%dma_start3A_491 : memref<128xi32, #tpu.memory_space<vmem>>) semaphore(%arg9 : memref<!tpu.dma_semaphore, #tpu.memory_space<semaphore_mem>>)
      } else {
      }
      %dma_wait3A_133 = arith.constant 0 : i32
      %dma_wait3A_134 = arith.constant 0 : i32
      %dma_wait3A_135 = arith.constant 0 : i32
      %dma_wait3A_136 = tpu.memref_slice %arg6[%dma_wait3A_134, %dma_wait3A_135] : memref<1280x32xf32, #tpu.memory_space<vmem>> -> memref<128x32xf32, #tpu.memory_space<vmem>>
      %dma_wait3A_137 = arith.constant 0 : i32
      %dma_wait3A_138 = tpu.memref_slice %arg5[%dma_wait3A_133, %dma_wait3A_137] : memref<100x128xi32, #tpu.memory_space<vmem>> -> memref<1x128xi32, #tpu.memory_space<vmem>>
      %dma_wait3A_139 = tpu.memref_squeeze %dma_wait3A_138 : memref<1x128xi32, #tpu.memory_space<vmem>> -> memref<128xi32, #tpu.memory_space<vmem>>
      %dma_wait3A_140 = arith.constant 0 : i32
      %dma_wait3A_141 = arith.constant 0 : i32
      %dma_wait3A_142 = tpu.memref_slice %arg3[%dma_wait3A_140, %dma_wait3A_141] : memref<1015808x32xf32, #tpu.memory_space<hbm>> -> memref<1015808x32xf32, #tpu.memory_space<hbm>>
      tpu.wait_indirect_dma semaphore(%arg8 : memref<!tpu.dma_semaphore, #tpu.memory_space<semaphore_mem>>) src(%dma_wait3A_142 : memref<1015808x32xf32, #tpu.memory_space<hbm>>) dst(%dma_wait3A_136 : memref<128x32xf32, #tpu.memory_space<vmem>>)
      %dma_wait3A_143 = arith.constant 0 : i32
      %dma_wait3A_144 = arith.constant 128 : i32
      %dma_wait3A_145 = arith.constant 0 : i32
      %dma_wait3A_146 = tpu.memref_slice %arg6[%dma_wait3A_144, %dma_wait3A_145] : memref<1280x32xf32, #tpu.memory_space<vmem>> -> memref<128x32xf32, #tpu.memory_space<vmem>>
      %dma_wait3A_147 = arith.constant 0 : i32
      %dma_wait3A_148 = tpu.memref_slice %arg5[%dma_wait3A_143, %dma_wait3A_147] : memref<100x128xi32, #tpu.memory_space<vmem>> -> memref<1x128xi32, #tpu.memory_space<vmem>>
      %dma_wait3A_149 = tpu.memref_squeeze %dma_wait3A_148 : memref<1x128xi32, #tpu.memory_space<vmem>> -> memref<128xi32, #tpu.memory_space<vmem>>
      %dma_wait3A_150 = arith.constant 0 : i32
      %dma_wait3A_151 = arith.constant 0 : i32
      %dma_wait3A_152 = tpu.memref_slice %arg3[%dma_wait3A_150, %dma_wait3A_151] : memref<1015808x32xf32, #tpu.memory_space<hbm>> -> memref<1015808x32xf32, #tpu.memory_space<hbm>>
      tpu.wait_indirect_dma semaphore(%arg8 : memref<!tpu.dma_semaphore, #tpu.memory_space<semaphore_mem>>) src(%dma_wait3A_152 : memref<1015808x32xf32, #tpu.memory_space<hbm>>) dst(%dma_wait3A_146 : memref<128x32xf32, #tpu.memory_space<vmem>>)
      %dma_wait3A_153 = arith.constant 0 : i32
      %dma_wait3A_154 = arith.constant 256 : i32
      %dma_wait3A_155 = arith.constant 0 : i32
      %dma_wait3A_156 = tpu.memref_slice %arg6[%dma_wait3A_154, %dma_wait3A_155] : memref<1280x32xf32, #tpu.memory_space<vmem>> -> memref<128x32xf32, #tpu.memory_space<vmem>>
      %dma_wait3A_157 = arith.constant 0 : i32
      %dma_wait3A_158 = tpu.memref_slice %arg5[%dma_wait3A_153, %dma_wait3A_157] : memref<100x128xi32, #tpu.memory_space<vmem>> -> memref<1x128xi32, #tpu.memory_space<vmem>>
      %dma_wait3A_159 = tpu.memref_squeeze %dma_wait3A_158 : memref<1x128xi32, #tpu.memory_space<vmem>> -> memref<128xi32, #tpu.memory_space<vmem>>
      %dma_wait3A_160 = arith.constant 0 : i32
      %dma_wait3A_161 = arith.constant 0 : i32
      %dma_wait3A_162 = tpu.memref_slice %arg3[%dma_wait3A_160, %dma_wait3A_161] : memref<1015808x32xf32, #tpu.memory_space<hbm>> -> memref<1015808x32xf32, #tpu.memory_space<hbm>>
      tpu.wait_indirect_dma semaphore(%arg8 : memref<!tpu.dma_semaphore, #tpu.memory_space<semaphore_mem>>) src(%dma_wait3A_162 : memref<1015808x32xf32, #tpu.memory_space<hbm>>) dst(%dma_wait3A_156 : memref<128x32xf32, #tpu.memory_space<vmem>>)
      %dma_wait3A_163 = arith.constant 0 : i32
      %dma_wait3A_164 = arith.constant 384 : i32
      %dma_wait3A_165 = arith.constant 0 : i32
      %dma_wait3A_166 = tpu.memref_slice %arg6[%dma_wait3A_164, %dma_wait3A_165] : memref<1280x32xf32, #tpu.memory_space<vmem>> -> memref<128x32xf32, #tpu.memory_space<vmem>>
      %dma_wait3A_167 = arith.constant 0 : i32
      %dma_wait3A_168 = tpu.memref_slice %arg5[%dma_wait3A_163, %dma_wait3A_167] : memref<100x128xi32, #tpu.memory_space<vmem>> -> memref<1x128xi32, #tpu.memory_space<vmem>>
      %dma_wait3A_169 = tpu.memref_squeeze %dma_wait3A_168 : memref<1x128xi32, #tpu.memory_space<vmem>> -> memref<128xi32, #tpu.memory_space<vmem>>
      %dma_wait3A_170 = arith.constant 0 : i32
      %dma_wait3A_171 = arith.constant 0 : i32
      %dma_wait3A_172 = tpu.memref_slice %arg3[%dma_wait3A_170, %dma_wait3A_171] : memref<1015808x32xf32, #tpu.memory_space<hbm>> -> memref<1015808x32xf32, #tpu.memory_space<hbm>>
      tpu.wait_indirect_dma semaphore(%arg8 : memref<!tpu.dma_semaphore, #tpu.memory_space<semaphore_mem>>) src(%dma_wait3A_172 : memref<1015808x32xf32, #tpu.memory_space<hbm>>) dst(%dma_wait3A_166 : memref<128x32xf32, #tpu.memory_space<vmem>>)
      %dma_wait3A_173 = arith.constant 0 : i32
      %dma_wait3A_174 = arith.constant 512 : i32
      %dma_wait3A_175 = arith.constant 0 : i32
      %dma_wait3A_176 = tpu.memref_slice %arg6[%dma_wait3A_174, %dma_wait3A_175] : memref<1280x32xf32, #tpu.memory_space<vmem>> -> memref<128x32xf32, #tpu.memory_space<vmem>>
      %dma_wait3A_177 = arith.constant 0 : i32
      %dma_wait3A_178 = tpu.memref_slice %arg5[%dma_wait3A_173, %dma_wait3A_177] : memref<100x128xi32, #tpu.memory_space<vmem>> -> memref<1x128xi32, #tpu.memory_space<vmem>>
      %dma_wait3A_179 = tpu.memref_squeeze %dma_wait3A_178 : memref<1x128xi32, #tpu.memory_space<vmem>> -> memref<128xi32, #tpu.memory_space<vmem>>
      %dma_wait3A_180 = arith.constant 0 : i32
      %dma_wait3A_181 = arith.constant 0 : i32
      %dma_wait3A_182 = tpu.memref_slice %arg3[%dma_wait3A_180, %dma_wait3A_181] : memref<1015808x32xf32, #tpu.memory_space<hbm>> -> memref<1015808x32xf32, #tpu.memory_space<hbm>>
      tpu.wait_indirect_dma semaphore(%arg8 : memref<!tpu.dma_semaphore, #tpu.memory_space<semaphore_mem>>) src(%dma_wait3A_182 : memref<1015808x32xf32, #tpu.memory_space<hbm>>) dst(%dma_wait3A_176 : memref<128x32xf32, #tpu.memory_space<vmem>>)
      %dma_wait3A_183 = arith.constant 0 : i32
      %dma_wait3A_184 = arith.constant 640 : i32
      %dma_wait3A_185 = arith.constant 0 : i32
      %dma_wait3A_186 = tpu.memref_slice %arg6[%dma_wait3A_184, %dma_wait3A_185] : memref<1280x32xf32, #tpu.memory_space<vmem>> -> memref<128x32xf32, #tpu.memory_space<vmem>>
      %dma_wait3A_187 = arith.constant 0 : i32
      %dma_wait3A_188 = tpu.memref_slice %arg5[%dma_wait3A_183, %dma_wait3A_187] : memref<100x128xi32, #tpu.memory_space<vmem>> -> memref<1x128xi32, #tpu.memory_space<vmem>>
      %dma_wait3A_189 = tpu.memref_squeeze %dma_wait3A_188 : memref<1x128xi32, #tpu.memory_space<vmem>> -> memref<128xi32, #tpu.memory_space<vmem>>
      %dma_wait3A_190 = arith.constant 0 : i32
      %dma_wait3A_191 = arith.constant 0 : i32
      %dma_wait3A_192 = tpu.memref_slice %arg3[%dma_wait3A_190, %dma_wait3A_191] : memref<1015808x32xf32, #tpu.memory_space<hbm>> -> memref<1015808x32xf32, #tpu.memory_space<hbm>>
      tpu.wait_indirect_dma semaphore(%arg8 : memref<!tpu.dma_semaphore, #tpu.memory_space<semaphore_mem>>) src(%dma_wait3A_192 : memref<1015808x32xf32, #tpu.memory_space<hbm>>) dst(%dma_wait3A_186 : memref<128x32xf32, #tpu.memory_space<vmem>>)
      %dma_wait3A_193 = arith.constant 0 : i32
      %dma_wait3A_194 = arith.constant 768 : i32
      %dma_wait3A_195 = arith.constant 0 : i32
      %dma_wait3A_196 = tpu.memref_slice %arg6[%dma_wait3A_194, %dma_wait3A_195] : memref<1280x32xf32, #tpu.memory_space<vmem>> -> memref<128x32xf32, #tpu.memory_space<vmem>>
      %dma_wait3A_197 = arith.constant 0 : i32
      %dma_wait3A_198 = tpu.memref_slice %arg5[%dma_wait3A_193, %dma_wait3A_197] : memref<100x128xi32, #tpu.memory_space<vmem>> -> memref<1x128xi32, #tpu.memory_space<vmem>>
      %dma_wait3A_199 = tpu.memref_squeeze %dma_wait3A_198 : memref<1x128xi32, #tpu.memory_space<vmem>> -> memref<128xi32, #tpu.memory_space<vmem>>
      %dma_wait3A_200 = arith.constant 0 : i32
      %dma_wait3A_201 = arith.constant 0 : i32
      %dma_wait3A_202 = tpu.memref_slice %arg3[%dma_wait3A_200, %dma_wait3A_201] : memref<1015808x32xf32, #tpu.memory_space<hbm>> -> memref<1015808x32xf32, #tpu.memory_space<hbm>>
      tpu.wait_indirect_dma semaphore(%arg8 : memref<!tpu.dma_semaphore, #tpu.memory_space<semaphore_mem>>) src(%dma_wait3A_202 : memref<1015808x32xf32, #tpu.memory_space<hbm>>) dst(%dma_wait3A_196 : memref<128x32xf32, #tpu.memory_space<vmem>>)
      %dma_wait3A_203 = arith.constant 0 : i32
      %dma_wait3A_204 = arith.constant 896 : i32
      %dma_wait3A_205 = arith.constant 0 : i32
      %dma_wait3A_206 = tpu.memref_slice %arg6[%dma_wait3A_204, %dma_wait3A_205] : memref<1280x32xf32, #tpu.memory_space<vmem>> -> memref<128x32xf32, #tpu.memory_space<vmem>>
      %dma_wait3A_207 = arith.constant 0 : i32
      %dma_wait3A_208 = tpu.memref_slice %arg5[%dma_wait3A_203, %dma_wait3A_207] : memref<100x128xi32, #tpu.memory_space<vmem>> -> memref<1x128xi32, #tpu.memory_space<vmem>>
      %dma_wait3A_209 = tpu.memref_squeeze %dma_wait3A_208 : memref<1x128xi32, #tpu.memory_space<vmem>> -> memref<128xi32, #tpu.memory_space<vmem>>
      %dma_wait3A_210 = arith.constant 0 : i32
      %dma_wait3A_211 = arith.constant 0 : i32
      %dma_wait3A_212 = tpu.memref_slice %arg3[%dma_wait3A_210, %dma_wait3A_211] : memref<1015808x32xf32, #tpu.memory_space<hbm>> -> memref<1015808x32xf32, #tpu.memory_space<hbm>>
      tpu.wait_indirect_dma semaphore(%arg8 : memref<!tpu.dma_semaphore, #tpu.memory_space<semaphore_mem>>) src(%dma_wait3A_212 : memref<1015808x32xf32, #tpu.memory_space<hbm>>) dst(%dma_wait3A_206 : memref<128x32xf32, #tpu.memory_space<vmem>>)
      %dma_wait3A_213 = arith.constant 0 : i32
      %dma_wait3A_214 = arith.constant 1024 : i32
      %dma_wait3A_215 = arith.constant 0 : i32
      %dma_wait3A_216 = tpu.memref_slice %arg6[%dma_wait3A_214, %dma_wait3A_215] : memref<1280x32xf32, #tpu.memory_space<vmem>> -> memref<128x32xf32, #tpu.memory_space<vmem>>
      %dma_wait3A_217 = arith.constant 0 : i32
      %dma_wait3A_218 = tpu.memref_slice %arg5[%dma_wait3A_213, %dma_wait3A_217] : memref<100x128xi32, #tpu.memory_space<vmem>> -> memref<1x128xi32, #tpu.memory_space<vmem>>
      %dma_wait3A_219 = tpu.memref_squeeze %dma_wait3A_218 : memref<1x128xi32, #tpu.memory_space<vmem>> -> memref<128xi32, #tpu.memory_space<vmem>>
      %dma_wait3A_220 = arith.constant 0 : i32
      %dma_wait3A_221 = arith.constant 0 : i32
      %dma_wait3A_222 = tpu.memref_slice %arg3[%dma_wait3A_220, %dma_wait3A_221] : memref<1015808x32xf32, #tpu.memory_space<hbm>> -> memref<1015808x32xf32, #tpu.memory_space<hbm>>
      tpu.wait_indirect_dma semaphore(%arg8 : memref<!tpu.dma_semaphore, #tpu.memory_space<semaphore_mem>>) src(%dma_wait3A_222 : memref<1015808x32xf32, #tpu.memory_space<hbm>>) dst(%dma_wait3A_216 : memref<128x32xf32, #tpu.memory_space<vmem>>)
      %dma_wait3A_223 = arith.constant 0 : i32
      %dma_wait3A_224 = arith.constant 1152 : i32
      %dma_wait3A_225 = arith.constant 0 : i32
      %dma_wait3A_226 = tpu.memref_slice %arg6[%dma_wait3A_224, %dma_wait3A_225] : memref<1280x32xf32, #tpu.memory_space<vmem>> -> memref<128x32xf32, #tpu.memory_space<vmem>>
      %dma_wait3A_227 = arith.constant 0 : i32
      %dma_wait3A_228 = tpu.memref_slice %arg5[%dma_wait3A_223, %dma_wait3A_227] : memref<100x128xi32, #tpu.memory_space<vmem>> -> memref<1x128xi32, #tpu.memory_space<vmem>>
      %dma_wait3A_229 = tpu.memref_squeeze %dma_wait3A_228 : memref<1x128xi32, #tpu.memory_space<vmem>> -> memref<128xi32, #tpu.memory_space<vmem>>
      %dma_wait3A_230 = arith.constant 0 : i32
      %dma_wait3A_231 = arith.constant 0 : i32
      %dma_wait3A_232 = tpu.memref_slice %arg3[%dma_wait3A_230, %dma_wait3A_231] : memref<1015808x32xf32, #tpu.memory_space<hbm>> -> memref<1015808x32xf32, #tpu.memory_space<hbm>>
      tpu.wait_indirect_dma semaphore(%arg8 : memref<!tpu.dma_semaphore, #tpu.memory_space<semaphore_mem>>) src(%dma_wait3A_232 : memref<1015808x32xf32, #tpu.memory_space<hbm>>) dst(%dma_wait3A_226 : memref<128x32xf32, #tpu.memory_space<vmem>>)
      %mul3A_233 = arith.constant 1280 : i32
      %mul3A_234 = arith.muli %add3A_124, %mul3A_233 : i32
      %add3A_235 = arith.addi %mul3A_2, %mul3A_234 : i32
      %dma_start3A_236 = arith.constant 0 : i32
      %dma_start3A_237 = tpu.memref_slice %arg4[%add3A_235, %dma_start3A_236] : memref<409600x32xf32, #tpu.memory_space<hbm>> -> memref<1280x32xf32, #tpu.memory_space<hbm>>
      %dma_start3A_238 = arith.constant 0 : i32
      %dma_start3A_239 = tpu.memref_slice %arg4[%add3A_235, %dma_start3A_238] : memref<409600x32xf32, #tpu.memory_space<hbm>> -> memref<1280x32xf32, #tpu.memory_space<hbm>>
      tpu.enqueue_dma source(%arg6 : memref<1280x32xf32, #tpu.memory_space<vmem>>) target(%dma_start3A_239 : memref<1280x32xf32, #tpu.memory_space<hbm>>) target_semaphore(%arg10 : memref<!tpu.dma_semaphore, #tpu.memory_space<semaphore_mem>>)
      %mul3A_240 = arith.constant 2 : i32
      %mul3A_241 = arith.muli %mul3A_240, %scan3A_120 : i32
      %add3A_242 = arith.constant 1 : i32
      %add3A_243 = arith.addi %mul3A_241, %add3A_242 : i32
      %ge3A_244 = arith.constant 1 : i32
      %ge3A_245 = arith.cmpi sge, %add3A_243, %ge3A_244 : i32
      %convert_element_type3A_246 = arith.extui %ge3A_245 : i1 to i32
      %cond3A_247 = arith.constant 0 : i32
      %cond3A_248 = arith.cmpi ne, %convert_element_type3A_246, %cond3A_247 : i32
      scf.if %cond3A_248 {
        %dma_wait3A_363 = arith.constant 0 : i32
        %dma_wait3A_364 = tpu.memref_slice %arg4[%mul3A_2, %dma_wait3A_363] : memref<409600x32xf32, #tpu.memory_space<hbm>> -> memref<1280x32xf32, #tpu.memory_space<hbm>>
        %dma_wait3A_365 = arith.constant 0 : i32
        %dma_wait3A_366 = tpu.memref_slice %arg4[%mul3A_2, %dma_wait3A_365] : memref<409600x32xf32, #tpu.memory_space<hbm>> -> memref<1280x32xf32, #tpu.memory_space<hbm>>
        tpu.wait_dma2 semaphore(%arg10 : memref<!tpu.dma_semaphore, #tpu.memory_space<semaphore_mem>>) src(%arg6 : memref<1280x32xf32, #tpu.memory_space<vmem>>) dst(%dma_wait3A_366 : memref<1280x32xf32, #tpu.memory_space<hbm>>)
      } else {
      }
      %add3A_249 = arith.constant 1 : i32
      %add3A_250 = arith.addi %add3A_243, %add3A_249 : i32
      %lt3A_251 = arith.constant 10 : i32
      %lt3A_252 = arith.cmpi slt, %add3A_250, %lt3A_251 : i32
      %convert_element_type3A_253 = arith.extui %lt3A_252 : i1 to i32
      %cond3A_254 = arith.constant 0 : i32
      %cond3A_255 = arith.cmpi ne, %convert_element_type3A_253, %cond3A_254 : i32
      scf.if %cond3A_255 {
        %add3A_363 = arith.constant 1 : i32
        %add3A_364 = arith.addi %add3A_243, %add3A_363 : i32
        %mul3A_365 = arith.constant 10 : i32
        %mul3A_366 = arith.muli %add3A_364, %mul3A_365 : i32
        %add3A_367 = arith.constant 0 : i32
        %add3A_368 = arith.addi %mul3A_366, %add3A_367 : i32
        %dma_start3A_369 = arith.constant 0 : i32
        %dma_start3A_370 = arith.constant 0 : i32
        %dma_start3A_371 = tpu.memref_slice %arg6[%dma_start3A_369, %dma_start3A_370] : memref<1280x32xf32, #tpu.memory_space<vmem>> -> memref<128x32xf32, #tpu.memory_space<vmem>>
        %dma_start3A_372 = arith.constant 0 : i32
        %dma_start3A_373 = tpu.memref_slice %arg5[%add3A_368, %dma_start3A_372] : memref<100x128xi32, #tpu.memory_space<vmem>> -> memref<1x128xi32, #tpu.memory_space<vmem>>
        %dma_start3A_374 = tpu.memref_squeeze %dma_start3A_373 : memref<1x128xi32, #tpu.memory_space<vmem>> -> memref<128xi32, #tpu.memory_space<vmem>>
        %dma_start3A_375 = arith.constant 0 : i32
        %dma_start3A_376 = arith.constant 0 : i32
        %dma_start3A_377 = tpu.memref_slice %arg3[%dma_start3A_375, %dma_start3A_376] : memref<1015808x32xf32, #tpu.memory_space<hbm>> -> memref<1015808x32xf32, #tpu.memory_space<hbm>>
        tpu.enqueue_indirect_dma source(%dma_start3A_377 : memref<1015808x32xf32, #tpu.memory_space<hbm>>) target(%dma_start3A_371 : memref<128x32xf32, #tpu.memory_space<vmem>>) offsets(%dma_start3A_374 : memref<128xi32, #tpu.memory_space<vmem>>) semaphore(%arg8 : memref<!tpu.dma_semaphore, #tpu.memory_space<semaphore_mem>>)
        %mul3A_378 = arith.constant 10 : i32
        %mul3A_379 = arith.muli %add3A_364, %mul3A_378 : i32
        %add3A_380 = arith.constant 1 : i32
        %add3A_381 = arith.addi %mul3A_379, %add3A_380 : i32
        %dma_start3A_382 = arith.constant 128 : i32
        %dma_start3A_383 = arith.constant 0 : i32
        %dma_start3A_384 = tpu.memref_slice %arg6[%dma_start3A_382, %dma_start3A_383] : memref<1280x32xf32, #tpu.memory_space<vmem>> -> memref<128x32xf32, #tpu.memory_space<vmem>>
        %dma_start3A_385 = arith.constant 0 : i32
        %dma_start3A_386 = tpu.memref_slice %arg5[%add3A_381, %dma_start3A_385] : memref<100x128xi32, #tpu.memory_space<vmem>> -> memref<1x128xi32, #tpu.memory_space<vmem>>
        %dma_start3A_387 = tpu.memref_squeeze %dma_start3A_386 : memref<1x128xi32, #tpu.memory_space<vmem>> -> memref<128xi32, #tpu.memory_space<vmem>>
        %dma_start3A_388 = arith.constant 0 : i32
        %dma_start3A_389 = arith.constant 0 : i32
        %dma_start3A_390 = tpu.memref_slice %arg3[%dma_start3A_388, %dma_start3A_389] : memref<1015808x32xf32, #tpu.memory_space<hbm>> -> memref<1015808x32xf32, #tpu.memory_space<hbm>>
        tpu.enqueue_indirect_dma source(%dma_start3A_390 : memref<1015808x32xf32, #tpu.memory_space<hbm>>) target(%dma_start3A_384 : memref<128x32xf32, #tpu.memory_space<vmem>>) offsets(%dma_start3A_387 : memref<128xi32, #tpu.memory_space<vmem>>) semaphore(%arg8 : memref<!tpu.dma_semaphore, #tpu.memory_space<semaphore_mem>>)
        %mul3A_391 = arith.constant 10 : i32
        %mul3A_392 = arith.muli %add3A_364, %mul3A_391 : i32
        %add3A_393 = arith.constant 2 : i32
        %add3A_394 = arith.addi %mul3A_392, %add3A_393 : i32
        %dma_start3A_395 = arith.constant 256 : i32
        %dma_start3A_396 = arith.constant 0 : i32
        %dma_start3A_397 = tpu.memref_slice %arg6[%dma_start3A_395, %dma_start3A_396] : memref<1280x32xf32, #tpu.memory_space<vmem>> -> memref<128x32xf32, #tpu.memory_space<vmem>>
        %dma_start3A_398 = arith.constant 0 : i32
        %dma_start3A_399 = tpu.memref_slice %arg5[%add3A_394, %dma_start3A_398] : memref<100x128xi32, #tpu.memory_space<vmem>> -> memref<1x128xi32, #tpu.memory_space<vmem>>
        %dma_start3A_400 = tpu.memref_squeeze %dma_start3A_399 : memref<1x128xi32, #tpu.memory_space<vmem>> -> memref<128xi32, #tpu.memory_space<vmem>>
        %dma_start3A_401 = arith.constant 0 : i32
        %dma_start3A_402 = arith.constant 0 : i32
        %dma_start3A_403 = tpu.memref_slice %arg3[%dma_start3A_401, %dma_start3A_402] : memref<1015808x32xf32, #tpu.memory_space<hbm>> -> memref<1015808x32xf32, #tpu.memory_space<hbm>>
        tpu.enqueue_indirect_dma source(%dma_start3A_403 : memref<1015808x32xf32, #tpu.memory_space<hbm>>) target(%dma_start3A_397 : memref<128x32xf32, #tpu.memory_space<vmem>>) offsets(%dma_start3A_400 : memref<128xi32, #tpu.memory_space<vmem>>) semaphore(%arg8 : memref<!tpu.dma_semaphore, #tpu.memory_space<semaphore_mem>>)
        %mul3A_404 = arith.constant 10 : i32
        %mul3A_405 = arith.muli %add3A_364, %mul3A_404 : i32
        %add3A_406 = arith.constant 3 : i32
        %add3A_407 = arith.addi %mul3A_405, %add3A_406 : i32
        %dma_start3A_408 = arith.constant 384 : i32
        %dma_start3A_409 = arith.constant 0 : i32
        %dma_start3A_410 = tpu.memref_slice %arg6[%dma_start3A_408, %dma_start3A_409] : memref<1280x32xf32, #tpu.memory_space<vmem>> -> memref<128x32xf32, #tpu.memory_space<vmem>>
        %dma_start3A_411 = arith.constant 0 : i32
        %dma_start3A_412 = tpu.memref_slice %arg5[%add3A_407, %dma_start3A_411] : memref<100x128xi32, #tpu.memory_space<vmem>> -> memref<1x128xi32, #tpu.memory_space<vmem>>
        %dma_start3A_413 = tpu.memref_squeeze %dma_start3A_412 : memref<1x128xi32, #tpu.memory_space<vmem>> -> memref<128xi32, #tpu.memory_space<vmem>>
        %dma_start3A_414 = arith.constant 0 : i32
        %dma_start3A_415 = arith.constant 0 : i32
        %dma_start3A_416 = tpu.memref_slice %arg3[%dma_start3A_414, %dma_start3A_415] : memref<1015808x32xf32, #tpu.memory_space<hbm>> -> memref<1015808x32xf32, #tpu.memory_space<hbm>>
        tpu.enqueue_indirect_dma source(%dma_start3A_416 : memref<1015808x32xf32, #tpu.memory_space<hbm>>) target(%dma_start3A_410 : memref<128x32xf32, #tpu.memory_space<vmem>>) offsets(%dma_start3A_413 : memref<128xi32, #tpu.memory_space<vmem>>) semaphore(%arg8 : memref<!tpu.dma_semaphore, #tpu.memory_space<semaphore_mem>>)
        %mul3A_417 = arith.constant 10 : i32
        %mul3A_418 = arith.muli %add3A_364, %mul3A_417 : i32
        %add3A_419 = arith.constant 4 : i32
        %add3A_420 = arith.addi %mul3A_418, %add3A_419 : i32
        %dma_start3A_421 = arith.constant 512 : i32
        %dma_start3A_422 = arith.constant 0 : i32
        %dma_start3A_423 = tpu.memref_slice %arg6[%dma_start3A_421, %dma_start3A_422] : memref<1280x32xf32, #tpu.memory_space<vmem>> -> memref<128x32xf32, #tpu.memory_space<vmem>>
        %dma_start3A_424 = arith.constant 0 : i32
        %dma_start3A_425 = tpu.memref_slice %arg5[%add3A_420, %dma_start3A_424] : memref<100x128xi32, #tpu.memory_space<vmem>> -> memref<1x128xi32, #tpu.memory_space<vmem>>
        %dma_start3A_426 = tpu.memref_squeeze %dma_start3A_425 : memref<1x128xi32, #tpu.memory_space<vmem>> -> memref<128xi32, #tpu.memory_space<vmem>>
        %dma_start3A_427 = arith.constant 0 : i32
        %dma_start3A_428 = arith.constant 0 : i32
        %dma_start3A_429 = tpu.memref_slice %arg3[%dma_start3A_427, %dma_start3A_428] : memref<1015808x32xf32, #tpu.memory_space<hbm>> -> memref<1015808x32xf32, #tpu.memory_space<hbm>>
        tpu.enqueue_indirect_dma source(%dma_start3A_429 : memref<1015808x32xf32, #tpu.memory_space<hbm>>) target(%dma_start3A_423 : memref<128x32xf32, #tpu.memory_space<vmem>>) offsets(%dma_start3A_426 : memref<128xi32, #tpu.memory_space<vmem>>) semaphore(%arg8 : memref<!tpu.dma_semaphore, #tpu.memory_space<semaphore_mem>>)
        %mul3A_430 = arith.constant 10 : i32
        %mul3A_431 = arith.muli %add3A_364, %mul3A_430 : i32
        %add3A_432 = arith.constant 5 : i32
        %add3A_433 = arith.addi %mul3A_431, %add3A_432 : i32
        %dma_start3A_434 = arith.constant 640 : i32
        %dma_start3A_435 = arith.constant 0 : i32
        %dma_start3A_436 = tpu.memref_slice %arg6[%dma_start3A_434, %dma_start3A_435] : memref<1280x32xf32, #tpu.memory_space<vmem>> -> memref<128x32xf32, #tpu.memory_space<vmem>>
        %dma_start3A_437 = arith.constant 0 : i32
        %dma_start3A_438 = tpu.memref_slice %arg5[%add3A_433, %dma_start3A_437] : memref<100x128xi32, #tpu.memory_space<vmem>> -> memref<1x128xi32, #tpu.memory_space<vmem>>
        %dma_start3A_439 = tpu.memref_squeeze %dma_start3A_438 : memref<1x128xi32, #tpu.memory_space<vmem>> -> memref<128xi32, #tpu.memory_space<vmem>>
        %dma_start3A_440 = arith.constant 0 : i32
        %dma_start3A_441 = arith.constant 0 : i32
        %dma_start3A_442 = tpu.memref_slice %arg3[%dma_start3A_440, %dma_start3A_441] : memref<1015808x32xf32, #tpu.memory_space<hbm>> -> memref<1015808x32xf32, #tpu.memory_space<hbm>>
        tpu.enqueue_indirect_dma source(%dma_start3A_442 : memref<1015808x32xf32, #tpu.memory_space<hbm>>) target(%dma_start3A_436 : memref<128x32xf32, #tpu.memory_space<vmem>>) offsets(%dma_start3A_439 : memref<128xi32, #tpu.memory_space<vmem>>) semaphore(%arg8 : memref<!tpu.dma_semaphore, #tpu.memory_space<semaphore_mem>>)
        %mul3A_443 = arith.constant 10 : i32
        %mul3A_444 = arith.muli %add3A_364, %mul3A_443 : i32
        %add3A_445 = arith.constant 6 : i32
        %add3A_446 = arith.addi %mul3A_444, %add3A_445 : i32
        %dma_start3A_447 = arith.constant 768 : i32
        %dma_start3A_448 = arith.constant 0 : i32
        %dma_start3A_449 = tpu.memref_slice %arg6[%dma_start3A_447, %dma_start3A_448] : memref<1280x32xf32, #tpu.memory_space<vmem>> -> memref<128x32xf32, #tpu.memory_space<vmem>>
        %dma_start3A_450 = arith.constant 0 : i32
        %dma_start3A_451 = tpu.memref_slice %arg5[%add3A_446, %dma_start3A_450] : memref<100x128xi32, #tpu.memory_space<vmem>> -> memref<1x128xi32, #tpu.memory_space<vmem>>
        %dma_start3A_452 = tpu.memref_squeeze %dma_start3A_451 : memref<1x128xi32, #tpu.memory_space<vmem>> -> memref<128xi32, #tpu.memory_space<vmem>>
        %dma_start3A_453 = arith.constant 0 : i32
        %dma_start3A_454 = arith.constant 0 : i32
        %dma_start3A_455 = tpu.memref_slice %arg3[%dma_start3A_453, %dma_start3A_454] : memref<1015808x32xf32, #tpu.memory_space<hbm>> -> memref<1015808x32xf32, #tpu.memory_space<hbm>>
        tpu.enqueue_indirect_dma source(%dma_start3A_455 : memref<1015808x32xf32, #tpu.memory_space<hbm>>) target(%dma_start3A_449 : memref<128x32xf32, #tpu.memory_space<vmem>>) offsets(%dma_start3A_452 : memref<128xi32, #tpu.memory_space<vmem>>) semaphore(%arg8 : memref<!tpu.dma_semaphore, #tpu.memory_space<semaphore_mem>>)
        %mul3A_456 = arith.constant 10 : i32
        %mul3A_457 = arith.muli %add3A_364, %mul3A_456 : i32
        %add3A_458 = arith.constant 7 : i32
        %add3A_459 = arith.addi %mul3A_457, %add3A_458 : i32
        %dma_start3A_460 = arith.constant 896 : i32
        %dma_start3A_461 = arith.constant 0 : i32
        %dma_start3A_462 = tpu.memref_slice %arg6[%dma_start3A_460, %dma_start3A_461] : memref<1280x32xf32, #tpu.memory_space<vmem>> -> memref<128x32xf32, #tpu.memory_space<vmem>>
        %dma_start3A_463 = arith.constant 0 : i32
        %dma_start3A_464 = tpu.memref_slice %arg5[%add3A_459, %dma_start3A_463] : memref<100x128xi32, #tpu.memory_space<vmem>> -> memref<1x128xi32, #tpu.memory_space<vmem>>
        %dma_start3A_465 = tpu.memref_squeeze %dma_start3A_464 : memref<1x128xi32, #tpu.memory_space<vmem>> -> memref<128xi32, #tpu.memory_space<vmem>>
        %dma_start3A_466 = arith.constant 0 : i32
        %dma_start3A_467 = arith.constant 0 : i32
        %dma_start3A_468 = tpu.memref_slice %arg3[%dma_start3A_466, %dma_start3A_467] : memref<1015808x32xf32, #tpu.memory_space<hbm>> -> memref<1015808x32xf32, #tpu.memory_space<hbm>>
        tpu.enqueue_indirect_dma source(%dma_start3A_468 : memref<1015808x32xf32, #tpu.memory_space<hbm>>) target(%dma_start3A_462 : memref<128x32xf32, #tpu.memory_space<vmem>>) offsets(%dma_start3A_465 : memref<128xi32, #tpu.memory_space<vmem>>) semaphore(%arg8 : memref<!tpu.dma_semaphore, #tpu.memory_space<semaphore_mem>>)
        %mul3A_469 = arith.constant 10 : i32
        %mul3A_470 = arith.muli %add3A_364, %mul3A_469 : i32
        %add3A_471 = arith.constant 8 : i32
        %add3A_472 = arith.addi %mul3A_470, %add3A_471 : i32
        %dma_start3A_473 = arith.constant 1024 : i32
        %dma_start3A_474 = arith.constant 0 : i32
        %dma_start3A_475 = tpu.memref_slice %arg6[%dma_start3A_473, %dma_start3A_474] : memref<1280x32xf32, #tpu.memory_space<vmem>> -> memref<128x32xf32, #tpu.memory_space<vmem>>
        %dma_start3A_476 = arith.constant 0 : i32
        %dma_start3A_477 = tpu.memref_slice %arg5[%add3A_472, %dma_start3A_476] : memref<100x128xi32, #tpu.memory_space<vmem>> -> memref<1x128xi32, #tpu.memory_space<vmem>>
        %dma_start3A_478 = tpu.memref_squeeze %dma_start3A_477 : memref<1x128xi32, #tpu.memory_space<vmem>> -> memref<128xi32, #tpu.memory_space<vmem>>
        %dma_start3A_479 = arith.constant 0 : i32
        %dma_start3A_480 = arith.constant 0 : i32
        %dma_start3A_481 = tpu.memref_slice %arg3[%dma_start3A_479, %dma_start3A_480] : memref<1015808x32xf32, #tpu.memory_space<hbm>> -> memref<1015808x32xf32, #tpu.memory_space<hbm>>
        tpu.enqueue_indirect_dma source(%dma_start3A_481 : memref<1015808x32xf32, #tpu.memory_space<hbm>>) target(%dma_start3A_475 : memref<128x32xf32, #tpu.memory_space<vmem>>) offsets(%dma_start3A_478 : memref<128xi32, #tpu.memory_space<vmem>>) semaphore(%arg8 : memref<!tpu.dma_semaphore, #tpu.memory_space<semaphore_mem>>)
        %mul3A_482 = arith.constant 10 : i32
        %mul3A_483 = arith.muli %add3A_364, %mul3A_482 : i32
        %add3A_484 = arith.constant 9 : i32
        %add3A_485 = arith.addi %mul3A_483, %add3A_484 : i32
        %dma_start3A_486 = arith.constant 1152 : i32
        %dma_start3A_487 = arith.constant 0 : i32
        %dma_start3A_488 = tpu.memref_slice %arg6[%dma_start3A_486, %dma_start3A_487] : memref<1280x32xf32, #tpu.memory_space<vmem>> -> memref<128x32xf32, #tpu.memory_space<vmem>>
        %dma_start3A_489 = arith.constant 0 : i32
        %dma_start3A_490 = tpu.memref_slice %arg5[%add3A_485, %dma_start3A_489] : memref<100x128xi32, #tpu.memory_space<vmem>> -> memref<1x128xi32, #tpu.memory_space<vmem>>
        %dma_start3A_491 = tpu.memref_squeeze %dma_start3A_490 : memref<1x128xi32, #tpu.memory_space<vmem>> -> memref<128xi32, #tpu.memory_space<vmem>>
        %dma_start3A_492 = arith.constant 0 : i32
        %dma_start3A_493 = arith.constant 0 : i32
        %dma_start3A_494 = tpu.memref_slice %arg3[%dma_start3A_492, %dma_start3A_493] : memref<1015808x32xf32, #tpu.memory_space<hbm>> -> memref<1015808x32xf32, #tpu.memory_space<hbm>>
        tpu.enqueue_indirect_dma source(%dma_start3A_494 : memref<1015808x32xf32, #tpu.memory_space<hbm>>) target(%dma_start3A_488 : memref<128x32xf32, #tpu.memory_space<vmem>>) offsets(%dma_start3A_491 : memref<128xi32, #tpu.memory_space<vmem>>) semaphore(%arg8 : memref<!tpu.dma_semaphore, #tpu.memory_space<semaphore_mem>>)
      } else {
      }
      %dma_wait3A_256 = arith.constant 0 : i32
      %dma_wait3A_257 = arith.constant 0 : i32
      %dma_wait3A_258 = arith.constant 0 : i32
      %dma_wait3A_259 = tpu.memref_slice %arg7[%dma_wait3A_257, %dma_wait3A_258] : memref<1280x32xf32, #tpu.memory_space<vmem>> -> memref<128x32xf32, #tpu.memory_space<vmem>>
      %dma_wait3A_260 = arith.constant 0 : i32
      %dma_wait3A_261 = tpu.memref_slice %arg5[%dma_wait3A_256, %dma_wait3A_260] : memref<100x128xi32, #tpu.memory_space<vmem>> -> memref<1x128xi32, #tpu.memory_space<vmem>>
      %dma_wait3A_262 = tpu.memref_squeeze %dma_wait3A_261 : memref<1x128xi32, #tpu.memory_space<vmem>> -> memref<128xi32, #tpu.memory_space<vmem>>
      %dma_wait3A_263 = arith.constant 0 : i32
      %dma_wait3A_264 = arith.constant 0 : i32
      %dma_wait3A_265 = tpu.memref_slice %arg3[%dma_wait3A_263, %dma_wait3A_264] : memref<1015808x32xf32, #tpu.memory_space<hbm>> -> memref<1015808x32xf32, #tpu.memory_space<hbm>>
      tpu.wait_indirect_dma semaphore(%arg9 : memref<!tpu.dma_semaphore, #tpu.memory_space<semaphore_mem>>) src(%dma_wait3A_265 : memref<1015808x32xf32, #tpu.memory_space<hbm>>) dst(%dma_wait3A_259 : memref<128x32xf32, #tpu.memory_space<vmem>>)
      %dma_wait3A_266 = arith.constant 0 : i32
      %dma_wait3A_267 = arith.constant 128 : i32
      %dma_wait3A_268 = arith.constant 0 : i32
      %dma_wait3A_269 = tpu.memref_slice %arg7[%dma_wait3A_267, %dma_wait3A_268] : memref<1280x32xf32, #tpu.memory_space<vmem>> -> memref<128x32xf32, #tpu.memory_space<vmem>>
      %dma_wait3A_270 = arith.constant 0 : i32
      %dma_wait3A_271 = tpu.memref_slice %arg5[%dma_wait3A_266, %dma_wait3A_270] : memref<100x128xi32, #tpu.memory_space<vmem>> -> memref<1x128xi32, #tpu.memory_space<vmem>>
      %dma_wait3A_272 = tpu.memref_squeeze %dma_wait3A_271 : memref<1x128xi32, #tpu.memory_space<vmem>> -> memref<128xi32, #tpu.memory_space<vmem>>
      %dma_wait3A_273 = arith.constant 0 : i32
      %dma_wait3A_274 = arith.constant 0 : i32
      %dma_wait3A_275 = tpu.memref_slice %arg3[%dma_wait3A_273, %dma_wait3A_274] : memref<1015808x32xf32, #tpu.memory_space<hbm>> -> memref<1015808x32xf32, #tpu.memory_space<hbm>>
      tpu.wait_indirect_dma semaphore(%arg9 : memref<!tpu.dma_semaphore, #tpu.memory_space<semaphore_mem>>) src(%dma_wait3A_275 : memref<1015808x32xf32, #tpu.memory_space<hbm>>) dst(%dma_wait3A_269 : memref<128x32xf32, #tpu.memory_space<vmem>>)
      %dma_wait3A_276 = arith.constant 0 : i32
      %dma_wait3A_277 = arith.constant 256 : i32
      %dma_wait3A_278 = arith.constant 0 : i32
      %dma_wait3A_279 = tpu.memref_slice %arg7[%dma_wait3A_277, %dma_wait3A_278] : memref<1280x32xf32, #tpu.memory_space<vmem>> -> memref<128x32xf32, #tpu.memory_space<vmem>>
      %dma_wait3A_280 = arith.constant 0 : i32
      %dma_wait3A_281 = tpu.memref_slice %arg5[%dma_wait3A_276, %dma_wait3A_280] : memref<100x128xi32, #tpu.memory_space<vmem>> -> memref<1x128xi32, #tpu.memory_space<vmem>>
      %dma_wait3A_282 = tpu.memref_squeeze %dma_wait3A_281 : memref<1x128xi32, #tpu.memory_space<vmem>> -> memref<128xi32, #tpu.memory_space<vmem>>
      %dma_wait3A_283 = arith.constant 0 : i32
      %dma_wait3A_284 = arith.constant 0 : i32
      %dma_wait3A_285 = tpu.memref_slice %arg3[%dma_wait3A_283, %dma_wait3A_284] : memref<1015808x32xf32, #tpu.memory_space<hbm>> -> memref<1015808x32xf32, #tpu.memory_space<hbm>>
      tpu.wait_indirect_dma semaphore(%arg9 : memref<!tpu.dma_semaphore, #tpu.memory_space<semaphore_mem>>) src(%dma_wait3A_285 : memref<1015808x32xf32, #tpu.memory_space<hbm>>) dst(%dma_wait3A_279 : memref<128x32xf32, #tpu.memory_space<vmem>>)
      %dma_wait3A_286 = arith.constant 0 : i32
      %dma_wait3A_287 = arith.constant 384 : i32
      %dma_wait3A_288 = arith.constant 0 : i32
      %dma_wait3A_289 = tpu.memref_slice %arg7[%dma_wait3A_287, %dma_wait3A_288] : memref<1280x32xf32, #tpu.memory_space<vmem>> -> memref<128x32xf32, #tpu.memory_space<vmem>>
      %dma_wait3A_290 = arith.constant 0 : i32
      %dma_wait3A_291 = tpu.memref_slice %arg5[%dma_wait3A_286, %dma_wait3A_290] : memref<100x128xi32, #tpu.memory_space<vmem>> -> memref<1x128xi32, #tpu.memory_space<vmem>>
      %dma_wait3A_292 = tpu.memref_squeeze %dma_wait3A_291 : memref<1x128xi32, #tpu.memory_space<vmem>> -> memref<128xi32, #tpu.memory_space<vmem>>
      %dma_wait3A_293 = arith.constant 0 : i32
      %dma_wait3A_294 = arith.constant 0 : i32
      %dma_wait3A_295 = tpu.memref_slice %arg3[%dma_wait3A_293, %dma_wait3A_294] : memref<1015808x32xf32, #tpu.memory_space<hbm>> -> memref<1015808x32xf32, #tpu.memory_space<hbm>>
      tpu.wait_indirect_dma semaphore(%arg9 : memref<!tpu.dma_semaphore, #tpu.memory_space<semaphore_mem>>) src(%dma_wait3A_295 : memref<1015808x32xf32, #tpu.memory_space<hbm>>) dst(%dma_wait3A_289 : memref<128x32xf32, #tpu.memory_space<vmem>>)
      %dma_wait3A_296 = arith.constant 0 : i32
      %dma_wait3A_297 = arith.constant 512 : i32
      %dma_wait3A_298 = arith.constant 0 : i32
      %dma_wait3A_299 = tpu.memref_slice %arg7[%dma_wait3A_297, %dma_wait3A_298] : memref<1280x32xf32, #tpu.memory_space<vmem>> -> memref<128x32xf32, #tpu.memory_space<vmem>>
      %dma_wait3A_300 = arith.constant 0 : i32
      %dma_wait3A_301 = tpu.memref_slice %arg5[%dma_wait3A_296, %dma_wait3A_300] : memref<100x128xi32, #tpu.memory_space<vmem>> -> memref<1x128xi32, #tpu.memory_space<vmem>>
      %dma_wait3A_302 = tpu.memref_squeeze %dma_wait3A_301 : memref<1x128xi32, #tpu.memory_space<vmem>> -> memref<128xi32, #tpu.memory_space<vmem>>
      %dma_wait3A_303 = arith.constant 0 : i32
      %dma_wait3A_304 = arith.constant 0 : i32
      %dma_wait3A_305 = tpu.memref_slice %arg3[%dma_wait3A_303, %dma_wait3A_304] : memref<1015808x32xf32, #tpu.memory_space<hbm>> -> memref<1015808x32xf32, #tpu.memory_space<hbm>>
      tpu.wait_indirect_dma semaphore(%arg9 : memref<!tpu.dma_semaphore, #tpu.memory_space<semaphore_mem>>) src(%dma_wait3A_305 : memref<1015808x32xf32, #tpu.memory_space<hbm>>) dst(%dma_wait3A_299 : memref<128x32xf32, #tpu.memory_space<vmem>>)
      %dma_wait3A_306 = arith.constant 0 : i32
      %dma_wait3A_307 = arith.constant 640 : i32
      %dma_wait3A_308 = arith.constant 0 : i32
      %dma_wait3A_309 = tpu.memref_slice %arg7[%dma_wait3A_307, %dma_wait3A_308] : memref<1280x32xf32, #tpu.memory_space<vmem>> -> memref<128x32xf32, #tpu.memory_space<vmem>>
      %dma_wait3A_310 = arith.constant 0 : i32
      %dma_wait3A_311 = tpu.memref_slice %arg5[%dma_wait3A_306, %dma_wait3A_310] : memref<100x128xi32, #tpu.memory_space<vmem>> -> memref<1x128xi32, #tpu.memory_space<vmem>>
      %dma_wait3A_312 = tpu.memref_squeeze %dma_wait3A_311 : memref<1x128xi32, #tpu.memory_space<vmem>> -> memref<128xi32, #tpu.memory_space<vmem>>
      %dma_wait3A_313 = arith.constant 0 : i32
      %dma_wait3A_314 = arith.constant 0 : i32
      %dma_wait3A_315 = tpu.memref_slice %arg3[%dma_wait3A_313, %dma_wait3A_314] : memref<1015808x32xf32, #tpu.memory_space<hbm>> -> memref<1015808x32xf32, #tpu.memory_space<hbm>>
      tpu.wait_indirect_dma semaphore(%arg9 : memref<!tpu.dma_semaphore, #tpu.memory_space<semaphore_mem>>) src(%dma_wait3A_315 : memref<1015808x32xf32, #tpu.memory_space<hbm>>) dst(%dma_wait3A_309 : memref<128x32xf32, #tpu.memory_space<vmem>>)
      %dma_wait3A_316 = arith.constant 0 : i32
      %dma_wait3A_317 = arith.constant 768 : i32
      %dma_wait3A_318 = arith.constant 0 : i32
      %dma_wait3A_319 = tpu.memref_slice %arg7[%dma_wait3A_317, %dma_wait3A_318] : memref<1280x32xf32, #tpu.memory_space<vmem>> -> memref<128x32xf32, #tpu.memory_space<vmem>>
      %dma_wait3A_320 = arith.constant 0 : i32
      %dma_wait3A_321 = tpu.memref_slice %arg5[%dma_wait3A_316, %dma_wait3A_320] : memref<100x128xi32, #tpu.memory_space<vmem>> -> memref<1x128xi32, #tpu.memory_space<vmem>>
      %dma_wait3A_322 = tpu.memref_squeeze %dma_wait3A_321 : memref<1x128xi32, #tpu.memory_space<vmem>> -> memref<128xi32, #tpu.memory_space<vmem>>
      %dma_wait3A_323 = arith.constant 0 : i32
      %dma_wait3A_324 = arith.constant 0 : i32
      %dma_wait3A_325 = tpu.memref_slice %arg3[%dma_wait3A_323, %dma_wait3A_324] : memref<1015808x32xf32, #tpu.memory_space<hbm>> -> memref<1015808x32xf32, #tpu.memory_space<hbm>>
      tpu.wait_indirect_dma semaphore(%arg9 : memref<!tpu.dma_semaphore, #tpu.memory_space<semaphore_mem>>) src(%dma_wait3A_325 : memref<1015808x32xf32, #tpu.memory_space<hbm>>) dst(%dma_wait3A_319 : memref<128x32xf32, #tpu.memory_space<vmem>>)
      %dma_wait3A_326 = arith.constant 0 : i32
      %dma_wait3A_327 = arith.constant 896 : i32
      %dma_wait3A_328 = arith.constant 0 : i32
      %dma_wait3A_329 = tpu.memref_slice %arg7[%dma_wait3A_327, %dma_wait3A_328] : memref<1280x32xf32, #tpu.memory_space<vmem>> -> memref<128x32xf32, #tpu.memory_space<vmem>>
      %dma_wait3A_330 = arith.constant 0 : i32
      %dma_wait3A_331 = tpu.memref_slice %arg5[%dma_wait3A_326, %dma_wait3A_330] : memref<100x128xi32, #tpu.memory_space<vmem>> -> memref<1x128xi32, #tpu.memory_space<vmem>>
      %dma_wait3A_332 = tpu.memref_squeeze %dma_wait3A_331 : memref<1x128xi32, #tpu.memory_space<vmem>> -> memref<128xi32, #tpu.memory_space<vmem>>
      %dma_wait3A_333 = arith.constant 0 : i32
      %dma_wait3A_334 = arith.constant 0 : i32
      %dma_wait3A_335 = tpu.memref_slice %arg3[%dma_wait3A_333, %dma_wait3A_334] : memref<1015808x32xf32, #tpu.memory_space<hbm>> -> memref<1015808x32xf32, #tpu.memory_space<hbm>>
      tpu.wait_indirect_dma semaphore(%arg9 : memref<!tpu.dma_semaphore, #tpu.memory_space<semaphore_mem>>) src(%dma_wait3A_335 : memref<1015808x32xf32, #tpu.memory_space<hbm>>) dst(%dma_wait3A_329 : memref<128x32xf32, #tpu.memory_space<vmem>>)
      %dma_wait3A_336 = arith.constant 0 : i32
      %dma_wait3A_337 = arith.constant 1024 : i32
      %dma_wait3A_338 = arith.constant 0 : i32
      %dma_wait3A_339 = tpu.memref_slice %arg7[%dma_wait3A_337, %dma_wait3A_338] : memref<1280x32xf32, #tpu.memory_space<vmem>> -> memref<128x32xf32, #tpu.memory_space<vmem>>
      %dma_wait3A_340 = arith.constant 0 : i32
      %dma_wait3A_341 = tpu.memref_slice %arg5[%dma_wait3A_336, %dma_wait3A_340] : memref<100x128xi32, #tpu.memory_space<vmem>> -> memref<1x128xi32, #tpu.memory_space<vmem>>
      %dma_wait3A_342 = tpu.memref_squeeze %dma_wait3A_341 : memref<1x128xi32, #tpu.memory_space<vmem>> -> memref<128xi32, #tpu.memory_space<vmem>>
      %dma_wait3A_343 = arith.constant 0 : i32
      %dma_wait3A_344 = arith.constant 0 : i32
      %dma_wait3A_345 = tpu.memref_slice %arg3[%dma_wait3A_343, %dma_wait3A_344] : memref<1015808x32xf32, #tpu.memory_space<hbm>> -> memref<1015808x32xf32, #tpu.memory_space<hbm>>
      tpu.wait_indirect_dma semaphore(%arg9 : memref<!tpu.dma_semaphore, #tpu.memory_space<semaphore_mem>>) src(%dma_wait3A_345 : memref<1015808x32xf32, #tpu.memory_space<hbm>>) dst(%dma_wait3A_339 : memref<128x32xf32, #tpu.memory_space<vmem>>)
      %dma_wait3A_346 = arith.constant 0 : i32
      %dma_wait3A_347 = arith.constant 1152 : i32
      %dma_wait3A_348 = arith.constant 0 : i32
      %dma_wait3A_349 = tpu.memref_slice %arg7[%dma_wait3A_347, %dma_wait3A_348] : memref<1280x32xf32, #tpu.memory_space<vmem>> -> memref<128x32xf32, #tpu.memory_space<vmem>>
      %dma_wait3A_350 = arith.constant 0 : i32
      %dma_wait3A_351 = tpu.memref_slice %arg5[%dma_wait3A_346, %dma_wait3A_350] : memref<100x128xi32, #tpu.memory_space<vmem>> -> memref<1x128xi32, #tpu.memory_space<vmem>>
      %dma_wait3A_352 = tpu.memref_squeeze %dma_wait3A_351 : memref<1x128xi32, #tpu.memory_space<vmem>> -> memref<128xi32, #tpu.memory_space<vmem>>
      %dma_wait3A_353 = arith.constant 0 : i32
      %dma_wait3A_354 = arith.constant 0 : i32
      %dma_wait3A_355 = tpu.memref_slice %arg3[%dma_wait3A_353, %dma_wait3A_354] : memref<1015808x32xf32, #tpu.memory_space<hbm>> -> memref<1015808x32xf32, #tpu.memory_space<hbm>>
      tpu.wait_indirect_dma semaphore(%arg9 : memref<!tpu.dma_semaphore, #tpu.memory_space<semaphore_mem>>) src(%dma_wait3A_355 : memref<1015808x32xf32, #tpu.memory_space<hbm>>) dst(%dma_wait3A_349 : memref<128x32xf32, #tpu.memory_space<vmem>>)
      %mul3A_356 = arith.constant 1280 : i32
      %mul3A_357 = arith.muli %add3A_243, %mul3A_356 : i32
      %add3A_358 = arith.addi %mul3A_2, %mul3A_357 : i32
      %dma_start3A_359 = arith.constant 0 : i32
      %dma_start3A_360 = tpu.memref_slice %arg4[%add3A_358, %dma_start3A_359] : memref<409600x32xf32, #tpu.memory_space<hbm>> -> memref<1280x32xf32, #tpu.memory_space<hbm>>
      %dma_start3A_361 = arith.constant 0 : i32
      %dma_start3A_362 = tpu.memref_slice %arg4[%add3A_358, %dma_start3A_361] : memref<409600x32xf32, #tpu.memory_space<hbm>> -> memref<1280x32xf32, #tpu.memory_space<hbm>>
      tpu.enqueue_dma source(%arg7 : memref<1280x32xf32, #tpu.memory_space<vmem>>) target(%dma_start3A_362 : memref<1280x32xf32, #tpu.memory_space<hbm>>) target_semaphore(%arg11 : memref<!tpu.dma_semaphore, #tpu.memory_space<semaphore_mem>>)
    }
    %scan3A_116 = arith.constant 5 : i32
    %dma_wait3A = arith.constant 0 : i32
    %dma_wait3A_117 = tpu.memref_slice %arg4[%mul3A_2, %dma_wait3A] : memref<409600x32xf32, #tpu.memory_space<hbm>> -> memref<1280x32xf32, #tpu.memory_space<hbm>>
    %dma_wait3A_118 = arith.constant 0 : i32
    %dma_wait3A_119 = tpu.memref_slice %arg4[%mul3A_2, %dma_wait3A_118] : memref<409600x32xf32, #tpu.memory_space<hbm>> -> memref<1280x32xf32, #tpu.memory_space<hbm>>
    tpu.wait_dma2 semaphore(%arg11 : memref<!tpu.dma_semaphore, #tpu.memory_space<semaphore_mem>>) src(%arg7 : memref<1280x32xf32, #tpu.memory_space<vmem>>) dst(%dma_wait3A_119 : memref<1280x32xf32, #tpu.memory_space<hbm>>)
    return
  }
}

module attributes {stable_mosaic.version = 14 : i64} {
  func.func @_conv_in_body(%arg0: i32, %arg1: memref<32x32768xf32, #tpu.memory_space<vmem>>, %arg2: memref<8192x128xf32, #tpu.memory_space<vmem>>) attributes {dimension_semantics = [#tpu.dimension_semantics<arbitrary>], iteration_bounds = array<i64: 31>, scalar_prefetch = 0 : i64, scratch_operands = 0 : i64, tpu.core_type = #tpu.core_type<tc>, window_params = [{transform_indices = @transform_0, window_bounds = array<i64: 32, 32768>}, {transform_indices = @transform_1, window_bounds = array<i64: 8192, 128>}]} {
    %get3A = arith.constant 0 : index
    %get3A_0 = arith.constant 0 : index
    %get3A_1 = vector.load %arg1[%get3A, %get3A_0] : memref<32x32768xf32, #tpu.memory_space<vmem>>, vector<32x32768xf32>
    %transpose3A = tpu.transpose %get3A_1, [1, 0] : vector<32x32768xf32> -> vector<32768x32xf32>
    %slice3A = vector.extract_strided_slice %transpose3A {offsets = [0, 0], sizes = [8192, 32], strides = [1, 1]} : vector<32768x32xf32> to vector<8192x32xf32>
    %swap3A = arith.constant 0 : index
    %swap3A_2 = arith.constant 0 : index
    %swap3A_3 = vector.load %arg2[%swap3A, %swap3A_2] : memref<8192x128xf32, #tpu.memory_space<vmem>>, vector<8192x32xf32>
    tpu.vector_store %arg2[%swap3A, %swap3A_2], %slice3A {strides = array<i32>} : memref<8192x128xf32, #tpu.memory_space<vmem>>, vector<8192x32xf32>,
    %slice3A_4 = vector.extract_strided_slice %transpose3A {offsets = [8192, 0], sizes = [8192, 32], strides = [1, 1]} : vector<32768x32xf32> to vector<8192x32xf32>
    %swap3A_5 = arith.constant 0 : index
    %swap3A_6 = arith.constant 32 : index
    %swap3A_7 = vector.load %arg2[%swap3A_5, %swap3A_6] : memref<8192x128xf32, #tpu.memory_space<vmem>>, vector<8192x32xf32>
    tpu.vector_store %arg2[%swap3A_5, %swap3A_6], %slice3A_4 {strides = array<i32>} : memref<8192x128xf32, #tpu.memory_space<vmem>>, vector<8192x32xf32>,
    %slice3A_8 = vector.extract_strided_slice %transpose3A {offsets = [16384, 0], sizes = [8192, 32], strides = [1, 1]} : vector<32768x32xf32> to vector<8192x32xf32>
    %swap3A_9 = arith.constant 0 : index
    %swap3A_10 = arith.constant 64 : index
    %swap3A_11 = vector.load %arg2[%swap3A_9, %swap3A_10] : memref<8192x128xf32, #tpu.memory_space<vmem>>, vector<8192x32xf32>
    tpu.vector_store %arg2[%swap3A_9, %swap3A_10], %slice3A_8 {strides = array<i32>} : memref<8192x128xf32, #tpu.memory_space<vmem>>, vector<8192x32xf32>,
    %slice3A_12 = vector.extract_strided_slice %transpose3A {offsets = [24576, 0], sizes = [8192, 32], strides = [1, 1]} : vector<32768x32xf32> to vector<8192x32xf32>
    %swap3A_13 = arith.constant 0 : index
    %swap3A_14 = arith.constant 96 : index
    %swap3A_15 = vector.load %arg2[%swap3A_13, %swap3A_14] : memref<8192x128xf32, #tpu.memory_space<vmem>>, vector<8192x32xf32>
    tpu.vector_store %arg2[%swap3A_13, %swap3A_14], %slice3A_12 {strides = array<i32>} : memref<8192x128xf32, #tpu.memory_space<vmem>>, vector<8192x32xf32>,
    return
  }
  func.func @transform_0(%arg0: i32) -> (i32, i32) {
    %c0_i32 = arith.constant 0 : i32
    %c0_i32_0 = arith.constant 0 : i32
    return %c0_i32, %arg0 : i32, i32
  }
  func.func @transform_1(%arg0: i32) -> (i32, i32) {
    %c0_i32 = arith.constant 0 : i32
    %c0_i32_0 = arith.constant 0 : i32
    return %arg0, %c0_i32 : i32, i32
  }
}

module attributes {stable_mosaic.version = 14 : i64} {
  func.func @_conv_out_body(%arg0: i32, %arg1: memref<6400x128xf32, #tpu.memory_space<vmem>>, %arg2: memref<200x4x1x8x128xf32, #tpu.memory_space<vmem>>) attributes {dimension_semantics = [#tpu.dimension_semantics<arbitrary>], iteration_bounds = array<i64: 16>, scalar_prefetch = 0 : i64, scratch_operands = 0 : i64, tpu.core_type = #tpu.core_type<tc>, window_params = [{transform_indices = @transform_0, window_bounds = array<i64: 6400, 128>}, {transform_indices = @transform_1, window_bounds = array<i64: 200, 4, 1, 8, 128>}]} {
    %scan3A = arith.constant 0 : i32
    %scan3A_0 = arith.constant 50 : i32
    %scan3A_1 = arith.addi %scan3A, %scan3A_0 : i32
    %scan3A_2 = arith.constant 1 : i32
    scf.for %scan3A_4 = %scan3A to %scan3A_1 step %scan3A_2  : i32 {
      %get3A = arith.index_cast %scan3A_4 : i32 to index
      %get3A_5 = arith.constant 0 : index
      %get3A_6 = tpu.strided_load %arg1[%get3A, %get3A_5] {strides = array<i32: 50, 1>} : memref<6400x128xf32, #tpu.memory_space<vmem>>, vector<128x128xf32>
      %transpose3A = tpu.transpose %get3A_6, [1, 0] : vector<128x128xf32> -> vector<128x128xf32>
      %slice3A = vector.extract_strided_slice %transpose3A {offsets = [0, 0], sizes = [32, 128], strides = [1, 1]} : vector<128x128xf32> to vector<32x128xf32>
      %reshape3A = vector.shape_cast %slice3A : vector<32x128xf32> to vector<4x8x128xf32>
      %mul3A = arith.constant 4 : i32
      %mul3A_7 = arith.muli %scan3A_4, %mul3A : i32
      %add3A = arith.constant 0 : i32
      %add3A_8 = arith.addi %mul3A_7, %add3A : i32
      %swap3A = arith.index_cast %add3A_8 : i32 to index
      %swap3A_9 = arith.constant 0 : index
      %swap3A_10 = arith.constant 0 : index
      %swap3A_11 = arith.constant 0 : index
      %swap3A_12 = arith.constant 0 : index
      %swap3A_13 = vector.load %arg2[%swap3A, %swap3A_9, %swap3A_10, %swap3A_11, %swap3A_12] : memref<200x4x1x8x128xf32, #tpu.memory_space<vmem>>, vector<1x4x1x8x128xf32>
      %swap3A_14 = vector.shape_cast %swap3A_13 : vector<1x4x1x8x128xf32> to vector<4x8x128xf32>
      %swap3A_15 = vector.shape_cast %reshape3A : vector<4x8x128xf32> to vector<1x4x1x8x128xf32>
      tpu.vector_store %arg2[%swap3A, %swap3A_9, %swap3A_10, %swap3A_11, %swap3A_12], %swap3A_15 {strides = array<i32>} : memref<200x4x1x8x128xf32, #tpu.memory_space<vmem>>, vector<1x4x1x8x128xf32>,
      %slice3A_16 = vector.extract_strided_slice %transpose3A {offsets = [32, 0], sizes = [32, 128], strides = [1, 1]} : vector<128x128xf32> to vector<32x128xf32>
      %reshape3A_17 = vector.shape_cast %slice3A_16 : vector<32x128xf32> to vector<4x8x128xf32>
      %mul3A_18 = arith.constant 4 : i32
      %mul3A_19 = arith.muli %scan3A_4, %mul3A_18 : i32
      %add3A_20 = arith.constant 1 : i32
      %add3A_21 = arith.addi %mul3A_19, %add3A_20 : i32
      %swap3A_22 = arith.index_cast %add3A_21 : i32 to index
      %swap3A_23 = arith.constant 0 : index
      %swap3A_24 = arith.constant 0 : index
      %swap3A_25 = arith.constant 0 : index
      %swap3A_26 = arith.constant 0 : index
      %swap3A_27 = vector.load %arg2[%swap3A_22, %swap3A_23, %swap3A_24, %swap3A_25, %swap3A_26] : memref<200x4x1x8x128xf32, #tpu.memory_space<vmem>>, vector<1x4x1x8x128xf32>
      %swap3A_28 = vector.shape_cast %swap3A_27 : vector<1x4x1x8x128xf32> to vector<4x8x128xf32>
      %swap3A_29 = vector.shape_cast %reshape3A_17 : vector<4x8x128xf32> to vector<1x4x1x8x128xf32>
      tpu.vector_store %arg2[%swap3A_22, %swap3A_23, %swap3A_24, %swap3A_25, %swap3A_26], %swap3A_29 {strides = array<i32>} : memref<200x4x1x8x128xf32, #tpu.memory_space<vmem>>, vector<1x4x1x8x128xf32>,
      %slice3A_30 = vector.extract_strided_slice %transpose3A {offsets = [64, 0], sizes = [32, 128], strides = [1, 1]} : vector<128x128xf32> to vector<32x128xf32>
      %reshape3A_31 = vector.shape_cast %slice3A_30 : vector<32x128xf32> to vector<4x8x128xf32>
      %mul3A_32 = arith.constant 4 : i32
      %mul3A_33 = arith.muli %scan3A_4, %mul3A_32 : i32
      %add3A_34 = arith.constant 2 : i32
      %add3A_35 = arith.addi %mul3A_33, %add3A_34 : i32
      %swap3A_36 = arith.index_cast %add3A_35 : i32 to index
      %swap3A_37 = arith.constant 0 : index
      %swap3A_38 = arith.constant 0 : index
      %swap3A_39 = arith.constant 0 : index
      %swap3A_40 = arith.constant 0 : index
      %swap3A_41 = vector.load %arg2[%swap3A_36, %swap3A_37, %swap3A_38, %swap3A_39, %swap3A_40] : memref<200x4x1x8x128xf32, #tpu.memory_space<vmem>>, vector<1x4x1x8x128xf32>
      %swap3A_42 = vector.shape_cast %swap3A_41 : vector<1x4x1x8x128xf32> to vector<4x8x128xf32>
      %swap3A_43 = vector.shape_cast %reshape3A_31 : vector<4x8x128xf32> to vector<1x4x1x8x128xf32>
      tpu.vector_store %arg2[%swap3A_36, %swap3A_37, %swap3A_38, %swap3A_39, %swap3A_40], %swap3A_43 {strides = array<i32>} : memref<200x4x1x8x128xf32, #tpu.memory_space<vmem>>, vector<1x4x1x8x128xf32>,
      %slice3A_44 = vector.extract_strided_slice %transpose3A {offsets = [96, 0], sizes = [32, 128], strides = [1, 1]} : vector<128x128xf32> to vector<32x128xf32>
      %reshape3A_45 = vector.shape_cast %slice3A_44 : vector<32x128xf32> to vector<4x8x128xf32>
      %mul3A_46 = arith.constant 4 : i32
      %mul3A_47 = arith.muli %scan3A_4, %mul3A_46 : i32
      %add3A_48 = arith.constant 3 : i32
      %add3A_49 = arith.addi %mul3A_47, %add3A_48 : i32
      %swap3A_50 = arith.index_cast %add3A_49 : i32 to index
      %swap3A_51 = arith.constant 0 : index
      %swap3A_52 = arith.constant 0 : index
      %swap3A_53 = arith.constant 0 : index
      %swap3A_54 = arith.constant 0 : index
      %swap3A_55 = vector.load %arg2[%swap3A_50, %swap3A_51, %swap3A_52, %swap3A_53, %swap3A_54] : memref<200x4x1x8x128xf32, #tpu.memory_space<vmem>>, vector<1x4x1x8x128xf32>
      %swap3A_56 = vector.shape_cast %swap3A_55 : vector<1x4x1x8x128xf32> to vector<4x8x128xf32>
      %swap3A_57 = vector.shape_cast %reshape3A_45 : vector<4x8x128xf32> to vector<1x4x1x8x128xf32>
      tpu.vector_store %arg2[%swap3A_50, %swap3A_51, %swap3A_52, %swap3A_53, %swap3A_54], %swap3A_57 {strides = array<i32>} : memref<200x4x1x8x128xf32, #tpu.memory_space<vmem>>, vector<1x4x1x8x128xf32>,
    }
    %scan3A_3 = arith.constant 50 : i32
    return
  }
  func.func @transform_0(%arg0: i32) -> (i32, i32) {
    %c0_i32 = arith.constant 0 : i32
    %c0_i32_0 = arith.constant 0 : i32
    return %arg0, %c0_i32 : i32, i32
  }
  func.func @transform_1(%arg0: i32) -> (i32, i32, i32, i32, i32) {
    %c0_i32 = arith.constant 0 : i32
    %c0_i32_0 = arith.constant 0 : i32
    %c0_i32_1 = arith.constant 0 : i32
    %c0_i32_2 = arith.constant 0 : i32
    %c0_i32_3 = arith.constant 0 : i32
    return %c0_i32, %c0_i32_0, %arg0, %c0_i32_1, %c0_i32_2 : i32, i32, i32, i32, i32
  }
}

module attributes {stable_mosaic.version = 14 : i64} {
  func.func @_conv_out_body_b(%arg0: i32, %arg1: memref<6400x128xf32, #tpu.memory_space<vmem>>, %arg2: memref<200x4x32x8x128xf32, #tpu.memory_space<any>>, %arg3: memref<200x4x1x8x128xf32, #tpu.memory_space<vmem>>) attributes {dimension_semantics = [#tpu.dimension_semantics<arbitrary>], iteration_bounds = array<i64: 16>, scalar_prefetch = 0 : i64, scratch_operands = 0 : i64, tpu.core_type = #tpu.core_type<tc>, window_params = [{transform_indices = @transform_0, window_bounds = array<i64: 6400, 128>}, {}, {transform_indices = @transform_2, window_bounds = array<i64: 200, 4, 1, 8, 128>}]} {
    %scan3A = arith.constant 0 : i32
    %scan3A_0 = arith.constant 50 : i32
    %scan3A_1 = arith.addi %scan3A, %scan3A_0 : i32
    %scan3A_2 = arith.constant 1 : i32
    scf.for %scan3A_4 = %scan3A to %scan3A_1 step %scan3A_2  : i32 {
      %get3A = arith.index_cast %scan3A_4 : i32 to index
      %get3A_5 = arith.constant 0 : index
      %get3A_6 = tpu.strided_load %arg1[%get3A, %get3A_5] {strides = array<i32: 50, 1>} : memref<6400x128xf32, #tpu.memory_space<vmem>>, vector<128x128xf32>
      %transpose3A = tpu.transpose %get3A_6, [1, 0] : vector<128x128xf32> -> vector<128x128xf32>
      %slice3A = vector.extract_strided_slice %transpose3A {offsets = [0, 0], sizes = [32, 128], strides = [1, 1]} : vector<128x128xf32> to vector<32x128xf32>
      %reshape3A = vector.shape_cast %slice3A : vector<32x128xf32> to vector<4x8x128xf32>
      %mul3A = arith.constant 4 : i32
      %mul3A_7 = arith.muli %scan3A_4, %mul3A : i32
      %add3A = arith.constant 0 : i32
      %add3A_8 = arith.addi %mul3A_7, %add3A : i32
      %swap3A = arith.index_cast %add3A_8 : i32 to index
      %swap3A_9 = arith.constant 0 : index
      %swap3A_10 = arith.constant 0 : index
      %swap3A_11 = arith.constant 0 : index
      %swap3A_12 = arith.constant 0 : index
      %swap3A_13 = vector.load %arg3[%swap3A, %swap3A_9, %swap3A_10, %swap3A_11, %swap3A_12] : memref<200x4x1x8x128xf32, #tpu.memory_space<vmem>>, vector<1x4x1x8x128xf32>
      %swap3A_14 = vector.shape_cast %swap3A_13 : vector<1x4x1x8x128xf32> to vector<4x8x128xf32>
      %swap3A_15 = vector.shape_cast %reshape3A : vector<4x8x128xf32> to vector<1x4x1x8x128xf32>
      tpu.vector_store %arg3[%swap3A, %swap3A_9, %swap3A_10, %swap3A_11, %swap3A_12], %swap3A_15 {strides = array<i32>} : memref<200x4x1x8x128xf32, #tpu.memory_space<vmem>>, vector<1x4x1x8x128xf32>,
      %slice3A_16 = vector.extract_strided_slice %transpose3A {offsets = [32, 0], sizes = [32, 128], strides = [1, 1]} : vector<128x128xf32> to vector<32x128xf32>
      %reshape3A_17 = vector.shape_cast %slice3A_16 : vector<32x128xf32> to vector<4x8x128xf32>
      %mul3A_18 = arith.constant 4 : i32
      %mul3A_19 = arith.muli %scan3A_4, %mul3A_18 : i32
      %add3A_20 = arith.constant 1 : i32
      %add3A_21 = arith.addi %mul3A_19, %add3A_20 : i32
      %swap3A_22 = arith.index_cast %add3A_21 : i32 to index
      %swap3A_23 = arith.constant 0 : index
      %swap3A_24 = arith.constant 0 : index
      %swap3A_25 = arith.constant 0 : index
      %swap3A_26 = arith.constant 0 : index
      %swap3A_27 = vector.load %arg3[%swap3A_22, %swap3A_23, %swap3A_24, %swap3A_25, %swap3A_26] : memref<200x4x1x8x128xf32, #tpu.memory_space<vmem>>, vector<1x4x1x8x128xf32>
      %swap3A_28 = vector.shape_cast %swap3A_27 : vector<1x4x1x8x128xf32> to vector<4x8x128xf32>
      %swap3A_29 = vector.shape_cast %reshape3A_17 : vector<4x8x128xf32> to vector<1x4x1x8x128xf32>
      tpu.vector_store %arg3[%swap3A_22, %swap3A_23, %swap3A_24, %swap3A_25, %swap3A_26], %swap3A_29 {strides = array<i32>} : memref<200x4x1x8x128xf32, #tpu.memory_space<vmem>>, vector<1x4x1x8x128xf32>,
      %slice3A_30 = vector.extract_strided_slice %transpose3A {offsets = [64, 0], sizes = [32, 128], strides = [1, 1]} : vector<128x128xf32> to vector<32x128xf32>
      %reshape3A_31 = vector.shape_cast %slice3A_30 : vector<32x128xf32> to vector<4x8x128xf32>
      %mul3A_32 = arith.constant 4 : i32
      %mul3A_33 = arith.muli %scan3A_4, %mul3A_32 : i32
      %add3A_34 = arith.constant 2 : i32
      %add3A_35 = arith.addi %mul3A_33, %add3A_34 : i32
      %swap3A_36 = arith.index_cast %add3A_35 : i32 to index
      %swap3A_37 = arith.constant 0 : index
      %swap3A_38 = arith.constant 0 : index
      %swap3A_39 = arith.constant 0 : index
      %swap3A_40 = arith.constant 0 : index
      %swap3A_41 = vector.load %arg3[%swap3A_36, %swap3A_37, %swap3A_38, %swap3A_39, %swap3A_40] : memref<200x4x1x8x128xf32, #tpu.memory_space<vmem>>, vector<1x4x1x8x128xf32>
      %swap3A_42 = vector.shape_cast %swap3A_41 : vector<1x4x1x8x128xf32> to vector<4x8x128xf32>
      %swap3A_43 = vector.shape_cast %reshape3A_31 : vector<4x8x128xf32> to vector<1x4x1x8x128xf32>
      tpu.vector_store %arg3[%swap3A_36, %swap3A_37, %swap3A_38, %swap3A_39, %swap3A_40], %swap3A_43 {strides = array<i32>} : memref<200x4x1x8x128xf32, #tpu.memory_space<vmem>>, vector<1x4x1x8x128xf32>,
      %slice3A_44 = vector.extract_strided_slice %transpose3A {offsets = [96, 0], sizes = [32, 128], strides = [1, 1]} : vector<128x128xf32> to vector<32x128xf32>
      %reshape3A_45 = vector.shape_cast %slice3A_44 : vector<32x128xf32> to vector<4x8x128xf32>
      %mul3A_46 = arith.constant 4 : i32
      %mul3A_47 = arith.muli %scan3A_4, %mul3A_46 : i32
      %add3A_48 = arith.constant 3 : i32
      %add3A_49 = arith.addi %mul3A_47, %add3A_48 : i32
      %swap3A_50 = arith.index_cast %add3A_49 : i32 to index
      %swap3A_51 = arith.constant 0 : index
      %swap3A_52 = arith.constant 0 : index
      %swap3A_53 = arith.constant 0 : index
      %swap3A_54 = arith.constant 0 : index
      %swap3A_55 = vector.load %arg3[%swap3A_50, %swap3A_51, %swap3A_52, %swap3A_53, %swap3A_54] : memref<200x4x1x8x128xf32, #tpu.memory_space<vmem>>, vector<1x4x1x8x128xf32>
      %swap3A_56 = vector.shape_cast %swap3A_55 : vector<1x4x1x8x128xf32> to vector<4x8x128xf32>
      %swap3A_57 = vector.shape_cast %reshape3A_45 : vector<4x8x128xf32> to vector<1x4x1x8x128xf32>
      tpu.vector_store %arg3[%swap3A_50, %swap3A_51, %swap3A_52, %swap3A_53, %swap3A_54], %swap3A_57 {strides = array<i32>} : memref<200x4x1x8x128xf32, #tpu.memory_space<vmem>>, vector<1x4x1x8x128xf32>,
    }
    %scan3A_3 = arith.constant 50 : i32
    return
  }
  func.func @transform_0(%arg0: i32) -> (i32, i32) {
    %c0_i32 = arith.constant 0 : i32
    %c0_i32_0 = arith.constant 0 : i32
    return %arg0, %c0_i32 : i32, i32
  }
  func.func @transform_2(%arg0: i32) -> (i32, i32, i32, i32, i32) {
    %add3A = arith.constant 16 : i32
    %add3A_0 = arith.addi %add3A, %arg0 : i32
    %c0_i32 = arith.constant 0 : i32
    %c0_i32_1 = arith.constant 0 : i32
    %c0_i32_2 = arith.constant 0 : i32
    %c0_i32_3 = arith.constant 0 : i32
    %c0_i32_4 = arith.constant 0 : i32
    return %c0_i32, %c0_i32_1, %add3A_0, %c0_i32_2, %c0_i32_3 : i32, i32, i32, i32, i32
  }
}

</mosaic_0001>

<sc_bundles>
// kernel: kernel.10.cloned.1.call-start
scs
__scs_entry_jumppad:
0x0: {  	(pc) =	sbr.rel $0x88, $3  }
0x1: {  	(tag) =	ssettag $0x0;
	lr =	simm.s32 $0x1  }
0x2: {  	[smem:$0x3F9F] =	sst lr;
	_ =	strace $0xD0000000  }
0x3: {  	_ = 	snop  }
0x4: {  	_ = 	snop  }
0x5: {  	_ = 	snop  }
0x6: {  	_ = 	snop  }
0x7: {  	_ = 	snop  }
__scs_overlays_trampoline_lowered:
0x8: {  	[smem:$0x3FAE] =	sst s0  }
0x9: {  	[smem:$0x3FAF] =	sst s1  }
0xa: {  	[smem:$0x3FB0] =	sst s2  }
0xb: {  	[smem:$0x3FB1] =	sst s3  }
0xc: {  	[smem:$0x3FB2] =	sst s4  }
0xd: {  	[smem:$0x3FB3] =	sst s5  }
0xe: {  	[smem:$0x3FB4] =	sst s6  }
0xf: {  	[smem:$0x3FB5] =	sst s7  }
0x10: {  	[smem:$0x3FB6] =	sst s8  }
0x11: {  	[smem:$0x3FB7] =	sst s9;
	s0 =	simm.s32 @!p0 $0x0  }
0x12: {  	s1 =	sld [smem:$0x3F9D];
	s0 =	simm.s32 @p0 $0x1  }
0x13: {  	[smem:$0x3FB8] =	sst s0;
	s0 =	simm.s32 @!p1 $0x0  }
0x14: {  	s2 =	sld [smem:$0x3F9C];
	s0 =	simm.s32 @p1 $0x1  }
0x15: {  	[smem:$0x3FB9] =	sst s0;
	s0 =	simm.s32 @!p2 $0x0  }
0x16: {  	s3 =	sld [smem:$0x3FDB];
	s0 =	simm.s32 @p2 $0x1  }
0x17: {  	s4 =	simm.s32 $0x1BF5;
	[smem:$0x3FBB] =	sst s0  }
0x18: {  	s0 =	sld [smem:$0x3F9E];
	_ =	swait.ge [sflag:s4], $0x0  }
0x19: {  	s7 =	sld [smem:$0x3F9F]  }
0x1a: {  	s8 =	sadd.s32 $0xFFFFE003, lr  }
0x1b: {  	s9 =	sadd.s32 $0xFFFFFEF7, lr;
	s5 =	simm.s32 $0xFFFFFFFF;
	p2 =	slt.u32 s8, $0xFFFFF086  }
0x1c: {  	p1 =	slt.u32 s9, $0xF7A;
	s5 =	simm.s32 @!p2 $0x0  }
0x1d: {  	s5 =	simm.s32 @p1 $0x1;
	p0 =	seq.s32 s7, s2  }
0x1e: {  	s7 =	smul.u32 @!p0 $0xF7A, s2;
	p2 =	seq.s32 @!p0 s5, $0x0  }
0x1f: {  	s9 =	smul.u32 $0xF7A, s1;
	s8 =	simm.s32 @!p0 $0x1BF5;
	p2 =	por !p2, p0  }
0x20: {  	[sflag:s8] =	ssyncset.s32 @!p0 $0xFFFFF086;
	s6 =	sadd.s32 @!p0 s3, s7;
	s7 =	simm.s32 @!p0 $0x108  }
0x21: {  	s3 =	sadd.s32 s3, s9;
	s6 =	sadd.s32 @!p0 $0x88, s6;
	s7 =	simm.s32 @p2 $0x1082  }
0x22: {  	[simem:s7], [sflag:s8] =	dma.local @!p0 [hbm:s6], $0xF7A  }
0x23: {  	s9 =	sor.u32 $0xD0000000, s2;
	s6 =	simm.s32 $0x108;
	_ =	swait.ge @!p0 [sflag:s8], $0x0  }
0x24: {  	s3 =	sadd.s32 $0x88, s3;
	s6 =	simm.s32 @!p1 $0x1082;
	[sflag:s4] =	ssyncset.s32 $0xFFFFF086  }
0x25: {  	[simem:s6], [sflag:s4] =	dma.local [hbm:s3], $0xF7A  }
0x26: {  	[smem:$0x3F9F] =	sst s1;
	(tag) =	ssettag s2;
	_ =	strace s9  }
0x27: {  	s1 =	sld [smem:$0x3FAF]  }
0x28: {  	s2 =	sld [smem:$0x3FB0]  }
0x29: {  	s4 =	sld [smem:$0x3FB2]  }
0x2a: {  	p0 =	seq.s32 s5, $0x0;
	s5 =	sld [smem:$0x3FB3]  }
0x2b: {  	s6 =	sld [smem:$0x3FB4]  }
0x2c: {  	s7 =	sld [smem:$0x3FB5]  }
0x2d: {  	s3 =	simm.s32 $0x108;
	s8 =	sld [smem:$0x3FB6]  }
0x2e: {  	s3 =	simm.s32 @!p0 $0x1082;
	s9 =	sld [smem:$0x3FB7]  }
0x2f: {  	lr =	sadd.s32 s0, s3;
	s0 =	sld [smem:$0x3FAE]  }
0x30: {  	s3 =	sld [smem:$0x3FB1]  }
0x31: {  	[smem:$0x3FBA] =	sst s10  }
0x32: {  	s10 =	sld [smem:$0x3FB8];
	_ =	sdelay $0x3  }
0x33: {  	p0 =	seq.s32 s10, $0x1;
	s10 =	sld [smem:$0x3FBA];
	_ =	sdelay $0x3  }
0x34: {  	[smem:$0x3FBA] =	sst s10  }
0x35: {  	s10 =	sld [smem:$0x3FB9];
	_ =	sdelay $0x3  }
0x36: {  	p1 =	seq.s32 s10, $0x1;
	s10 =	sld [smem:$0x3FBA];
	_ =	sdelay $0x3  }
0x37: {  	[smem:$0x3FBA] =	sst s10  }
0x38: {  	s10 =	sld [smem:$0x3FBB]  }
0x39: {  	_ = 	snop;
	(pc) =	sbr.ind lr, $3  }
0x3a: {  	_ = 	snop  }
0x3b: {  	_ = 	snop  }
0x3c: {  	p2 =	seq.s32 s10, $0x1;
	s10 =	sld [smem:$0x3FBA]  }
0x3d: {  	_ =	shalt  }
0x3e: {  	_ =	shalt  }
0x3f: {  	_ =	shalt  }
0x40: {  	_ =	shalt  }
0x41: {  	_ =	shalt  }
0x42: {  	_ =	shalt  }
0x43: {  	_ =	shalt  }
0x44: {  	_ =	shalt  }
0x45: {  	_ =	shalt  }
0x46: {  	_ =	shalt  }
0x47: {  	_ =	shalt  }
0x48: {  	_ =	shalt  }
0x49: {  	_ =	shalt  }
0x4a: {  	_ =	shalt  }
0x4b: {  	_ =	shalt  }
0x4c: {  	_ =	shalt  }
0x4d: {  	_ =	shalt  }
0x4e: {  	_ =	shalt  }
0x4f: {  	_ =	shalt  }
0x50: {  	_ =	shalt  }
0x51: {  	_ =	shalt  }
0x52: {  	_ =	shalt  }
0x53: {  	_ =	shalt  }
0x54: {  	_ =	shalt  }
0x55: {  	_ =	shalt  }
0x56: {  	_ =	shalt  }
0x57: {  	_ =	shalt  }
0x58: {  	_ =	shalt  }
0x59: {  	_ =	shalt  }
0x5a: {  	_ =	shalt  }
0x5b: {  	_ =	shalt  }
0x5c: {  	_ =	shalt  }
0x5d: {  	_ =	shalt  }
0x5e: {  	_ =	shalt  }
0x5f: {  	_ =	shalt  }
0x60: {  	_ =	shalt  }
0x61: {  	_ =	shalt  }
0x62: {  	_ =	shalt  }
0x63: {  	_ =	shalt  }
0x64: {  	_ =	shalt  }
0x65: {  	_ =	shalt  }
0x66: {  	_ =	shalt  }
0x67: {  	_ =	shalt  }
0x68: {  	_ =	shalt  }
0x69: {  	_ =	shalt  }
0x6a: {  	_ =	shalt  }
0x6b: {  	_ =	shalt  }
0x6c: {  	_ =	shalt  }
0x6d: {  	_ =	shalt  }
0x6e: {  	_ =	shalt  }
0x6f: {  	_ =	shalt  }
0x70: {  	_ =	shalt  }
0x71: {  	_ =	shalt  }
0x72: {  	_ =	shalt  }
0x73: {  	_ =	shalt  }
0x74: {  	_ =	shalt  }
0x75: {  	_ =	shalt  }
0x76: {  	_ =	shalt  }
0x77: {  	_ =	shalt  }
0x78: {  	_ =	shalt  }
0x79: {  	_ =	shalt  }
0x7a: {  	_ =	shalt  }
0x7b: {  	_ =	shalt  }
0x7c: {  	_ =	shalt  }
0x7d: {  	_ =	shalt  }
0x7e: {  	_ =	shalt  }
0x7f: {  	_ =	shalt  }
0x80: {  	_ =	shalt  }
0x81: {  	_ =	shalt  }
0x82: {  	_ =	shalt  }
0x83: {  	_ =	shalt  }
0x84: {  	_ =	shalt  }
0x85: {  	_ =	shalt  }
0x86: {  	_ =	shalt  }
0x87: {  	_ =	shalt  }
.Lfunc_end0:
.L_simem_size_0:
called_computation.1_lowered:
.L_overlay_start_0:
0x88: {  	s2 =	sld [smem:$0x3FD9]  }
0x89: {  	s3 =	sld [smem:$0x3FFE];
	_ =	sdelay $0x1  }
0x8a: {  	s1 =	srdreg.scid  }
0x8b: {  	s0 =	sand.u32 $0x1, s1  }
0x8c: {  	s17 =	sshll.u32 s0, $0xA;
	s2 =	sadd.s32 s3, s2  }
0x8d: {  	s2 =	sadd.s32 s2, s17  }
0x8e: {  	[smem:$0x3FC6] =	sst s2  }
0x8f: {  	_ = 	snop  }
0x90: {  	(tm) =	ssettm $0x1  }
0x91: {  	s18 =	sld [smem:$0x3FFB];
	_ =	sdelay $0x3  }
0x92: {  	_ =	strace s18  }
0x93: {  	s2 =	sld [smem:$0x3FFC];
	_ =	sdelay $0x3  }
0x94: {  	_ =	strace s2  }
0x95: {  	s2 =	sld [smem:$0x3FFD];
	_ =	sdelay $0x3  }
0x96: {  	_ =	strace s2  }
0x97: {  	_ =	strace $0x8FFFFFFF  }
0x98: {  	s19 =	sld [smem:$0x3FDB];
	_ =	sdelay $0x1  }
0x99: {  	s20 =	simm.s32 $_scs_section_size  }
0x9a: {  	s4 =	simm.s32 $_size__tile_overlayer_lowered;
	s5 =	simm.s32 $_tile_overlayer_lowered  }
0x9b: {  	s6 =	simm.s32 $0x1BFF;
	s21 =	sshll.u32 s5, $0x1;
	s3 =	sadd.s32 s20, s19  }
0x9c: {  	s22 =	simm.s32 $0x0;
	s4 =	sshll.u32 s4, $0x1;
	s5 =	sadd.s32 s21, s3  }
0x9d: {  	[timem:s22], [sflag:s6] =	dma.local [hbm:s5], s4  }
0x9e: {  	_ =	swait.ge [sflag:s6], s4  }
0x9f: {  	s4 =	ssub.s32 $0x0, s4;
	[sflag:s6] =	ssyncset.done $0x0  }
0xa0: {  	[sflag:s6] =	ssyncadd.s32 s4;
	_ =	sdelay $0x1  }
0xa1: {  	s23 =	simm.s32 $0x1B8B  }
0xa2: {  	_ =	swait.ge [sflag:s23], $0x1  }
0xa3: {  	[sflag:s23] =	ssyncset.done $0x0  }
0xa4: {  	[sflag:s23] =	ssyncadd.s32 $0xFFFFFFFF  }
0xa5: {  	s4 =	sld [smem:$0x0]  }
0xa6: {  	s5 =	sand.u32 $0xFFFFFFFE, s1  }
0xa7: {  	p0 =	sne.s32 s1, s5  }
0xa8: {  	s5 =	sshll.u32 @p0 s5, $0xE  }
0xa9: {  	s5 =	sadd.s32 @p0 $0x11B8D, s5;
	s6 =	sshll.u32 @p0 s4, $0x11  }
0xaa: {  	s5 =	sor.u32 @p0 s6, s5  }
0xab: {  	[sflag:s5] =	ssyncadd.remote.s32 @p0 $0x1;
	_ =	sdelay $0x1  }
0xac: {  	s5 =	simm.s32 @p0 $0x1B8D  }
0xad: {  	_ =	swait.eq @p0 [sflag:s5], $0x1  }
0xae: {  	[sflag:s5] =	ssyncadd.s32 @p0 $0xFFFFFFFF  }
0xaf: {  	s6 =	sshll.u32 @!p0 s1, $0xE  }
0xb0: {  	s6 =	sor.u32 @!p0 $0x4000, s6;
	s5 =	simm.s32 @!p0 $0x1B8D  }
0xb1: {  	s4 =	sshll.u32 @!p0 s4, $0x11;
	s6 =	sadd.s32 @!p0 $0x11B8D, s6;
	_ =	swait.eq @!p0 [sflag:s5], $0x1  }
0xb2: {  	s4 =	sor.u32 @!p0 s4, s6;
	[sflag:s5] =	ssyncadd.s32 @!p0 $0xFFFFFFFF  }
0xb3: {  	s25 =	simm.s32 $0x1B8E;
	s24 =	sld [smem:$0x3FFE];
	[sflag:s4] =	ssyncadd.remote.s32 @!p0 $0x1  }
0xb4: {  	s26 =	simm.s32 $execute0_lowered;
	[smem:$0x3FD2] =	sst s25  }
0xb5: {  	s5 =	sshll.u32 s26, $0x1;
	_ =	strace $0x80000049;
	[dreg:$0x1] =	wrdreg $0xFFFFFFFF  }
0xb6: {  	s28 =	simm.s32 $_size_execute0_lowered;
	s3 =	sadd.s32 s3, s5;
	[dreg:$0x0] =	wrdreg $0x0  }
0xb7: {  	s5 =	sshll.u32 s28, $0x1;
	[dreg:$0x2] =	wrdreg s3  }
0xb8: {  	[dreg:$0x3] =	wrdreg s5  }
0xb9: {  	[dreg:$0x4] =	wrdreg $0xC0  }
0xba: {  	_ =	task [dreg:s22], $0x5FFFF  }
0xbb: {  	[dreg:$0x1] =	wrdreg $0xFFFFFFFF  }
0xbc: {  	[dreg:$0x0] =	wrdreg $0x60  }
0xbd: {  	[dreg:$0x2] =	wrdreg s24  }
0xbe: {  	[dreg:$0x3] =	wrdreg $0xA  }
0xbf: {  	_ =	task.clear_ibuf [dreg:s22], $0x4FFFF;
	_ =	strace $0x90000049  }
0xc0: {  	s29 =	simm.s32 $0xA;
	_ =	strace $0x8000004B  }
0xc1: {  	_ =	swait.ge [sflag:s29], $0x1  }
0xc2: {  	[sflag:s29] =	ssyncadd.s32 $0xFFFFFFFF  }
0xc3: {  	_ =	strace $0x9000004B  }
0xc4: {  	_ =	sfence  }
0xc5: {  	s30 =	sld [smem:$0x0];
	_ =	sdelay $0x2  }
0xc6: {  	s31 =	sshll.u32 s1, $0xD;
	s1 =	sshrl.u32 s1, $0x2  }
0xc7: {  	s4 =	sand.u32 $0x4000, s31;
	s1 =	sadd.s32 s1, s30  }
0xc8: {  	s0 =	sor.u32 s4, s0;
	s1 =	sshll.u32 s1, $0x11  }
0xc9: {  	s0 =	sor.u32 s1, s0  }
0xca: {  	s0 =	sadd.s32 $0x8F2B, s0  }
0xcb: {  	[sflag:s0] =	ssyncadd.remote.s32 $0x1  }
0xcc: {  	_ =	sfence.sel $0xFFFF  }
0xcd: {  	[dreg:$0x0] =	wrdreg $0xFFFFFFFF;
	(pc) =	sbr.abs _section_cstart, $3  }
0xce: {  	[dreg:$0x1] =	wrdreg $0xFFFFFFFF  }
0xcf: {  	_ =	task.clear_ibuf [dreg:s22], $0x2FFFF;
	_ =	strace $0x9FFFFFFF  }
0xd0: {  	(tm) =	ssettm $0x7FFFFFFF  }
0xd1: {  	_ =	shalt  }
tec
execute0_lowered:
.L_overlay_start_1:
0x0: {  	(tag) =	ssettag $0x1  }
0x1: {  	s0 =	srdreg.scid;
	s10 =	stileid.u32  }
0x2: {  	s1 =	rddreg [dreg:$0x0];
	s2 =	simm.s32 $0x0;
	s18 =	simm.s32 $0xE200  }
0x3: {  	s19 =	simm.s32 $0xF200;
	s20 =	simm.s32 $0x10200;
	s21 =	simm.s32 $0x11200  }
0x4: {  	s22 =	simm.s32 $0x12200;
	s23 =	simm.s32 $0x13200;
	s24 =	simm.s32 $0x14200  }
0x5: {  	s25 =	simm.s32 $0x15200;
	s26 =	simm.s32 $0x16200;
	s28 =	simm.s32 $0x1  }
0x6: {  	s29 =	simm.s32 $0x3;
	s30 =	simm.s32 $0x2;
	[smem:$0x7FF] =	sst s2  }
0x7: {  	s31 =	simm.s32 $0x4;
	_ =	strace $0x8000004A;
	[dreg:$0x4] =	wrdreg s18  }
0x8: {  	s0 =	sand.u32 $0x1, s0;
	s3 =	sshll.u32 s10, $0x1;
	[dreg:$0x5] =	wrdreg s19  }
0x9: {  	s6 =	smul.u32 $0x6400, s10;
	s9 =	sadd.s32 $0x589800, s1;
	[dreg:$0x6] =	wrdreg s20  }
0xa: {  	s15 =	smul.u32 $0x19000, s10;
	s3 =	sor.u32 s0, s3;
	[dreg:$0x7] =	wrdreg s21  }
0xb: {  	s5 =	ssub.s32 $0x2, s0;
	s8 =	smul.u32 $0x3200, s0;
	[dreg:$0x8] =	wrdreg s22  }
0xc: {  	s0 =	smul.u32 $0xC800, s0;
	s19 =	simm.s32 $0x9200;
	[dreg:$0x9] =	wrdreg s23  }
0xd: {  	s20 =	simm.s32 $0x380;
	s21 =	simm.s32 $0xA200;
	[dreg:$0xa] =	wrdreg s24  }
0xe: {  	s22 =	simm.s32 $0x400;
	s23 =	simm.s32 $0xB200;
	[dreg:$0xb] =	wrdreg s25  }
0xf: {  	s24 =	simm.s32 $0x480;
	[dreg:$0xc] =	wrdreg s26;
	s25 =	simm.s32 $0xC200  }
0x10: {  	s26 =	simm.s32 $0xD200;
	s4 =	smul.u32 $0x3200, s3;
	s7 =	sshrl.u32 s5, $0x1  }
0x11: {  	s3 =	sadd.s32 $0x19800, s1;
	s5 =	ssub.s32 s5, s7;
	s6 =	sadd.s32 s8, s6  }
0x12: {  	s7 =	sadd.s32 s15, s9;
	s8 =	simm.s32 $0x3200;
	s4 =	sshrl.u32 s4, $0x3  }
0x13: {  	s6 =	sshll.u32 s6, $0x2;
	s0 =	sadd.s32 s0, s7;
	s5 =	smax.u32 s5, $0x1  }
0x14: {  	s7 =	simm.s32 $0x80;
	s1 =	sadd.s32 s1, s4;
	s16 =	sadd.s32 s9, s6  }
0x15: {  	[dreg:$0x2] =	wrdreg s0;
	s6 =	simm.s32 $0x5;
	s17 =	sadd.s32 $0x1400, s16  }
0x16: {  	s4 =	sadd.s32 $0xD000, s1;
	s1 =	simm.s32 $0x0;
	[dreg:$0x3] =	wrdreg s17  }
.LBB2_1:
0x17: {  	[tilespmem:s2], [sflag:$0x5] =	stream.linear.gather [hbm4b:s4+s2], $0x3200, $0x38;
	[tilespmem:$0x17200] =	vst v63  }
0x18: {  	_ =	swait.ge [sflag:s6], $0x3200  }
0x19: {  	[sflag:s6] =	ssyncset.done $0x0  }
0x1a: {  	s0 =	simm.s32 $0x0;
	[sflag:s6] =	ssyncadd.s32 $0xFFFFCE00  }
0x1b: {  	v0 =	vld [tilespmem:s0+$0x0]  }
0x1c: {  	v1 =	vld [tilespmem:s0+$0x10]  }
0x1d: {  	v5 =	vld [tilespmem:s0+$0x30];
	_ =	sdelay $0x2  }
0x1e: {  	v2 =	vshll.u32 v0, $0x2  }
0x1f: {  	v3 =	vld [tilespmem:s0+$0x20];
	v4 =	vand.u32 $0xFFFF8000, v0;
	v0 =	vshrl.u32 v0, $0xD;
	v6 =	vand.u32 $0xFFFF8000, v1  }
0x20: {  	v7 =	vshll.u32 v5, $0x2;
	v9 =	vand.u32 $0xFFFF8000, v5;
	v5 =	vshrl.u32 v5, $0xD  }
0x21: {  	v2 =	vand.u32 $0x7FFC, v2;
	v0 =	vand.u32 $0x3, v0;
	v7 =	vand.u32 $0x7FFC, v7  }
0x22: {  	v8 =	vld [tilespmem:s0+$0x40];
	v2 =	vor.u32 v4, v2;
	v4 =	vshll.u32 v1, $0x2;
	v1 =	vshrl.u32 v1, $0xD  }
0x23: {  	v7 =	vor.u32 v9, v7;
	v9 =	vand.u32 $0x3, v5;
	v4 =	vand.u32 $0x7FFC, v4  }
0x24: {  	v5 =	vld [tilespmem:s0+$0x50];
	v0 =	vor.u32 v0, v2;
	v2 =	vor.u32 v6, v4;
	v6 =	vshll.u32 v3, $0x2  }
0x25: {  	v4 =	vand.u32 $0xFFFF8000, v3;
	v3 =	vshrl.u32 v3, $0xD;
	v6 =	vand.u32 $0x7FFC, v6  }
0x26: {  	v1 =	vand.u32 $0x3, v1;
	v3 =	vand.u32 $0x3, v3;
	v6 =	vor.u32 v4, v6  }
0x27: {  	v4 =	vor.u32 v1, v2;
	v1 =	vor.u32 v9, v7;
	v2 =	vld [tilespmem:s0+$0x60];
	v7 =	vshll.u32 v8, $0x2  }
0x28: {  	s9 =	simm.s32 $0x200;
	v3 =	vor.u32 v3, v6;
	v6 =	vand.u32 $0xFFFF8000, v8;
	v8 =	vshrl.u32 v8, $0xD  }
.LBB2_2:
0x29: {  	p0 =	sne.s32 s9, $0xC600;
	v7 =	vand.u32 $0x7FFC, v7;
	v8 =	vand.u32 $0x3, v8;
	v9 =	vshll.u32 v5, $0x2;
	v10 =	vld [tilespmem:s0+$0x70]  }
0x2a: {  	v11 =	vand.u32 $0xFFFF8000, v5;
	v5 =	vshrl.u32 v5, $0xD;
	v9 =	vand.u32 $0x7FFC, v9  }
0x2b: {  	s10 =	sshra.s32 s9, $0x2;
	v5 =	vand.u32 $0x3, v5;
	[tilespmem:s0+$0x0] =	vst v0;
	v0 =	vor.u32 v6, v7;
	v6 =	vor.u32 v11, v9  }
0x2c: {  	v7 =	vld [tilespmem:s10+$0x0];
	[tilespmem:s0+$0x10] =	vst v4;
	v0 =	vor.u32 v8, v0;
	v4 =	vor.u32 v5, v6;
	v5 =	vshll.u32 v2, $0x2  }
0x2d: {  	[tilespmem:s0+$0x20] =	vst v3;
	v3 =	vand.u32 $0xFFFF8000, v2;
	v5 =	vand.u32 $0x7FFC, v5;
	v2 =	vshrl.u32 v2, $0xD  }
0x2e: {  	v6 =	vld [tilespmem:s10+$0x10];
	[tilespmem:s0+$0x30] =	vst v1;
	v1 =	vor.u32 v3, v5;
	v2 =	vand.u32 $0x3, v2;
	v3 =	vshll.u32 v10, $0x2  }
0x2f: {  	v5 =	vshrl.u32 v10, $0xD;
	[tilespmem:s0+$0x40] =	vst v0;
	v0 =	vand.u32 $0xFFFF8000, v10;
	v3 =	vand.u32 $0x7FFC, v3  }
0x30: {  	v1 =	vor.u32 v2, v1;
	v2 =	vand.u32 $0x3, v5;
	[tilespmem:s0+$0x50] =	vst v4;
	v0 =	vor.u32 v0, v3  }
0x31: {  	v3 =	vshll.u32 v7, $0x2;
	v4 =	vld [tilespmem:s10+$0x20];
	[tilespmem:s0+$0x60] =	vst v1;
	v0 =	vor.u32 v2, v0  }
0x32: {  	v1 =	vand.u32 $0xFFFF8000, v7;
	v2 =	vand.u32 $0x7FFC, v3;
	v3 =	vshrl.u32 v7, $0xD;
	v7 =	vld [tilespmem:s10+$0x30];
	[tilespmem:s0+$0x70] =	vst v0;
	s0 =	smov.u32 s10  }
0x33: {  	v0 =	vor.u32 v1, v2;
	v1 =	vand.u32 $0x3, v3;
	v2 =	vshll.u32 v6, $0x2  }
0x34: {  	v3 =	vand.u32 $0xFFFF8000, v6;
	v5 =	vshrl.u32 v6, $0xD;
	v2 =	vand.u32 $0x7FFC, v2  }
0x35: {  	v0 =	vor.u32 v1, v0;
	v1 =	vor.u32 v3, v2;
	v2 =	vand.u32 $0x3, v5  }
0x36: {  	v3 =	vand.u32 $0xFFFF8000, v4;
	v5 =	vshll.u32 v4, $0x2;
	v4 =	vshrl.u32 v4, $0xD;
	v8 =	vld [tilespmem:s0+$0x40]  }
.Ltmp0:
0x37: {  	v6 =	vand.u32 $0x7FFC, v5;
	v9 =	vand.u32 $0x3, v4;
	v4 =	vshll.u32 v7, $0x2;
	v5 =	vld [tilespmem:s0+$0x50];
	(pc) =	sbr.rel @p0 .LBB2_2-.Ltmp0, $4  }
0x38: {  	v10 =	vand.u32 $0xFFFF8000, v7;
	v7 =	vshrl.u32 v7, $0xD;
	v4 =	vand.u32 $0x7FFC, v4  }
0x39: {  	v3 =	vor.u32 v3, v6;
	v7 =	vand.u32 $0x3, v7;
	v6 =	vor.u32 v10, v4  }
0x3a: {  	v4 =	vor.u32 v2, v1;
	v3 =	vor.u32 v9, v3;
	v1 =	vor.u32 v7, v6;
	v2 =	vld [tilespmem:s0+$0x60]  }
0x3b: {  	s9 =	sadd.s32 $0x200, s9;
	v6 =	vand.u32 $0xFFFF8000, v8;
	v7 =	vshll.u32 v8, $0x2;
	v8 =	vshrl.u32 v8, $0xD  }
0x3c: {  	v7 =	vand.u32 $0x7FFC, v7;
	v8 =	vand.u32 $0x3, v8;
	v9 =	vshll.u32 v5, $0x2;
	v10 =	vld [tilespmem:s0+$0x70]  }
0x3d: {  	v11 =	vand.u32 $0xFFFF8000, v5;
	v52 =	vshrl.u32 v5, $0xD;
	v9 =	vand.u32 $0x7FFC, v9  }
0x3e: {  	[tilespmem:s0+$0x0] =	vst v0;
	v53 =	vor.u32 v6, v7;
	v5 =	vand.u32 $0x3, v52;
	v54 =	vor.u32 v11, v9  }
0x3f: {  	[tilespmem:s0+$0x10] =	vst v4;
	v0 =	vor.u32 v8, v53;
	v55 =	vor.u32 v5, v54;
	v56 =	vshll.u32 v2, $0x2  }
0x40: {  	[tilespmem:s0+$0x20] =	vst v3;
	v57 =	vand.u32 $0xFFFF8000, v2;
	v58 =	vshrl.u32 v2, $0xD;
	v5 =	vand.u32 $0x7FFC, v56  }
0x41: {  	[tilespmem:s0+$0x30] =	vst v1;
	v2 =	vand.u32 $0x3, v58;
	v59 =	vor.u32 v57, v5;
	v60 =	vshll.u32 v10, $0x2  }
0x42: {  	[tilespmem:s0+$0x40] =	vst v0;
	v61 =	vand.u32 $0xFFFF8000, v10;
	v62 =	vshrl.u32 v10, $0xD;
	v3 =	vand.u32 $0x7FFC, v60  }
0x43: {  	[tilespmem:s0+$0x50] =	vst v55;
	v1 =	vor.u32 v2, v59;
	v63 =	vand.u32 $0x3, v62;
	v0 =	vor.u32 v61, v3  }
0x44: {  	[tilespmem:s0+$0x60] =	vst v1;
	v0 =	vor.u32 v63, v0  }
0x45: {  	[tilespmem:s0+$0x70] =	vst v0;
	s0 =	simm.s32 $0x0  }
0x46: {  	[tilespmem:s8], [sflag:$0x1] =	stream.indirect.gather [hbm4b:s3+s7], $0x20, s0, s7, $0xb8;
	[tilespmem:$0x17200] =	vst v63  }
0x47: {  	s9 =	simm.s32 $0x4200  }
0x48: {  	[tilespmem:s9], [sflag:$0x1] =	stream.indirect.gather [hbm4b:s3+s7], $0x20, s7, s7, $0xb8;
	[tilespmem:$0x17200] =	vst v63  }
0x49: {  	s16 =	simm.s32 $0x100;
	s10 =	simm.s32 $0x5200  }
0x4a: {  	[tilespmem:s10], [sflag:$0x1] =	stream.indirect.gather [hbm4b:s3+s7], $0x20, s16, s7, $0xb8;
	[tilespmem:$0x17200] =	vst v63  }
0x4b: {  	s17 =	simm.s32 $0x180;
	s18 =	simm.s32 $0x6200  }
0x4c: {  	[tilespmem:s18], [sflag:$0x1] =	stream.indirect.gather [hbm4b:s3+s7], $0x20, s17, s7, $0xb8;
	[tilespmem:$0x17200] =	vst v63  }
0x4d: {  	s11 =	simm.s32 $0x200;
	s12 =	simm.s32 $0x7200  }
0x4e: {  	[tilespmem:s12], [sflag:$0x1] =	stream.indirect.gather [hbm4b:s3+s7], $0x20, s11, s7, $0xb8;
	[tilespmem:$0x17200] =	vst v63  }
0x4f: {  	s13 =	simm.s32 $0x280;
	s14 =	simm.s32 $0x8200  }
0x50: {  	[tilespmem:s14], [sflag:$0x1] =	stream.indirect.gather [hbm4b:s3+s7], $0x20, s13, s7, $0xb8;
	[tilespmem:$0x17200] =	vst v63  }
0x51: {  	s15 =	simm.s32 $0x300  }
0x52: {  	[tilespmem:s19], [sflag:$0x1] =	stream.indirect.gather [hbm4b:s3+s7], $0x20, s15, s7, $0xb8;
	[tilespmem:$0x17200] =	vst v63  }
0x53: {  	_ = 	snop  }
0x54: {  	[tilespmem:s21], [sflag:$0x1] =	stream.indirect.gather [hbm4b:s3+s7], $0x20, s20, s7, $0xb8;
	[tilespmem:$0x17200] =	vst v63  }
0x55: {  	p0 =	por $0x1, $0x1  }
0x56: {  	[tilespmem:s23], [sflag:$0x1] =	stream.indirect.gather [hbm4b:s3+s7], $0x20, s22, s7, $0xb8;
	[tilespmem:$0x17200] =	vst v63  }
0x57: {  	s9 =	simm.s32 @!p0 $0x4  }
0x58: {  	[tilespmem:s25], [sflag:$0x1] =	stream.indirect.gather [hbm4b:s3+s7], $0x20, s24, s7, $0xb8;
	[tilespmem:$0x17200] =	vst v63  }
0x59: {  	_ =	swait.ge @!p0 [sflag:s9], $0xA000  }
0x5a: {  	[sflag:s9] =	ssyncset.done @!p0 $0x0  }
0x5b: {  	s16 =	simm.s32 $0x500;
	[sflag:s9] =	ssyncadd.s32 @!p0 $0xFFFF6000  }
0x5c: {  	[tilespmem:s26], [sflag:$0x2] =	stream.indirect.gather [hbm4b:s3+s7], $0x20, s16, s7, $0xb8;
	[tilespmem:$0x17200] =	vst v63  }
0x5d: {  	s18 =	simm.s32 $0x580;
	s17 =	rddreg [dreg:$0x4]  }
0x5e: {  	[tilespmem:s17], [sflag:$0x2] =	stream.indirect.gather [hbm4b:s3+s7], $0x20, s18, s7, $0xb8;
	[tilespmem:$0x17200] =	vst v63  }
0x5f: {  	s10 =	simm.s32 $0x600;
	s11 =	rddreg [dreg:$0x5]  }
0x60: {  	[tilespmem:s11], [sflag:$0x2] =	stream.indirect.gather [hbm4b:s3+s7], $0x20, s10, s7, $0xb8;
	[tilespmem:$0x17200] =	vst v63  }
0x61: {  	s13 =	simm.s32 $0x680;
	s12 =	rddreg [dreg:$0x6]  }
0x62: {  	[tilespmem:s12], [sflag:$0x2] =	stream.indirect.gather [hbm4b:s3+s7], $0x20, s13, s7, $0xb8;
	[tilespmem:$0x17200] =	vst v63  }
0x63: {  	s15 =	simm.s32 $0x700;
	s14 =	rddreg [dreg:$0x7]  }
0x64: {  	[tilespmem:s14], [sflag:$0x2] =	stream.indirect.gather [hbm4b:s3+s7], $0x20, s15, s7, $0xb8;
	[tilespmem:$0x17200] =	vst v63  }
0x65: {  	s16 =	rddreg [dreg:$0x8];
	s17 =	simm.s32 $0x780  }
0x66: {  	[tilespmem:s16], [sflag:$0x2] =	stream.indirect.gather [hbm4b:s3+s7], $0x20, s17, s7, $0xb8;
	[tilespmem:$0x17200] =	vst v63  }
0x67: {  	s18 =	rddreg [dreg:$0x9];
	s10 =	simm.s32 $0x800  }
0x68: {  	[tilespmem:s18], [sflag:$0x2] =	stream.indirect.gather [hbm4b:s3+s7], $0x20, s10, s7, $0xb8;
	[tilespmem:$0x17200] =	vst v63  }
0x69: {  	s12 =	rddreg [dreg:$0xa];
	s13 =	simm.s32 $0x880  }
0x6a: {  	[tilespmem:s12], [sflag:$0x2] =	stream.indirect.gather [hbm4b:s3+s7], $0x20, s13, s7, $0xb8;
	[tilespmem:$0x17200] =	vst v63  }
0x6b: {  	s14 =	rddreg [dreg:$0xb];
	s15 =	simm.s32 $0x900  }
0x6c: {  	[tilespmem:s14], [sflag:$0x2] =	stream.indirect.gather [hbm4b:s3+s7], $0x20, s15, s7, $0xb8;
	[tilespmem:$0x17200] =	vst v63  }
0x6d: {  	s16 =	rddreg [dreg:$0xc];
	s17 =	simm.s32 $0x980  }
0x6e: {  	[tilespmem:s16], [sflag:$0x2] =	stream.indirect.gather [hbm4b:s3+s7], $0x20, s17, s7, $0xb8;
	[tilespmem:$0x17200] =	vst v63  }
0x6f: {  	_ =	swait.ge [sflag:s28], $0x1000  }
0x70: {  	[sflag:s28] =	ssyncset.done $0x0  }
0x71: {  	[sflag:s28] =	ssyncadd.s32 $0xFFFFF000  }
0x72: {  	_ =	swait.ge [sflag:s28], $0x1000  }
0x73: {  	[sflag:s28] =	ssyncset.done $0x0  }
0x74: {  	[sflag:s28] =	ssyncadd.s32 $0xFFFFF000  }
0x75: {  	_ =	swait.ge [sflag:s28], $0x1000  }
0x76: {  	[sflag:s28] =	ssyncset.done $0x0  }
0x77: {  	[sflag:s28] =	ssyncadd.s32 $0xFFFFF000  }
0x78: {  	_ =	swait.ge [sflag:s28], $0x1000  }
0x79: {  	[sflag:s28] =	ssyncset.done $0x0  }
0x7a: {  	[sflag:s28] =	ssyncadd.s32 $0xFFFFF000  }
0x7b: {  	_ =	swait.ge [sflag:s28], $0x1000  }
0x7c: {  	[sflag:s28] =	ssyncset.done $0x0  }
0x7d: {  	[sflag:s28] =	ssyncadd.s32 $0xFFFFF000  }
0x7e: {  	_ =	swait.ge [sflag:s28], $0x1000  }
0x7f: {  	[sflag:s28] =	ssyncset.done $0x0  }
0x80: {  	[sflag:s28] =	ssyncadd.s32 $0xFFFFF000  }
0x81: {  	_ =	swait.ge [sflag:s28], $0x1000  }
0x82: {  	[sflag:s28] =	ssyncset.done $0x0  }
0x83: {  	[sflag:s28] =	ssyncadd.s32 $0xFFFFF000  }
0x84: {  	_ =	swait.ge [sflag:s28], $0x1000  }
0x85: {  	[sflag:s28] =	ssyncset.done $0x0  }
0x86: {  	[sflag:s28] =	ssyncadd.s32 $0xFFFFF000  }
0x87: {  	_ =	swait.ge [sflag:s28], $0x1000  }
0x88: {  	[sflag:s28] =	ssyncset.done $0x0  }
0x89: {  	[sflag:s28] =	ssyncadd.s32 $0xFFFFF000  }
0x8a: {  	_ =	swait.ge [sflag:s28], $0x1000  }
0x8b: {  	s18 =	rddreg [dreg:$0x2];
	[sflag:s28] =	ssyncset.done $0x0  }
0x8c: {  	[sflag:s28] =	ssyncadd.s32 $0xFFFFF000;
	s9 =	sadd.s32 $0x0, s18  }
0x8d: {  	[hbm4b:s9+s2] =	stream.linear.scatter [tilespmem:s8], [sflag:$0x3], $0xA000, $0x38;
	[tilespmem:$0x17200] =	vst v63  }
0x8e: {  	p0 =	por $0x0, $0x0;
	_ =	swait.ge [sflag:s29], $0xA000  }
0x8f: {  	s11 =	simm.s32 @!p0 $0x80;
	[sflag:s29] =	ssyncset.done $0x0  }
0x90: {  	s10 =	simm.s32 @!p0 $0xA00;
	s9 =	simm.s32 @!p0 $0x3200;
	[sflag:s29] =	ssyncadd.s32 $0xFFFF6000  }
0x91: {  	[tilespmem:s9], [sflag:$0x1] =	stream.indirect.gather @!p0 [hbm4b:s3+s11], $0x20, s10, s11, $0xb8;
	[tilespmem:$0x17200] =	vst v63  }
0x92: {  	s9 =	simm.s32 @!p0 $0xA80;
	s10 =	simm.s32 @!p0 $0x4200  }
0x93: {  	[tilespmem:s10], [sflag:$0x1] =	stream.indirect.gather @!p0 [hbm4b:s3+s11], $0x20, s9, s11, $0xb8;
	[tilespmem:$0x17200] =	vst v63  }
0x94: {  	s9 =	simm.s32 @!p0 $0xB00;
	s10 =	simm.s32 @!p0 $0x5200  }
0x95: {  	[tilespmem:s10], [sflag:$0x1] =	stream.indirect.gather @!p0 [hbm4b:s3+s11], $0x20, s9, s11, $0xb8;
	[tilespmem:$0x17200] =	vst v63  }
0x96: {  	s9 =	simm.s32 @!p0 $0xB80;
	s10 =	simm.s32 @!p0 $0x6200  }
0x97: {  	[tilespmem:s10], [sflag:$0x1] =	stream.indirect.gather @!p0 [hbm4b:s3+s11], $0x20, s9, s11, $0xb8;
	[tilespmem:$0x17200] =	vst v63  }
0x98: {  	s9 =	simm.s32 @!p0 $0xC00;
	s10 =	simm.s32 @!p0 $0x7200  }
0x99: {  	[tilespmem:s10], [sflag:$0x1] =	stream.indirect.gather @!p0 [hbm4b:s3+s11], $0x20, s9, s11, $0xb8;
	[tilespmem:$0x17200] =	vst v63  }
0x9a: {  	s9 =	simm.s32 @!p0 $0xC80;
	s10 =	simm.s32 @!p0 $0x8200  }
0x9b: {  	[tilespmem:s10], [sflag:$0x1] =	stream.indirect.gather @!p0 [hbm4b:s3+s11], $0x20, s9, s11, $0xb8;
	[tilespmem:$0x17200] =	vst v63  }
0x9c: {  	s9 =	simm.s32 @!p0 $0xD00;
	s10 =	simm.s32 @!p0 $0x9200  }
0x9d: {  	[tilespmem:s10], [sflag:$0x1] =	stream.indirect.gather @!p0 [hbm4b:s3+s11], $0x20, s9, s11, $0xb8;
	[tilespmem:$0x17200] =	vst v63  }
0x9e: {  	s9 =	simm.s32 @!p0 $0xD80;
	s10 =	simm.s32 @!p0 $0xA200  }
0x9f: {  	[tilespmem:s10], [sflag:$0x1] =	stream.indirect.gather @!p0 [hbm4b:s3+s11], $0x20, s9, s11, $0xb8;
	[tilespmem:$0x17200] =	vst v63  }
0xa0: {  	s9 =	simm.s32 @!p0 $0xE00;
	s10 =	simm.s32 @!p0 $0xB200  }
0xa1: {  	[tilespmem:s10], [sflag:$0x1] =	stream.indirect.gather @!p0 [hbm4b:s3+s11], $0x20, s9, s11, $0xb8;
	[tilespmem:$0x17200] =	vst v63  }
0xa2: {  	s9 =	simm.s32 @!p0 $0xE80;
	s10 =	simm.s32 @!p0 $0xC200  }
0xa3: {  	[tilespmem:s10], [sflag:$0x1] =	stream.indirect.gather @!p0 [hbm4b:s3+s11], $0x20, s9, s11, $0xb8;
	[tilespmem:$0x17200] =	vst v63  }
0xa4: {  	_ =	swait.ge [sflag:s30], $0x1000  }
0xa5: {  	[sflag:s30] =	ssyncset.done $0x0  }
0xa6: {  	[sflag:s30] =	ssyncadd.s32 $0xFFFFF000  }
0xa7: {  	_ =	swait.ge [sflag:s30], $0x1000  }
0xa8: {  	[sflag:s30] =	ssyncset.done $0x0  }
0xa9: {  	[sflag:s30] =	ssyncadd.s32 $0xFFFFF000  }
0xaa: {  	_ =	swait.ge [sflag:s30], $0x1000  }
0xab: {  	[sflag:s30] =	ssyncset.done $0x0  }
0xac: {  	[sflag:s30] =	ssyncadd.s32 $0xFFFFF000  }
0xad: {  	_ =	swait.ge [sflag:s30], $0x1000  }
0xae: {  	[sflag:s30] =	ssyncset.done $0x0  }
0xaf: {  	[sflag:s30] =	ssyncadd.s32 $0xFFFFF000  }
0xb0: {  	_ =	swait.ge [sflag:s30], $0x1000  }
0xb1: {  	[sflag:s30] =	ssyncset.done $0x0  }
0xb2: {  	[sflag:s30] =	ssyncadd.s32 $0xFFFFF000  }
0xb3: {  	_ =	swait.ge [sflag:s30], $0x1000  }
0xb4: {  	[sflag:s30] =	ssyncset.done $0x0  }
0xb5: {  	[sflag:s30] =	ssyncadd.s32 $0xFFFFF000  }
0xb6: {  	_ =	swait.ge [sflag:s30], $0x1000  }
0xb7: {  	[sflag:s30] =	ssyncset.done $0x0  }
0xb8: {  	[sflag:s30] =	ssyncadd.s32 $0xFFFFF000  }
0xb9: {  	_ =	swait.ge [sflag:s30], $0x1000  }
0xba: {  	[sflag:s30] =	ssyncset.done $0x0  }
0xbb: {  	[sflag:s30] =	ssyncadd.s32 $0xFFFFF000  }
0xbc: {  	_ =	swait.ge [sflag:s30], $0x1000  }
0xbd: {  	[sflag:s30] =	ssyncset.done $0x0  }
0xbe: {  	[sflag:s30] =	ssyncadd.s32 $0xFFFFF000  }
0xbf: {  	_ =	swait.ge [sflag:s30], $0x1000  }
0xc0: {  	p1 =	por $0x0, $0x0;
	s9 =	simm.s32 $0x2800;
	[sflag:s30] =	ssyncset.done $0x0  }
0xc1: {  	s10 =	simm.s32 $0x5000;
	s11 =	rddreg [dreg:$0x3];
	[sflag:s30] =	ssyncadd.s32 $0xFFFFF000  }
.LBB2_4:
0xc2: {  	s12 =	simm.s32 @!p1 $0x4;
	s11 =	sadd.s32 s0, s11  }
0xc3: {  	[hbm4b:s11+s2] =	stream.linear.scatter [tilespmem:s26], [sflag:$0x4], $0xA000, $0x38;
	[tilespmem:$0x17200] =	vst v63  }
0xc4: {  	s0 =	smov.u32 s9;
	_ =	swait.ge @!p1 [sflag:s12], $0xA000  }
0xc5: {  	s11 =	sshra.s32 s0, $0x2;
	[sflag:s12] =	ssyncset.done @!p1 $0x0  }
0xc6: {  	s15 =	sadd.s32 $0x500, s11;
	[sflag:s12] =	ssyncadd.s32 @!p1 $0xFFFF6000  }
0xc7: {  	[tilespmem:s26], [sflag:$0x2] =	stream.indirect.gather [hbm4b:s3+s7], $0x20, s15, s7, $0xb8;
	[tilespmem:$0x17200] =	vst v63  }
0xc8: {  	s16 =	sadd.s32 $0x580, s11;
	s13 =	rddreg [dreg:$0x4]  }
0xc9: {  	[tilespmem:s13], [sflag:$0x2] =	stream.indirect.gather [hbm4b:s3+s7], $0x20, s16, s7, $0xb8;
	[tilespmem:$0x17200] =	vst v63  }
0xca: {  	s17 =	sadd.s32 $0x600, s11;
	s14 =	rddreg [dreg:$0x5]  }
0xcb: {  	[tilespmem:s14], [sflag:$0x2] =	stream.indirect.gather [hbm4b:s3+s7], $0x20, s17, s7, $0xb8;
	[tilespmem:$0x17200] =	vst v63  }
0xcc: {  	s18 =	rddreg [dreg:$0x6];
	s15 =	sadd.s32 $0x680, s11  }
0xcd: {  	[tilespmem:s18], [sflag:$0x2] =	stream.indirect.gather [hbm4b:s3+s7], $0x20, s15, s7, $0xb8;
	[tilespmem:$0x17200] =	vst v63  }
0xce: {  	s16 =	rddreg [dreg:$0x7];
	s17 =	sadd.s32 $0x700, s11  }
0xcf: {  	[tilespmem:s16], [sflag:$0x2] =	stream.indirect.gather [hbm4b:s3+s7], $0x20, s17, s7, $0xb8;
	[tilespmem:$0x17200] =	vst v63  }
0xd0: {  	s18 =	rddreg [dreg:$0x8];
	s15 =	sadd.s32 $0x780, s11  }
0xd1: {  	[tilespmem:s18], [sflag:$0x2] =	stream.indirect.gather [hbm4b:s3+s7], $0x20, s15, s7, $0xb8;
	[tilespmem:$0x17200] =	vst v63  }
0xd2: {  	s16 =	rddreg [dreg:$0x9];
	s17 =	sadd.s32 $0x800, s11  }
0xd3: {  	[tilespmem:s16], [sflag:$0x2] =	stream.indirect.gather [hbm4b:s3+s7], $0x20, s17, s7, $0xb8;
	[tilespmem:$0x17200] =	vst v63  }
0xd4: {  	s14 =	sadd.s32 $0x880, s11;
	s18 =	rddreg [dreg:$0xa]  }
0xd5: {  	[tilespmem:s18], [sflag:$0x2] =	stream.indirect.gather [hbm4b:s3+s7], $0x20, s14, s7, $0xb8;
	[tilespmem:$0x17200] =	vst v63  }
0xd6: {  	s15 =	rddreg [dreg:$0xb];
	s16 =	sadd.s32 $0x900, s11  }
0xd7: {  	[tilespmem:s15], [sflag:$0x2] =	stream.indirect.gather [hbm4b:s3+s7], $0x20, s16, s7, $0xb8;
	[tilespmem:$0x17200] =	vst v63  }
0xd8: {  	s17 =	rddreg [dreg:$0xc];
	s11 =	sadd.s32 $0x980, s11  }
0xd9: {  	[tilespmem:s17], [sflag:$0x2] =	stream.indirect.gather [hbm4b:s3+s7], $0x20, s11, s7, $0xb8;
	[tilespmem:$0x17200] =	vst v63  }
0xda: {  	_ =	swait.ge [sflag:s28], $0x1000  }
0xdb: {  	[sflag:s28] =	ssyncset.done $0x0  }
0xdc: {  	[sflag:s28] =	ssyncadd.s32 $0xFFFFF000  }
0xdd: {  	_ =	swait.ge [sflag:s28], $0x1000  }
0xde: {  	[sflag:s28] =	ssyncset.done $0x0  }
0xdf: {  	[sflag:s28] =	ssyncadd.s32 $0xFFFFF000  }
0xe0: {  	_ =	swait.ge [sflag:s28], $0x1000  }
0xe1: {  	[sflag:s28] =	ssyncset.done $0x0  }
0xe2: {  	[sflag:s28] =	ssyncadd.s32 $0xFFFFF000  }
0xe3: {  	_ =	swait.ge [sflag:s28], $0x1000  }
0xe4: {  	[sflag:s28] =	ssyncset.done $0x0  }
0xe5: {  	[sflag:s28] =	ssyncadd.s32 $0xFFFFF000  }
0xe6: {  	_ =	swait.ge [sflag:s28], $0x1000  }
0xe7: {  	[sflag:s28] =	ssyncset.done $0x0  }
0xe8: {  	[sflag:s28] =	ssyncadd.s32 $0xFFFFF000  }
0xe9: {  	_ =	swait.ge [sflag:s28], $0x1000  }
0xea: {  	[sflag:s28] =	ssyncset.done $0x0  }
0xeb: {  	[sflag:s28] =	ssyncadd.s32 $0xFFFFF000  }
0xec: {  	_ =	swait.ge [sflag:s28], $0x1000  }
0xed: {  	[sflag:s28] =	ssyncset.done $0x0  }
0xee: {  	[sflag:s28] =	ssyncadd.s32 $0xFFFFF000  }
0xef: {  	_ =	swait.ge [sflag:s28], $0x1000  }
0xf0: {  	[sflag:s28] =	ssyncset.done $0x0  }
0xf1: {  	[sflag:s28] =	ssyncadd.s32 $0xFFFFF000  }
0xf2: {  	_ =	swait.ge [sflag:s28], $0x1000  }
0xf3: {  	[sflag:s28] =	ssyncset.done $0x0  }
0xf4: {  	[sflag:s28] =	ssyncadd.s32 $0xFFFFF000  }
0xf5: {  	_ =	swait.ge [sflag:s28], $0x1000  }
0xf6: {  	s18 =	rddreg [dreg:$0x2];
	[sflag:s28] =	ssyncset.done $0x0  }
0xf7: {  	[sflag:s28] =	ssyncadd.s32 $0xFFFFF000;
	s11 =	sadd.s32 s0, s18  }
0xf8: {  	[hbm4b:s11+s2] =	stream.linear.scatter [tilespmem:s8], [sflag:$0x3], $0xA000, $0x38;
	[tilespmem:$0x17200] =	vst v63  }
0xf9: {  	p1 =	seq.s32 s0, $0xA000;
	_ =	swait.ge [sflag:s29], $0xA000  }
0xfa: {  	s12 =	simm.s32 @!p1 $0x3200;
	s11 =	sshra.s32 @!p1 s0, $0x2;
	[sflag:s29] =	ssyncset.done $0x0  }
0xfb: {  	s14 =	simm.s32 @!p1 $0x80;
	s13 =	sadd.s32 @!p1 $0xA00, s11;
	[sflag:s29] =	ssyncadd.s32 $0xFFFF6000  }
0xfc: {  	[tilespmem:s12], [sflag:$0x1] =	stream.indirect.gather @!p1 [hbm4b:s3+s14], $0x20, s13, s14, $0xb8;
	[tilespmem:$0x17200] =	vst v63  }
0xfd: {  	s12 =	sadd.s32 @!p1 $0xA80, s11;
	s13 =	simm.s32 @!p1 $0x4200  }
0xfe: {  	[tilespmem:s13], [sflag:$0x1] =	stream.indirect.gather @!p1 [hbm4b:s3+s14], $0x20, s12, s14, $0xb8;
	[tilespmem:$0x17200] =	vst v63  }
0xff: {  	s15 =	sadd.s32 @!p1 $0xB00, s11;
	s12 =	simm.s32 @!p1 $0x5200  }
0x100: {  	[tilespmem:s12], [sflag:$0x1] =	stream.indirect.gather @!p1 [hbm4b:s3+s14], $0x20, s15, s14, $0xb8;
	[tilespmem:$0x17200] =	vst v63  }
0x101: {  	s13 =	sadd.s32 @!p1 $0xB80, s11;
	s12 =	simm.s32 @!p1 $0x6200  }
0x102: {  	[tilespmem:s12], [sflag:$0x1] =	stream.indirect.gather @!p1 [hbm4b:s3+s14], $0x20, s13, s14, $0xb8;
	[tilespmem:$0x17200] =	vst v63  }
0x103: {  	s16 =	sadd.s32 @!p1 $0xC00, s11;
	s12 =	simm.s32 @!p1 $0x7200  }
0x104: {  	[tilespmem:s12], [sflag:$0x1] =	stream.indirect.gather @!p1 [hbm4b:s3+s14], $0x20, s16, s14, $0xb8;
	[tilespmem:$0x17200] =	vst v63  }
0x105: {  	s15 =	sadd.s32 @!p1 $0xC80, s11;
	s12 =	simm.s32 @!p1 $0x8200  }
0x106: {  	[tilespmem:s12], [sflag:$0x1] =	stream.indirect.gather @!p1 [hbm4b:s3+s14], $0x20, s15, s14, $0xb8;
	[tilespmem:$0x17200] =	vst v63  }
0x107: {  	s17 =	sadd.s32 @!p1 $0xD00, s11;
	s12 =	simm.s32 @!p1 $0x9200  }
0x108: {  	[tilespmem:s12], [sflag:$0x1] =	stream.indirect.gather @!p1 [hbm4b:s3+s14], $0x20, s17, s14, $0xb8;
	[tilespmem:$0x17200] =	vst v63  }
0x109: {  	s13 =	sadd.s32 @!p1 $0xD80, s11;
	s12 =	simm.s32 @!p1 $0xA200  }
0x10a: {  	[tilespmem:s12], [sflag:$0x1] =	stream.indirect.gather @!p1 [hbm4b:s3+s14], $0x20, s13, s14, $0xb8;
	[tilespmem:$0x17200] =	vst v63  }
0x10b: {  	s18 =	sadd.s32 @!p1 $0xE00, s11;
	s12 =	simm.s32 @!p1 $0xB200  }
0x10c: {  	[tilespmem:s12], [sflag:$0x1] =	stream.indirect.gather @!p1 [hbm4b:s3+s14], $0x20, s18, s14, $0xb8;
	[tilespmem:$0x17200] =	vst v63  }
0x10d: {  	s11 =	sadd.s32 @!p1 $0xE80, s11;
	s12 =	simm.s32 @!p1 $0xC200  }
0x10e: {  	[tilespmem:s12], [sflag:$0x1] =	stream.indirect.gather @!p1 [hbm4b:s3+s14], $0x20, s11, s14, $0xb8;
	[tilespmem:$0x17200] =	vst v63  }
0x10f: {  	_ =	swait.ge [sflag:s30], $0x1000  }
0x110: {  	[sflag:s30] =	ssyncset.done $0x0  }
0x111: {  	[sflag:s30] =	ssyncadd.s32 $0xFFFFF000  }
0x112: {  	_ =	swait.ge [sflag:s30], $0x1000  }
0x113: {  	[sflag:s30] =	ssyncset.done $0x0  }
0x114: {  	[sflag:s30] =	ssyncadd.s32 $0xFFFFF000  }
0x115: {  	_ =	swait.ge [sflag:s30], $0x1000  }
0x116: {  	[sflag:s30] =	ssyncset.done $0x0  }
0x117: {  	[sflag:s30] =	ssyncadd.s32 $0xFFFFF000  }
0x118: {  	_ =	swait.ge [sflag:s30], $0x1000  }
0x119: {  	[sflag:s30] =	ssyncset.done $0x0  }
0x11a: {  	[sflag:s30] =	ssyncadd.s32 $0xFFFFF000  }
0x11b: {  	_ =	swait.ge [sflag:s30], $0x1000  }
0x11c: {  	[sflag:s30] =	ssyncset.done $0x0  }
0x11d: {  	[sflag:s30] =	ssyncadd.s32 $0xFFFFF000  }
0x11e: {  	_ =	swait.ge [sflag:s30], $0x1000  }
0x11f: {  	[sflag:s30] =	ssyncset.done $0x0  }
0x120: {  	[sflag:s30] =	ssyncadd.s32 $0xFFFFF000  }
0x121: {  	_ =	swait.ge [sflag:s30], $0x1000  }
0x122: {  	[sflag:s30] =	ssyncset.done $0x0  }
0x123: {  	[sflag:s30] =	ssyncadd.s32 $0xFFFFF000  }
0x124: {  	_ =	swait.ge [sflag:s30], $0x1000  }
0x125: {  	[sflag:s30] =	ssyncset.done $0x0  }
0x126: {  	s9 =	smov.u32 s10;
	s10 =	sadd.s32 $0x2800, s10;
	[sflag:s30] =	ssyncadd.s32 $0xFFFFF000  }
0x127: {  	p0 =	sne.s32 s10, $0xC800;
	_ =	swait.ge [sflag:s30], $0x1000  }
.Ltmp1:
0x128: {  	[sflag:s30] =	ssyncset.done $0x0;
	(pc) =	sbr.rel @p0 .LBB2_4-.Ltmp1, $4  }
0x129: {  	[sflag:s30] =	ssyncadd.s32 $0xFFFFF000  }
0x12a: {  	_ =	swait.ge [sflag:s30], $0x1000  }
0x12b: {  	[sflag:s30] =	ssyncset.done $0x0  }
0x12c: {  	p1 =	seq.s32 s9, $0x0;
	s11 =	rddreg [dreg:$0x3];
	[sflag:s30] =	ssyncadd.s32 $0xFFFFF000  }
0x12d: {  	s10 =	simm.s32 @!p1 $0x4;
	s0 =	sadd.s32 s0, s11  }
0x12e: {  	[hbm4b:s0+s2] =	stream.linear.scatter [tilespmem:s26], [sflag:$0x4], $0xA000, $0x38;
	[tilespmem:$0x17200] =	vst v63  }
0x12f: {  	_ =	swait.ge @!p1 [sflag:s10], $0xA000  }
0x130: {  	s0 =	sshra.s32 s9, $0x2;
	[sflag:s10] =	ssyncset.done @!p1 $0x0  }
0x131: {  	s12 =	sadd.s32 $0x500, s0;
	[sflag:s10] =	ssyncadd.s32 @!p1 $0xFFFF6000  }
0x132: {  	[tilespmem:s26], [sflag:$0x2] =	stream.indirect.gather [hbm4b:s3+s7], $0x20, s12, s7, $0xb8;
	[tilespmem:$0x17200] =	vst v63  }
0x133: {  	s14 =	sadd.s32 $0x580, s0;
	s13 =	rddreg [dreg:$0x4]  }
0x134: {  	[tilespmem:s13], [sflag:$0x2] =	stream.indirect.gather [hbm4b:s3+s7], $0x20, s14, s7, $0xb8;
	[tilespmem:$0x17200] =	vst v63  }
0x135: {  	s15 =	sadd.s32 $0x600, s0;
	s12 =	rddreg [dreg:$0x5]  }
0x136: {  	[tilespmem:s12], [sflag:$0x2] =	stream.indirect.gather [hbm4b:s3+s7], $0x20, s15, s7, $0xb8;
	[tilespmem:$0x17200] =	vst v63  }
0x137: {  	s17 =	sadd.s32 $0x680, s0;
	s16 =	rddreg [dreg:$0x6]  }
0x138: {  	[tilespmem:s16], [sflag:$0x2] =	stream.indirect.gather [hbm4b:s3+s7], $0x20, s17, s7, $0xb8;
	[tilespmem:$0x17200] =	vst v63  }
0x139: {  	s18 =	rddreg [dreg:$0x7];
	s13 =	sadd.s32 $0x700, s0  }
0x13a: {  	[tilespmem:s18], [sflag:$0x2] =	stream.indirect.gather [hbm4b:s3+s7], $0x20, s13, s7, $0xb8;
	[tilespmem:$0x17200] =	vst v63  }
0x13b: {  	s14 =	rddreg [dreg:$0x8];
	s15 =	sadd.s32 $0x780, s0  }
0x13c: {  	[tilespmem:s14], [sflag:$0x2] =	stream.indirect.gather [hbm4b:s3+s7], $0x20, s15, s7, $0xb8;
	[tilespmem:$0x17200] =	vst v63  }
0x13d: {  	s16 =	rddreg [dreg:$0x9];
	s17 =	sadd.s32 $0x800, s0  }
0x13e: {  	[tilespmem:s16], [sflag:$0x2] =	stream.indirect.gather [hbm4b:s3+s7], $0x20, s17, s7, $0xb8;
	[tilespmem:$0x17200] =	vst v63  }
0x13f: {  	s18 =	rddreg [dreg:$0xa];
	s13 =	sadd.s32 $0x880, s0  }
0x140: {  	[tilespmem:s18], [sflag:$0x2] =	stream.indirect.gather [hbm4b:s3+s7], $0x20, s13, s7, $0xb8;
	[tilespmem:$0x17200] =	vst v63  }
0x141: {  	s14 =	rddreg [dreg:$0xb];
	s15 =	sadd.s32 $0x900, s0  }
0x142: {  	[tilespmem:s14], [sflag:$0x2] =	stream.indirect.gather [hbm4b:s3+s7], $0x20, s15, s7, $0xb8;
	[tilespmem:$0x17200] =	vst v63  }
0x143: {  	s0 =	sadd.s32 $0x980, s0;
	s16 =	rddreg [dreg:$0xc]  }
0x144: {  	[tilespmem:s16], [sflag:$0x2] =	stream.indirect.gather [hbm4b:s3+s7], $0x20, s0, s7, $0xb8;
	[tilespmem:$0x17200] =	vst v63  }
0x145: {  	_ =	swait.ge [sflag:s28], $0x1000  }
0x146: {  	[sflag:s28] =	ssyncset.done $0x0  }
0x147: {  	[sflag:s28] =	ssyncadd.s32 $0xFFFFF000  }
0x148: {  	_ =	swait.ge [sflag:s28], $0x1000  }
0x149: {  	[sflag:s28] =	ssyncset.done $0x0  }
0x14a: {  	[sflag:s28] =	ssyncadd.s32 $0xFFFFF000  }
0x14b: {  	_ =	swait.ge [sflag:s28], $0x1000  }
0x14c: {  	[sflag:s28] =	ssyncset.done $0x0  }
0x14d: {  	[sflag:s28] =	ssyncadd.s32 $0xFFFFF000  }
0x14e: {  	_ =	swait.ge [sflag:s28], $0x1000  }
0x14f: {  	[sflag:s28] =	ssyncset.done $0x0  }
0x150: {  	[sflag:s28] =	ssyncadd.s32 $0xFFFFF000  }
0x151: {  	_ =	swait.ge [sflag:s28], $0x1000  }
0x152: {  	[sflag:s28] =	ssyncset.done $0x0  }
0x153: {  	[sflag:s28] =	ssyncadd.s32 $0xFFFFF000  }
0x154: {  	_ =	swait.ge [sflag:s28], $0x1000  }
0x155: {  	[sflag:s28] =	ssyncset.done $0x0  }
0x156: {  	[sflag:s28] =	ssyncadd.s32 $0xFFFFF000  }
0x157: {  	_ =	swait.ge [sflag:s28], $0x1000  }
0x158: {  	[sflag:s28] =	ssyncset.done $0x0  }
0x159: {  	[sflag:s28] =	ssyncadd.s32 $0xFFFFF000  }
0x15a: {  	_ =	swait.ge [sflag:s28], $0x1000  }
0x15b: {  	[sflag:s28] =	ssyncset.done $0x0  }
0x15c: {  	[sflag:s28] =	ssyncadd.s32 $0xFFFFF000  }
0x15d: {  	_ =	swait.ge [sflag:s28], $0x1000  }
0x15e: {  	[sflag:s28] =	ssyncset.done $0x0  }
0x15f: {  	[sflag:s28] =	ssyncadd.s32 $0xFFFFF000  }
0x160: {  	_ =	swait.ge [sflag:s28], $0x1000  }
0x161: {  	s17 =	rddreg [dreg:$0x2];
	[sflag:s28] =	ssyncset.done $0x0  }
0x162: {  	[sflag:s28] =	ssyncadd.s32 $0xFFFFF000;
	s0 =	sadd.s32 s9, s17  }
0x163: {  	[hbm4b:s0+s2] =	stream.linear.scatter [tilespmem:s8], [sflag:$0x3], $0xA000, $0x38;
	[tilespmem:$0x17200] =	vst v63  }
0x164: {  	p0 =	seq.s32 s9, $0xA000;
	_ =	swait.ge [sflag:s29], $0xA000  }
0x165: {  	s10 =	simm.s32 @!p0 $0x3200;
	s0 =	sshra.s32 @!p0 s9, $0x2;
	[sflag:s29] =	ssyncset.done $0x0  }
0x166: {  	s12 =	simm.s32 @!p0 $0x80;
	s11 =	sadd.s32 @!p0 $0xA00, s0;
	[sflag:s29] =	ssyncadd.s32 $0xFFFF6000  }
0x167: {  	[tilespmem:s10], [sflag:$0x1] =	stream.indirect.gather @!p0 [hbm4b:s3+s12], $0x20, s11, s12, $0xb8;
	[tilespmem:$0x17200] =	vst v63  }
0x168: {  	s10 =	sadd.s32 @!p0 $0xA80, s0;
	s11 =	simm.s32 @!p0 $0x4200  }
0x169: {  	[tilespmem:s11], [sflag:$0x1] =	stream.indirect.gather @!p0 [hbm4b:s3+s12], $0x20, s10, s12, $0xb8;
	[tilespmem:$0x17200] =	vst v63  }
0x16a: {  	s10 =	sadd.s32 @!p0 $0xB00, s0;
	s11 =	simm.s32 @!p0 $0x5200  }
0x16b: {  	[tilespmem:s11], [sflag:$0x1] =	stream.indirect.gather @!p0 [hbm4b:s3+s12], $0x20, s10, s12, $0xb8;
	[tilespmem:$0x17200] =	vst v63  }
0x16c: {  	s10 =	sadd.s32 @!p0 $0xB80, s0;
	s11 =	simm.s32 @!p0 $0x6200  }
0x16d: {  	[tilespmem:s11], [sflag:$0x1] =	stream.indirect.gather @!p0 [hbm4b:s3+s12], $0x20, s10, s12, $0xb8;
	[tilespmem:$0x17200] =	vst v63  }
0x16e: {  	s10 =	sadd.s32 @!p0 $0xC00, s0;
	s11 =	simm.s32 @!p0 $0x7200  }
0x16f: {  	[tilespmem:s11], [sflag:$0x1] =	stream.indirect.gather @!p0 [hbm4b:s3+s12], $0x20, s10, s12, $0xb8;
	[tilespmem:$0x17200] =	vst v63  }
0x170: {  	s10 =	sadd.s32 @!p0 $0xC80, s0;
	s11 =	simm.s32 @!p0 $0x8200  }
0x171: {  	[tilespmem:s11], [sflag:$0x1] =	stream.indirect.gather @!p0 [hbm4b:s3+s12], $0x20, s10, s12, $0xb8;
	[tilespmem:$0x17200] =	vst v63  }
0x172: {  	s10 =	sadd.s32 @!p0 $0xD00, s0;
	s11 =	simm.s32 @!p0 $0x9200  }
0x173: {  	[tilespmem:s11], [sflag:$0x1] =	stream.indirect.gather @!p0 [hbm4b:s3+s12], $0x20, s10, s12, $0xb8;
	[tilespmem:$0x17200] =	vst v63  }
0x174: {  	s10 =	sadd.s32 @!p0 $0xD80, s0;
	s11 =	simm.s32 @!p0 $0xA200  }
0x175: {  	[tilespmem:s11], [sflag:$0x1] =	stream.indirect.gather @!p0 [hbm4b:s3+s12], $0x20, s10, s12, $0xb8;
	[tilespmem:$0x17200] =	vst v63  }
0x176: {  	s10 =	sadd.s32 @!p0 $0xE00, s0;
	s11 =	simm.s32 @!p0 $0xB200  }
0x177: {  	[tilespmem:s11], [sflag:$0x1] =	stream.indirect.gather @!p0 [hbm4b:s3+s12], $0x20, s10, s12, $0xb8;
	[tilespmem:$0x17200] =	vst v63  }
0x178: {  	s0 =	sadd.s32 @!p0 $0xE80, s0;
	s10 =	simm.s32 @!p0 $0xC200  }
0x179: {  	[tilespmem:s10], [sflag:$0x1] =	stream.indirect.gather @!p0 [hbm4b:s3+s12], $0x20, s0, s12, $0xb8;
	[tilespmem:$0x17200] =	vst v63  }
0x17a: {  	_ =	swait.ge [sflag:s30], $0x1000  }
0x17b: {  	[sflag:s30] =	ssyncset.done $0x0  }
0x17c: {  	[sflag:s30] =	ssyncadd.s32 $0xFFFFF000  }
0x17d: {  	_ =	swait.ge [sflag:s30], $0x1000  }
0x17e: {  	[sflag:s30] =	ssyncset.done $0x0  }
0x17f: {  	[sflag:s30] =	ssyncadd.s32 $0xFFFFF000  }
0x180: {  	_ =	swait.ge [sflag:s30], $0x1000  }
0x181: {  	[sflag:s30] =	ssyncset.done $0x0  }
0x182: {  	[sflag:s30] =	ssyncadd.s32 $0xFFFFF000  }
0x183: {  	_ =	swait.ge [sflag:s30], $0x1000  }
0x184: {  	[sflag:s30] =	ssyncset.done $0x0  }
0x185: {  	[sflag:s30] =	ssyncadd.s32 $0xFFFFF000  }
0x186: {  	_ =	swait.ge [sflag:s30], $0x1000  }
0x187: {  	[sflag:s30] =	ssyncset.done $0x0  }
0x188: {  	[sflag:s30] =	ssyncadd.s32 $0xFFFFF000  }
0x189: {  	_ =	swait.ge [sflag:s30], $0x1000  }
0x18a: {  	[sflag:s30] =	ssyncset.done $0x0  }
0x18b: {  	[sflag:s30] =	ssyncadd.s32 $0xFFFFF000  }
0x18c: {  	_ =	swait.ge [sflag:s30], $0x1000  }
0x18d: {  	[sflag:s30] =	ssyncset.done $0x0  }
0x18e: {  	[sflag:s30] =	ssyncadd.s32 $0xFFFFF000  }
0x18f: {  	_ =	swait.ge [sflag:s30], $0x1000  }
0x190: {  	[sflag:s30] =	ssyncset.done $0x0  }
0x191: {  	[sflag:s30] =	ssyncadd.s32 $0xFFFFF000  }
0x192: {  	_ =	swait.ge [sflag:s30], $0x1000  }
0x193: {  	[sflag:s30] =	ssyncset.done $0x0  }
0x194: {  	[sflag:s30] =	ssyncadd.s32 $0xFFFFF000  }
0x195: {  	s1 =	sadd.s32 $0x1, s1;
	_ =	swait.ge [sflag:s30], $0x1000  }
0x196: {  	p0 =	sne.s32 s1, s5;
	s18 =	rddreg [dreg:$0x3];
	[sflag:s30] =	ssyncset.done $0x0  }
.Ltmp2:
0x197: {  	[sflag:s30] =	ssyncadd.s32 $0xFFFFF000;
	s0 =	sadd.s32 s9, s18;
	(pc) =	sbr.rel @p0 .LBB2_1-.Ltmp2, $4  }
0x198: {  	[hbm4b:s0+s2] =	stream.linear.scatter [tilespmem:s26], [sflag:$0x4], $0xA000, $0x38;
	[tilespmem:$0x17200] =	vst v63  }
0x199: {  	_ =	swait.ge [sflag:s31], $0xA000  }
0x19a: {  	[sflag:s31] =	ssyncset.done $0x0  }
0x19b: {  	[sflag:s31] =	ssyncadd.s32 $0xFFFF6000  }
0x19c: {  	_ =	sfence.sel $0x180000  }
0x19d: {  	[bflag:$0x0] =	sbarrier.arrive $0xFFFF  }
0x19e: {  	_ =	strace $0x9000004A  }
0x19f: {  	s0 =	stileid.u32;
	[bflag:$0x2] =	sbarrier.arrive $0xFFFF  }
0x1a0: {  	p0 =	sne.s32 s0, $0x0;
	s0 =	rddreg [dreg:$0x1]  }
0x1a1: {  	s0 =	sadd.s32 @!p0 $0x100000, s0  }
0x1a2: {  	[sflag:s0] =	ssyncadd.tile.s32 @!p0 $0x1;
	_ =	shalt  }
.Lfunc_end2:
_tile_overlayer_lowered:
.L_overlay_start_2:
0x1a3: {  	(tag) =	ssettag $0x2  }
0x1a4: {  	s0 =	rddreg [dreg:$0x0];
	s2 =	stileid.u32  }
0x1a5: {  	s1 =	rddreg [dreg:$0x1];
	p0 =	sne.s32 s2, $0x0  }
0x1a6: {  	s3 =	rddreg [dreg:$0x2];
	[bflag:$0x3] =	sbarrier.arrive $0xFFFF;
	s2 =	simm.s32 @!p0 $0x1C05  }
0x1a7: {  	[timem:s3], [sflag:s2] =	dma.local @!p0 [hbm:s0], s1  }
0x1a8: {  	s0 =	simm.s32 @!p0 $0x5  }
0x1a9: {  	_ =	swait.ge @!p0 [sflag:s0], s1  }
0x1aa: {  	s1 =	ssub.s32 @!p0 $0x0, s1;
	[sflag:s0] =	ssyncset.done @!p0 $0x0  }
0x1ab: {  	[sflag:s0] =	ssyncadd.s32 @!p0 s1  }
0x1ac: {  	[bflag:$0x3] =	sbarrier.arrive $0xFFFF  }
0x1ad: {  	_ =	shalt  }

// kernel: kernel.7.cloned.1.call-start
scs
__scs_entry_jumppad:
0x0: {  	(pc) =	sbr.rel $0x88, $3  }
0x1: {  	(tag) =	ssettag $0x0;
	lr =	simm.s32 $0x1  }
0x2: {  	[smem:$0x3F9F] =	sst lr;
	_ =	strace $0xD0000000  }
0x3: {  	_ = 	snop  }
0x4: {  	_ = 	snop  }
0x5: {  	_ = 	snop  }
0x6: {  	_ = 	snop  }
0x7: {  	_ = 	snop  }
__scs_overlays_trampoline_lowered:
0x8: {  	[smem:$0x3FAE] =	sst s0  }
0x9: {  	[smem:$0x3FAF] =	sst s1  }
0xa: {  	[smem:$0x3FB0] =	sst s2  }
0xb: {  	[smem:$0x3FB1] =	sst s3  }
0xc: {  	[smem:$0x3FB2] =	sst s4  }
0xd: {  	[smem:$0x3FB3] =	sst s5  }
0xe: {  	[smem:$0x3FB4] =	sst s6  }
0xf: {  	[smem:$0x3FB5] =	sst s7  }
0x10: {  	[smem:$0x3FB6] =	sst s8  }
0x11: {  	[smem:$0x3FB7] =	sst s9;
	s0 =	simm.s32 @!p0 $0x0  }
0x12: {  	s1 =	sld [smem:$0x3F9D];
	s0 =	simm.s32 @p0 $0x1  }
0x13: {  	[smem:$0x3FB8] =	sst s0;
	s0 =	simm.s32 @!p1 $0x0  }
0x14: {  	s2 =	sld [smem:$0x3F9C];
	s0 =	simm.s32 @p1 $0x1  }
0x15: {  	[smem:$0x3FB9] =	sst s0;
	s0 =	simm.s32 @!p2 $0x0  }
0x16: {  	s3 =	sld [smem:$0x3FDB];
	s0 =	simm.s32 @p2 $0x1  }
0x17: {  	s4 =	simm.s32 $0x1BF5;
	[smem:$0x3FBB] =	sst s0  }
0x18: {  	s0 =	sld [smem:$0x3F9E];
	_ =	swait.ge [sflag:s4], $0x0  }
0x19: {  	s7 =	sld [smem:$0x3F9F]  }
0x1a: {  	s8 =	sadd.s32 $0xFFFFE003, lr  }
0x1b: {  	s9 =	sadd.s32 $0xFFFFFEF7, lr;
	s5 =	simm.s32 $0xFFFFFFFF;
	p2 =	slt.u32 s8, $0xFFFFF086  }
0x1c: {  	p1 =	slt.u32 s9, $0xF7A;
	s5 =	simm.s32 @!p2 $0x0  }
0x1d: {  	s5 =	simm.s32 @p1 $0x1;
	p0 =	seq.s32 s7, s2  }
0x1e: {  	s7 =	smul.u32 @!p0 $0xF7A, s2;
	p2 =	seq.s32 @!p0 s5, $0x0  }
0x1f: {  	s9 =	smul.u32 $0xF7A, s1;
	s8 =	simm.s32 @!p0 $0x1BF5;
	p2 =	por !p2, p0  }
0x20: {  	[sflag:s8] =	ssyncset.s32 @!p0 $0xFFFFF086;
	s6 =	sadd.s32 @!p0 s3, s7;
	s7 =	simm.s32 @!p0 $0x108  }
0x21: {  	s3 =	sadd.s32 s3, s9;
	s6 =	sadd.s32 @!p0 $0x88, s6;
	s7 =	simm.s32 @p2 $0x1082  }
0x22: {  	[simem:s7], [sflag:s8] =	dma.local @!p0 [hbm:s6], $0xF7A  }
0x23: {  	s9 =	sor.u32 $0xD0000000, s2;
	s6 =	simm.s32 $0x108;
	_ =	swait.ge @!p0 [sflag:s8], $0x0  }
0x24: {  	s3 =	sadd.s32 $0x88, s3;
	s6 =	simm.s32 @!p1 $0x1082;
	[sflag:s4] =	ssyncset.s32 $0xFFFFF086  }
0x25: {  	[simem:s6], [sflag:s4] =	dma.local [hbm:s3], $0xF7A  }
0x26: {  	[smem:$0x3F9F] =	sst s1;
	(tag) =	ssettag s2;
	_ =	strace s9  }
0x27: {  	s1 =	sld [smem:$0x3FAF]  }
0x28: {  	s2 =	sld [smem:$0x3FB0]  }
0x29: {  	s4 =	sld [smem:$0x3FB2]  }
0x2a: {  	p0 =	seq.s32 s5, $0x0;
	s5 =	sld [smem:$0x3FB3]  }
0x2b: {  	s6 =	sld [smem:$0x3FB4]  }
0x2c: {  	s7 =	sld [smem:$0x3FB5]  }
0x2d: {  	s3 =	simm.s32 $0x108;
	s8 =	sld [smem:$0x3FB6]  }
0x2e: {  	s3 =	simm.s32 @!p0 $0x1082;
	s9 =	sld [smem:$0x3FB7]  }
0x2f: {  	lr =	sadd.s32 s0, s3;
	s0 =	sld [smem:$0x3FAE]  }
0x30: {  	s3 =	sld [smem:$0x3FB1]  }
0x31: {  	[smem:$0x3FBA] =	sst s10  }
0x32: {  	s10 =	sld [smem:$0x3FB8];
	_ =	sdelay $0x3  }
0x33: {  	p0 =	seq.s32 s10, $0x1;
	s10 =	sld [smem:$0x3FBA];
	_ =	sdelay $0x3  }
0x34: {  	[smem:$0x3FBA] =	sst s10  }
0x35: {  	s10 =	sld [smem:$0x3FB9];
	_ =	sdelay $0x3  }
0x36: {  	p1 =	seq.s32 s10, $0x1;
	s10 =	sld [smem:$0x3FBA];
	_ =	sdelay $0x3  }
0x37: {  	[smem:$0x3FBA] =	sst s10  }
0x38: {  	s10 =	sld [smem:$0x3FBB]  }
0x39: {  	_ = 	snop;
	(pc) =	sbr.ind lr, $3  }
0x3a: {  	_ = 	snop  }
0x3b: {  	_ = 	snop  }
0x3c: {  	p2 =	seq.s32 s10, $0x1;
	s10 =	sld [smem:$0x3FBA]  }
0x3d: {  	_ =	shalt  }
0x3e: {  	_ =	shalt  }
0x3f: {  	_ =	shalt  }
0x40: {  	_ =	shalt  }
0x41: {  	_ =	shalt  }
0x42: {  	_ =	shalt  }
0x43: {  	_ =	shalt  }
0x44: {  	_ =	shalt  }
0x45: {  	_ =	shalt  }
0x46: {  	_ =	shalt  }
0x47: {  	_ =	shalt  }
0x48: {  	_ =	shalt  }
0x49: {  	_ =	shalt  }
0x4a: {  	_ =	shalt  }
0x4b: {  	_ =	shalt  }
0x4c: {  	_ =	shalt  }
0x4d: {  	_ =	shalt  }
0x4e: {  	_ =	shalt  }
0x4f: {  	_ =	shalt  }
0x50: {  	_ =	shalt  }
0x51: {  	_ =	shalt  }
0x52: {  	_ =	shalt  }
0x53: {  	_ =	shalt  }
0x54: {  	_ =	shalt  }
0x55: {  	_ =	shalt  }
0x56: {  	_ =	shalt  }
0x57: {  	_ =	shalt  }
0x58: {  	_ =	shalt  }
0x59: {  	_ =	shalt  }
0x5a: {  	_ =	shalt  }
0x5b: {  	_ =	shalt  }
0x5c: {  	_ =	shalt  }
0x5d: {  	_ =	shalt  }
0x5e: {  	_ =	shalt  }
0x5f: {  	_ =	shalt  }
0x60: {  	_ =	shalt  }
0x61: {  	_ =	shalt  }
0x62: {  	_ =	shalt  }
0x63: {  	_ =	shalt  }
0x64: {  	_ =	shalt  }
0x65: {  	_ =	shalt  }
0x66: {  	_ =	shalt  }
0x67: {  	_ =	shalt  }
0x68: {  	_ =	shalt  }
0x69: {  	_ =	shalt  }
0x6a: {  	_ =	shalt  }
0x6b: {  	_ =	shalt  }
0x6c: {  	_ =	shalt  }
0x6d: {  	_ =	shalt  }
0x6e: {  	_ =	shalt  }
0x6f: {  	_ =	shalt  }
0x70: {  	_ =	shalt  }
0x71: {  	_ =	shalt  }
0x72: {  	_ =	shalt  }
0x73: {  	_ =	shalt  }
0x74: {  	_ =	shalt  }
0x75: {  	_ =	shalt  }
0x76: {  	_ =	shalt  }
0x77: {  	_ =	shalt  }
0x78: {  	_ =	shalt  }
0x79: {  	_ =	shalt  }
0x7a: {  	_ =	shalt  }
0x7b: {  	_ =	shalt  }
0x7c: {  	_ =	shalt  }
0x7d: {  	_ =	shalt  }
0x7e: {  	_ =	shalt  }
0x7f: {  	_ =	shalt  }
0x80: {  	_ =	shalt  }
0x81: {  	_ =	shalt  }
0x82: {  	_ =	shalt  }
0x83: {  	_ =	shalt  }
0x84: {  	_ =	shalt  }
0x85: {  	_ =	shalt  }
0x86: {  	_ =	shalt  }
0x87: {  	_ =	shalt  }
.Lfunc_end0:
.L_simem_size_0:
called_computation_lowered:
.L_overlay_start_0:
0x88: {  	s2 =	sld [smem:$0x3FD9]  }
0x89: {  	s3 =	sld [smem:$0x3FFE];
	_ =	sdelay $0x1  }
0x8a: {  	s1 =	srdreg.scid  }
0x8b: {  	s0 =	sand.u32 $0x1, s1  }
0x8c: {  	s16 =	sshll.u32 s0, $0xA;
	s2 =	sadd.s32 s3, s2  }
0x8d: {  	s2 =	sadd.s32 s2, s16  }
0x8e: {  	[smem:$0x3FC6] =	sst s2  }
0x8f: {  	_ = 	snop  }
0x90: {  	(tm) =	ssettm $0x1  }
0x91: {  	s17 =	sld [smem:$0x3FFB];
	_ =	sdelay $0x3  }
0x92: {  	_ =	strace s17  }
0x93: {  	s2 =	sld [smem:$0x3FFC];
	_ =	sdelay $0x3  }
0x94: {  	_ =	strace s2  }
0x95: {  	s2 =	sld [smem:$0x3FFD];
	_ =	sdelay $0x3  }
0x96: {  	_ =	strace s2  }
0x97: {  	_ =	strace $0x8FFFFFFF  }
0x98: {  	s18 =	sld [smem:$0x3FDB];
	_ =	sdelay $0x1  }
0x99: {  	s19 =	simm.s32 $_scs_section_size  }
0x9a: {  	s4 =	simm.s32 $_size__tile_overlayer_lowered;
	s5 =	simm.s32 $_tile_overlayer_lowered  }
0x9b: {  	s22 =	simm.s32 $0x1BFF;
	s21 =	sshll.u32 s5, $0x1;
	s2 =	sadd.s32 s19, s18  }
0x9c: {  	s6 =	simm.s32 $0x0;
	s20 =	sshll.u32 s4, $0x1;
	s4 =	sadd.s32 s21, s2  }
0x9d: {  	[timem:s6], [sflag:s22] =	dma.local [hbm:s4], s20  }
0x9e: {  	_ =	swait.ge [sflag:s22], s20  }
0x9f: {  	s3 =	ssub.s32 $0x0, s20;
	[sflag:s22] =	ssyncset.done $0x0  }
0xa0: {  	[sflag:s22] =	ssyncadd.s32 s3;
	_ =	sdelay $0x1  }
0xa1: {  	s23 =	simm.s32 $0x1B8B  }
0xa2: {  	_ =	swait.ge [sflag:s23], $0x1  }
0xa3: {  	[sflag:s23] =	ssyncset.done $0x0  }
0xa4: {  	s25 =	simm.s32 $0x1B8E;
	s24 =	sld [smem:$0x3FFE];
	[sflag:s23] =	ssyncadd.s32 $0xFFFFFFFF  }
0xa5: {  	s26 =	simm.s32 $execute0_lowered;
	[smem:$0x3FD2] =	sst s25  }
0xa6: {  	s4 =	sshll.u32 s26, $0x1;
	_ =	strace $0x80000046;
	[dreg:$0x1] =	wrdreg $0xFFFFFFFF  }
0xa7: {  	s28 =	simm.s32 $_size_execute0_lowered;
	s2 =	sadd.s32 s2, s4;
	[dreg:$0x0] =	wrdreg $0x0  }
0xa8: {  	s4 =	sshll.u32 s28, $0x1;
	[dreg:$0x2] =	wrdreg s2  }
0xa9: {  	[dreg:$0x3] =	wrdreg s4  }
0xaa: {  	[dreg:$0x4] =	wrdreg $0xC0  }
0xab: {  	_ =	task [dreg:s6], $0x5FFFF  }
0xac: {  	[dreg:$0x1] =	wrdreg $0xFFFFFFFF  }
0xad: {  	[dreg:$0x0] =	wrdreg $0x60  }
0xae: {  	[dreg:$0x2] =	wrdreg s24  }
0xaf: {  	[dreg:$0x3] =	wrdreg $0x9  }
0xb0: {  	_ =	task.clear_ibuf [dreg:s6], $0x4FFFF;
	_ =	strace $0x90000046  }
0xb1: {  	s29 =	simm.s32 $0x9;
	_ =	strace $0x80000048  }
0xb2: {  	_ =	swait.ge [sflag:s29], $0x1  }
0xb3: {  	[sflag:s29] =	ssyncadd.s32 $0xFFFFFFFF  }
0xb4: {  	_ =	strace $0x90000048  }
0xb5: {  	_ =	sfence  }
0xb6: {  	s30 =	sld [smem:$0x0];
	_ =	sdelay $0x2  }
0xb7: {  	s31 =	sshll.u32 s1, $0xD;
	s1 =	sshrl.u32 s1, $0x2  }
0xb8: {  	s3 =	sand.u32 $0x4000, s31;
	s1 =	sadd.s32 s1, s30  }
0xb9: {  	s0 =	sor.u32 s3, s0;
	s1 =	sshll.u32 s1, $0x11  }
0xba: {  	s0 =	sor.u32 s1, s0  }
0xbb: {  	s0 =	sadd.s32 $0x8F2B, s0  }
0xbc: {  	[sflag:s0] =	ssyncadd.remote.s32 $0x1  }
0xbd: {  	_ =	sfence.sel $0xFFFF  }
0xbe: {  	[dreg:$0x0] =	wrdreg $0xFFFFFFFF;
	(pc) =	sbr.abs _section_cstart, $3  }
0xbf: {  	[dreg:$0x1] =	wrdreg $0xFFFFFFFF  }
0xc0: {  	_ =	task.clear_ibuf [dreg:s6], $0x2FFFF;
	_ =	strace $0x9FFFFFFF  }
0xc1: {  	(tm) =	ssettm $0x7FFFFFFF  }
tec
execute0_lowered:
.L_overlay_start_1:
0x0: {  	(tag) =	ssettag $0x1  }
0x1: {  	s0 =	srdreg.scid  }
0x2: {  	s8 =	stileid.u32;
	s1 =	rddreg [dreg:$0x0];
	s2 =	simm.s32 $0x0  }
0x3: {  	s18 =	simm.s32 $0xE200;
	s19 =	simm.s32 $0xF200;
	s20 =	simm.s32 $0x10200  }
0x4: {  	s21 =	simm.s32 $0x11200;
	s22 =	simm.s32 $0x12200;
	s23 =	simm.s32 $0x13200  }
0x5: {  	s24 =	simm.s32 $0x14200;
	s25 =	simm.s32 $0x15200;
	s26 =	simm.s32 $0x16200  }
0x6: {  	s28 =	simm.s32 $0x1;
	s29 =	simm.s32 $0x3;
	[smem:$0x7FF] =	sst s2  }
0x7: {  	s30 =	simm.s32 $0x2;
	_ =	strace $0x80000047;
	[dreg:$0x4] =	wrdreg s18  }
0x8: {  	s31 =	simm.s32 $0x4;
	s0 =	sand.u32 $0x1, s0;
	[dreg:$0x5] =	wrdreg s19  }
0x9: {  	s3 =	sshll.u32 s8, $0x1;
	s4 =	smul.u32 $0x6400, s8;
	[dreg:$0x6] =	wrdreg s20  }
0xa: {  	s8 =	smul.u32 $0x19000, s8;
	s3 =	sor.u32 s0, s3;
	[dreg:$0x7] =	wrdreg s21  }
0xb: {  	s6 =	smul.u32 $0x3200, s0;
	s7 =	ssub.s32 $0x2, s0;
	[dreg:$0x8] =	wrdreg s22  }
0xc: {  	s0 =	smul.u32 $0xC800, s0;
	s19 =	simm.s32 $0x9200;
	[dreg:$0x9] =	wrdreg s23  }
0xd: {  	s20 =	simm.s32 $0x380;
	s21 =	simm.s32 $0xA200;
	[dreg:$0xa] =	wrdreg s24  }
0xe: {  	s22 =	simm.s32 $0x400;
	s23 =	simm.s32 $0xB200;
	[dreg:$0xb] =	wrdreg s25  }
0xf: {  	s24 =	simm.s32 $0x480;
	[dreg:$0xc] =	wrdreg s26;
	s25 =	simm.s32 $0xC200  }
0x10: {  	s26 =	simm.s32 $0xD200;
	s3 =	smul.u32 $0x640, s3;
	s9 =	sshrl.u32 s7, $0x1  }
0x11: {  	s4 =	sadd.s32 s6, s4;
	s14 =	ssub.s32 s7, s9;
	s6 =	simm.s32 $0x5  }
0x12: {  	s5 =	sadd.s32 s3, s1;
	s3 =	sadd.s32 $0x19800, s1;
	s1 =	sadd.s32 $0x3F9800, s1  }
0x13: {  	s7 =	simm.s32 $0x80;
	s16 =	sshll.u32 s4, $0x2;
	s15 =	sadd.s32 s8, s1  }
0x14: {  	s4 =	sadd.s32 $0x800, s5;
	s1 =	sadd.s32 s1, s16;
	s0 =	sadd.s32 s0, s15  }
0x15: {  	s5 =	smax.u32 s14, $0x1;
	s17 =	sadd.s32 $0x1400, s1;
	[dreg:$0x2] =	wrdreg s0  }
0x16: {  	s8 =	simm.s32 $0x3200;
	s1 =	simm.s32 $0x0;
	[dreg:$0x3] =	wrdreg s17  }
.LBB2_1:
0x17: {  	[tilespmem:s2], [sflag:$0x5] =	stream.linear.gather [hbm4b:s4+s2], $0x3200, $0x38;
	[tilespmem:$0x17200] =	vst v63  }
0x18: {  	_ =	swait.ge [sflag:s6], $0x3200  }
0x19: {  	[sflag:s6] =	ssyncset.done $0x0  }
0x1a: {  	s0 =	simm.s32 $0x0;
	[sflag:s6] =	ssyncadd.s32 $0xFFFFCE00  }
0x1b: {  	v0 =	vld [tilespmem:s0+$0x0]  }
0x1c: {  	v1 =	vld [tilespmem:s0+$0x10]  }
0x1d: {  	v5 =	vld [tilespmem:s0+$0x30];
	_ =	sdelay $0x2  }
0x1e: {  	v2 =	vshll.u32 v0, $0x2  }
0x1f: {  	v3 =	vld [tilespmem:s0+$0x20];
	v4 =	vand.u32 $0xFFFF8000, v0;
	v0 =	vshrl.u32 v0, $0xD;
	v6 =	vand.u32 $0xFFFF8000, v1  }
0x20: {  	v7 =	vshll.u32 v5, $0x2;
	v9 =	vand.u32 $0xFFFF8000, v5;
	v5 =	vshrl.u32 v5, $0xD  }
0x21: {  	v2 =	vand.u32 $0x7FFC, v2;
	v0 =	vand.u32 $0x3, v0;
	v7 =	vand.u32 $0x7FFC, v7  }
0x22: {  	v8 =	vld [tilespmem:s0+$0x40];
	v2 =	vor.u32 v4, v2;
	v4 =	vshll.u32 v1, $0x2;
	v1 =	vshrl.u32 v1, $0xD  }
0x23: {  	v7 =	vor.u32 v9, v7;
	v9 =	vand.u32 $0x3, v5;
	v4 =	vand.u32 $0x7FFC, v4  }
0x24: {  	v5 =	vld [tilespmem:s0+$0x50];
	v0 =	vor.u32 v0, v2;
	v2 =	vor.u32 v6, v4;
	v6 =	vshll.u32 v3, $0x2  }
0x25: {  	v4 =	vand.u32 $0xFFFF8000, v3;
	v3 =	vshrl.u32 v3, $0xD;
	v6 =	vand.u32 $0x7FFC, v6  }
0x26: {  	v1 =	vand.u32 $0x3, v1;
	v3 =	vand.u32 $0x3, v3;
	v6 =	vor.u32 v4, v6  }
0x27: {  	v4 =	vor.u32 v1, v2;
	v1 =	vor.u32 v9, v7;
	v2 =	vld [tilespmem:s0+$0x60];
	v7 =	vshll.u32 v8, $0x2  }
0x28: {  	s9 =	simm.s32 $0x200;
	v3 =	vor.u32 v3, v6;
	v6 =	vand.u32 $0xFFFF8000, v8;
	v8 =	vshrl.u32 v8, $0xD  }
.LBB2_2:
0x29: {  	p0 =	sne.s32 s9, $0xC600;
	v7 =	vand.u32 $0x7FFC, v7;
	v8 =	vand.u32 $0x3, v8;
	v9 =	vshll.u32 v5, $0x2;
	v10 =	vld [tilespmem:s0+$0x70]  }
0x2a: {  	v11 =	vand.u32 $0xFFFF8000, v5;
	v5 =	vshrl.u32 v5, $0xD;
	v9 =	vand.u32 $0x7FFC, v9  }
0x2b: {  	s10 =	sshra.s32 s9, $0x2;
	v5 =	vand.u32 $0x3, v5;
	[tilespmem:s0+$0x0] =	vst v0;
	v0 =	vor.u32 v6, v7;
	v6 =	vor.u32 v11, v9  }
0x2c: {  	v7 =	vld [tilespmem:s10+$0x0];
	[tilespmem:s0+$0x10] =	vst v4;
	v0 =	vor.u32 v8, v0;
	v4 =	vor.u32 v5, v6;
	v5 =	vshll.u32 v2, $0x2  }
0x2d: {  	[tilespmem:s0+$0x20] =	vst v3;
	v3 =	vand.u32 $0xFFFF8000, v2;
	v5 =	vand.u32 $0x7FFC, v5;
	v2 =	vshrl.u32 v2, $0xD  }
0x2e: {  	v6 =	vld [tilespmem:s10+$0x10];
	[tilespmem:s0+$0x30] =	vst v1;
	v1 =	vor.u32 v3, v5;
	v2 =	vand.u32 $0x3, v2;
	v3 =	vshll.u32 v10, $0x2  }
0x2f: {  	v5 =	vshrl.u32 v10, $0xD;
	[tilespmem:s0+$0x40] =	vst v0;
	v0 =	vand.u32 $0xFFFF8000, v10;
	v3 =	vand.u32 $0x7FFC, v3  }
0x30: {  	v1 =	vor.u32 v2, v1;
	v2 =	vand.u32 $0x3, v5;
	[tilespmem:s0+$0x50] =	vst v4;
	v0 =	vor.u32 v0, v3  }
0x31: {  	v3 =	vshll.u32 v7, $0x2;
	v4 =	vld [tilespmem:s10+$0x20];
	[tilespmem:s0+$0x60] =	vst v1;
	v0 =	vor.u32 v2, v0  }
0x32: {  	v1 =	vand.u32 $0xFFFF8000, v7;
	v2 =	vand.u32 $0x7FFC, v3;
	v3 =	vshrl.u32 v7, $0xD;
	v7 =	vld [tilespmem:s10+$0x30];
	[tilespmem:s0+$0x70] =	vst v0;
	s0 =	smov.u32 s10  }
0x33: {  	v0 =	vor.u32 v1, v2;
	v1 =	vand.u32 $0x3, v3;
	v2 =	vshll.u32 v6, $0x2  }
0x34: {  	v3 =	vand.u32 $0xFFFF8000, v6;
	v5 =	vshrl.u32 v6, $0xD;
	v2 =	vand.u32 $0x7FFC, v2  }
0x35: {  	v0 =	vor.u32 v1, v0;
	v1 =	vor.u32 v3, v2;
	v2 =	vand.u32 $0x3, v5  }
0x36: {  	v3 =	vand.u32 $0xFFFF8000, v4;
	v5 =	vshll.u32 v4, $0x2;
	v4 =	vshrl.u32 v4, $0xD;
	v8 =	vld [tilespmem:s0+$0x40]  }
.Ltmp0:
0x37: {  	v6 =	vand.u32 $0x7FFC, v5;
	v9 =	vand.u32 $0x3, v4;
	v4 =	vshll.u32 v7, $0x2;
	v5 =	vld [tilespmem:s0+$0x50];
	(pc) =	sbr.rel @p0 .LBB2_2-.Ltmp0, $4  }
0x38: {  	v10 =	vand.u32 $0xFFFF8000, v7;
	v7 =	vshrl.u32 v7, $0xD;
	v4 =	vand.u32 $0x7FFC, v4  }
0x39: {  	v3 =	vor.u32 v3, v6;
	v7 =	vand.u32 $0x3, v7;
	v6 =	vor.u32 v10, v4  }
0x3a: {  	v4 =	vor.u32 v2, v1;
	v3 =	vor.u32 v9, v3;
	v1 =	vor.u32 v7, v6;
	v2 =	vld [tilespmem:s0+$0x60]  }
0x3b: {  	s9 =	sadd.s32 $0x200, s9;
	v6 =	vand.u32 $0xFFFF8000, v8;
	v7 =	vshll.u32 v8, $0x2;
	v8 =	vshrl.u32 v8, $0xD  }
0x3c: {  	v7 =	vand.u32 $0x7FFC, v7;
	v8 =	vand.u32 $0x3, v8;
	v9 =	vshll.u32 v5, $0x2;
	v10 =	vld [tilespmem:s0+$0x70]  }
0x3d: {  	v11 =	vand.u32 $0xFFFF8000, v5;
	v52 =	vshrl.u32 v5, $0xD;
	v9 =	vand.u32 $0x7FFC, v9  }
0x3e: {  	[tilespmem:s0+$0x0] =	vst v0;
	v53 =	vor.u32 v6, v7;
	v5 =	vand.u32 $0x3, v52;
	v54 =	vor.u32 v11, v9  }
0x3f: {  	[tilespmem:s0+$0x10] =	vst v4;
	v0 =	vor.u32 v8, v53;
	v55 =	vor.u32 v5, v54;
	v56 =	vshll.u32 v2, $0x2  }
0x40: {  	[tilespmem:s0+$0x20] =	vst v3;
	v57 =	vand.u32 $0xFFFF8000, v2;
	v58 =	vshrl.u32 v2, $0xD;
	v5 =	vand.u32 $0x7FFC, v56  }
0x41: {  	[tilespmem:s0+$0x30] =	vst v1;
	v2 =	vand.u32 $0x3, v58;
	v59 =	vor.u32 v57, v5;
	v60 =	vshll.u32 v10, $0x2  }
0x42: {  	[tilespmem:s0+$0x40] =	vst v0;
	v61 =	vand.u32 $0xFFFF8000, v10;
	v62 =	vshrl.u32 v10, $0xD;
	v3 =	vand.u32 $0x7FFC, v60  }
0x43: {  	[tilespmem:s0+$0x50] =	vst v55;
	v1 =	vor.u32 v2, v59;
	v63 =	vand.u32 $0x3, v62;
	v0 =	vor.u32 v61, v3  }
0x44: {  	[tilespmem:s0+$0x60] =	vst v1;
	v0 =	vor.u32 v63, v0  }
0x45: {  	[tilespmem:s0+$0x70] =	vst v0;
	s0 =	simm.s32 $0x0  }
0x46: {  	[tilespmem:s8], [sflag:$0x1] =	stream.indirect.gather [hbm4b:s3+s7], $0x20, s0, s7, $0xb8;
	[tilespmem:$0x17200] =	vst v63  }
0x47: {  	s9 =	simm.s32 $0x4200  }
0x48: {  	[tilespmem:s9], [sflag:$0x1] =	stream.indirect.gather [hbm4b:s3+s7], $0x20, s7, s7, $0xb8;
	[tilespmem:$0x17200] =	vst v63  }
0x49: {  	s16 =	simm.s32 $0x100;
	s10 =	simm.s32 $0x5200  }
0x4a: {  	[tilespmem:s10], [sflag:$0x1] =	stream.indirect.gather [hbm4b:s3+s7], $0x20, s16, s7, $0xb8;
	[tilespmem:$0x17200] =	vst v63  }
0x4b: {  	s17 =	simm.s32 $0x180;
	s18 =	simm.s32 $0x6200  }
0x4c: {  	[tilespmem:s18], [sflag:$0x1] =	stream.indirect.gather [hbm4b:s3+s7], $0x20, s17, s7, $0xb8;
	[tilespmem:$0x17200] =	vst v63  }
0x4d: {  	s11 =	simm.s32 $0x200;
	s12 =	simm.s32 $0x7200  }
0x4e: {  	[tilespmem:s12], [sflag:$0x1] =	stream.indirect.gather [hbm4b:s3+s7], $0x20, s11, s7, $0xb8;
	[tilespmem:$0x17200] =	vst v63  }
0x4f: {  	s13 =	simm.s32 $0x280;
	s14 =	simm.s32 $0x8200  }
0x50: {  	[tilespmem:s14], [sflag:$0x1] =	stream.indirect.gather [hbm4b:s3+s7], $0x20, s13, s7, $0xb8;
	[tilespmem:$0x17200] =	vst v63  }
0x51: {  	s15 =	simm.s32 $0x300  }
0x52: {  	[tilespmem:s19], [sflag:$0x1] =	stream.indirect.gather [hbm4b:s3+s7], $0x20, s15, s7, $0xb8;
	[tilespmem:$0x17200] =	vst v63  }
0x53: {  	_ = 	snop  }
0x54: {  	[tilespmem:s21], [sflag:$0x1] =	stream.indirect.gather [hbm4b:s3+s7], $0x20, s20, s7, $0xb8;
	[tilespmem:$0x17200] =	vst v63  }
0x55: {  	p0 =	por $0x1, $0x1  }
0x56: {  	[tilespmem:s23], [sflag:$0x1] =	stream.indirect.gather [hbm4b:s3+s7], $0x20, s22, s7, $0xb8;
	[tilespmem:$0x17200] =	vst v63  }
0x57: {  	s9 =	simm.s32 @!p0 $0x4  }
0x58: {  	[tilespmem:s25], [sflag:$0x1] =	stream.indirect.gather [hbm4b:s3+s7], $0x20, s24, s7, $0xb8;
	[tilespmem:$0x17200] =	vst v63  }
0x59: {  	_ =	swait.ge @!p0 [sflag:s9], $0xA000  }
0x5a: {  	[sflag:s9] =	ssyncset.done @!p0 $0x0  }
0x5b: {  	s16 =	simm.s32 $0x500;
	[sflag:s9] =	ssyncadd.s32 @!p0 $0xFFFF6000  }
0x5c: {  	[tilespmem:s26], [sflag:$0x2] =	stream.indirect.gather [hbm4b:s3+s7], $0x20, s16, s7, $0xb8;
	[tilespmem:$0x17200] =	vst v63  }
0x5d: {  	s18 =	simm.s32 $0x580;
	s17 =	rddreg [dreg:$0x4]  }
0x5e: {  	[tilespmem:s17], [sflag:$0x2] =	stream.indirect.gather [hbm4b:s3+s7], $0x20, s18, s7, $0xb8;
	[tilespmem:$0x17200] =	vst v63  }
0x5f: {  	s10 =	simm.s32 $0x600;
	s11 =	rddreg [dreg:$0x5]  }
0x60: {  	[tilespmem:s11], [sflag:$0x2] =	stream.indirect.gather [hbm4b:s3+s7], $0x20, s10, s7, $0xb8;
	[tilespmem:$0x17200] =	vst v63  }
0x61: {  	s13 =	simm.s32 $0x680;
	s12 =	rddreg [dreg:$0x6]  }
0x62: {  	[tilespmem:s12], [sflag:$0x2] =	stream.indirect.gather [hbm4b:s3+s7], $0x20, s13, s7, $0xb8;
	[tilespmem:$0x17200] =	vst v63  }
0x63: {  	s15 =	simm.s32 $0x700;
	s14 =	rddreg [dreg:$0x7]  }
0x64: {  	[tilespmem:s14], [sflag:$0x2] =	stream.indirect.gather [hbm4b:s3+s7], $0x20, s15, s7, $0xb8;
	[tilespmem:$0x17200] =	vst v63  }
0x65: {  	s16 =	rddreg [dreg:$0x8];
	s17 =	simm.s32 $0x780  }
0x66: {  	[tilespmem:s16], [sflag:$0x2] =	stream.indirect.gather [hbm4b:s3+s7], $0x20, s17, s7, $0xb8;
	[tilespmem:$0x17200] =	vst v63  }
0x67: {  	s18 =	rddreg [dreg:$0x9];
	s10 =	simm.s32 $0x800  }
0x68: {  	[tilespmem:s18], [sflag:$0x2] =	stream.indirect.gather [hbm4b:s3+s7], $0x20, s10, s7, $0xb8;
	[tilespmem:$0x17200] =	vst v63  }
0x69: {  	s12 =	rddreg [dreg:$0xa];
	s13 =	simm.s32 $0x880  }
0x6a: {  	[tilespmem:s12], [sflag:$0x2] =	stream.indirect.gather [hbm4b:s3+s7], $0x20, s13, s7, $0xb8;
	[tilespmem:$0x17200] =	vst v63  }
0x6b: {  	s14 =	rddreg [dreg:$0xb];
	s15 =	simm.s32 $0x900  }
0x6c: {  	[tilespmem:s14], [sflag:$0x2] =	stream.indirect.gather [hbm4b:s3+s7], $0x20, s15, s7, $0xb8;
	[tilespmem:$0x17200] =	vst v63  }
0x6d: {  	s16 =	rddreg [dreg:$0xc];
	s17 =	simm.s32 $0x980  }
0x6e: {  	[tilespmem:s16], [sflag:$0x2] =	stream.indirect.gather [hbm4b:s3+s7], $0x20, s17, s7, $0xb8;
	[tilespmem:$0x17200] =	vst v63  }
0x6f: {  	_ =	swait.ge [sflag:s28], $0x1000  }
0x70: {  	[sflag:s28] =	ssyncset.done $0x0  }
0x71: {  	[sflag:s28] =	ssyncadd.s32 $0xFFFFF000  }
0x72: {  	_ =	swait.ge [sflag:s28], $0x1000  }
0x73: {  	[sflag:s28] =	ssyncset.done $0x0  }
0x74: {  	[sflag:s28] =	ssyncadd.s32 $0xFFFFF000  }
0x75: {  	_ =	swait.ge [sflag:s28], $0x1000  }
0x76: {  	[sflag:s28] =	ssyncset.done $0x0  }
0x77: {  	[sflag:s28] =	ssyncadd.s32 $0xFFFFF000  }
0x78: {  	_ =	swait.ge [sflag:s28], $0x1000  }
0x79: {  	[sflag:s28] =	ssyncset.done $0x0  }
0x7a: {  	[sflag:s28] =	ssyncadd.s32 $0xFFFFF000  }
0x7b: {  	_ =	swait.ge [sflag:s28], $0x1000  }
0x7c: {  	[sflag:s28] =	ssyncset.done $0x0  }
0x7d: {  	[sflag:s28] =	ssyncadd.s32 $0xFFFFF000  }
0x7e: {  	_ =	swait.ge [sflag:s28], $0x1000  }
0x7f: {  	[sflag:s28] =	ssyncset.done $0x0  }
0x80: {  	[sflag:s28] =	ssyncadd.s32 $0xFFFFF000  }
0x81: {  	_ =	swait.ge [sflag:s28], $0x1000  }
0x82: {  	[sflag:s28] =	ssyncset.done $0x0  }
0x83: {  	[sflag:s28] =	ssyncadd.s32 $0xFFFFF000  }
0x84: {  	_ =	swait.ge [sflag:s28], $0x1000  }
0x85: {  	[sflag:s28] =	ssyncset.done $0x0  }
0x86: {  	[sflag:s28] =	ssyncadd.s32 $0xFFFFF000  }
0x87: {  	_ =	swait.ge [sflag:s28], $0x1000  }
0x88: {  	[sflag:s28] =	ssyncset.done $0x0  }
0x89: {  	[sflag:s28] =	ssyncadd.s32 $0xFFFFF000  }
0x8a: {  	_ =	swait.ge [sflag:s28], $0x1000  }
0x8b: {  	s18 =	rddreg [dreg:$0x2];
	[sflag:s28] =	ssyncset.done $0x0  }
0x8c: {  	[sflag:s28] =	ssyncadd.s32 $0xFFFFF000;
	s9 =	sadd.s32 $0x0, s18  }
0x8d: {  	[hbm4b:s9+s2] =	stream.linear.scatter [tilespmem:s8], [sflag:$0x3], $0xA000, $0x38;
	[tilespmem:$0x17200] =	vst v63  }
0x8e: {  	p0 =	por $0x0, $0x0;
	_ =	swait.ge [sflag:s29], $0xA000  }
0x8f: {  	s11 =	simm.s32 @!p0 $0x80;
	[sflag:s29] =	ssyncset.done $0x0  }
0x90: {  	s10 =	simm.s32 @!p0 $0xA00;
	s9 =	simm.s32 @!p0 $0x3200;
	[sflag:s29] =	ssyncadd.s32 $0xFFFF6000  }
0x91: {  	[tilespmem:s9], [sflag:$0x1] =	stream.indirect.gather @!p0 [hbm4b:s3+s11], $0x20, s10, s11, $0xb8;
	[tilespmem:$0x17200] =	vst v63  }
0x92: {  	s9 =	simm.s32 @!p0 $0xA80;
	s10 =	simm.s32 @!p0 $0x4200  }
0x93: {  	[tilespmem:s10], [sflag:$0x1] =	stream.indirect.gather @!p0 [hbm4b:s3+s11], $0x20, s9, s11, $0xb8;
	[tilespmem:$0x17200] =	vst v63  }
0x94: {  	s9 =	simm.s32 @!p0 $0xB00;
	s10 =	simm.s32 @!p0 $0x5200  }
0x95: {  	[tilespmem:s10], [sflag:$0x1] =	stream.indirect.gather @!p0 [hbm4b:s3+s11], $0x20, s9, s11, $0xb8;
	[tilespmem:$0x17200] =	vst v63  }
0x96: {  	s9 =	simm.s32 @!p0 $0xB80;
	s10 =	simm.s32 @!p0 $0x6200  }
0x97: {  	[tilespmem:s10], [sflag:$0x1] =	stream.indirect.gather @!p0 [hbm4b:s3+s11], $0x20, s9, s11, $0xb8;
	[tilespmem:$0x17200] =	vst v63  }
0x98: {  	s9 =	simm.s32 @!p0 $0xC00;
	s10 =	simm.s32 @!p0 $0x7200  }
0x99: {  	[tilespmem:s10], [sflag:$0x1] =	stream.indirect.gather @!p0 [hbm4b:s3+s11], $0x20, s9, s11, $0xb8;
	[tilespmem:$0x17200] =	vst v63  }
0x9a: {  	s9 =	simm.s32 @!p0 $0xC80;
	s10 =	simm.s32 @!p0 $0x8200  }
0x9b: {  	[tilespmem:s10], [sflag:$0x1] =	stream.indirect.gather @!p0 [hbm4b:s3+s11], $0x20, s9, s11, $0xb8;
	[tilespmem:$0x17200] =	vst v63  }
0x9c: {  	s9 =	simm.s32 @!p0 $0xD00;
	s10 =	simm.s32 @!p0 $0x9200  }
0x9d: {  	[tilespmem:s10], [sflag:$0x1] =	stream.indirect.gather @!p0 [hbm4b:s3+s11], $0x20, s9, s11, $0xb8;
	[tilespmem:$0x17200] =	vst v63  }
0x9e: {  	s9 =	simm.s32 @!p0 $0xD80;
	s10 =	simm.s32 @!p0 $0xA200  }
0x9f: {  	[tilespmem:s10], [sflag:$0x1] =	stream.indirect.gather @!p0 [hbm4b:s3+s11], $0x20, s9, s11, $0xb8;
	[tilespmem:$0x17200] =	vst v63  }
0xa0: {  	s9 =	simm.s32 @!p0 $0xE00;
	s10 =	simm.s32 @!p0 $0xB200  }
0xa1: {  	[tilespmem:s10], [sflag:$0x1] =	stream.indirect.gather @!p0 [hbm4b:s3+s11], $0x20, s9, s11, $0xb8;
	[tilespmem:$0x17200] =	vst v63  }
0xa2: {  	s9 =	simm.s32 @!p0 $0xE80;
	s10 =	simm.s32 @!p0 $0xC200  }
0xa3: {  	[tilespmem:s10], [sflag:$0x1] =	stream.indirect.gather @!p0 [hbm4b:s3+s11], $0x20, s9, s11, $0xb8;
	[tilespmem:$0x17200] =	vst v63  }
0xa4: {  	_ =	swait.ge [sflag:s30], $0x1000  }
0xa5: {  	[sflag:s30] =	ssyncset.done $0x0  }
0xa6: {  	[sflag:s30] =	ssyncadd.s32 $0xFFFFF000  }
0xa7: {  	_ =	swait.ge [sflag:s30], $0x1000  }
0xa8: {  	[sflag:s30] =	ssyncset.done $0x0  }
0xa9: {  	[sflag:s30] =	ssyncadd.s32 $0xFFFFF000  }
0xaa: {  	_ =	swait.ge [sflag:s30], $0x1000  }
0xab: {  	[sflag:s30] =	ssyncset.done $0x0  }
0xac: {  	[sflag:s30] =	ssyncadd.s32 $0xFFFFF000  }
0xad: {  	_ =	swait.ge [sflag:s30], $0x1000  }
0xae: {  	[sflag:s30] =	ssyncset.done $0x0  }
0xaf: {  	[sflag:s30] =	ssyncadd.s32 $0xFFFFF000  }
0xb0: {  	_ =	swait.ge [sflag:s30], $0x1000  }
0xb1: {  	[sflag:s30] =	ssyncset.done $0x0  }
0xb2: {  	[sflag:s30] =	ssyncadd.s32 $0xFFFFF000  }
0xb3: {  	_ =	swait.ge [sflag:s30], $0x1000  }
0xb4: {  	[sflag:s30] =	ssyncset.done $0x0  }
0xb5: {  	[sflag:s30] =	ssyncadd.s32 $0xFFFFF000  }
0xb6: {  	_ =	swait.ge [sflag:s30], $0x1000  }
0xb7: {  	[sflag:s30] =	ssyncset.done $0x0  }
0xb8: {  	[sflag:s30] =	ssyncadd.s32 $0xFFFFF000  }
0xb9: {  	_ =	swait.ge [sflag:s30], $0x1000  }
0xba: {  	[sflag:s30] =	ssyncset.done $0x0  }
0xbb: {  	[sflag:s30] =	ssyncadd.s32 $0xFFFFF000  }
0xbc: {  	_ =	swait.ge [sflag:s30], $0x1000  }
0xbd: {  	[sflag:s30] =	ssyncset.done $0x0  }
0xbe: {  	[sflag:s30] =	ssyncadd.s32 $0xFFFFF000  }
0xbf: {  	_ =	swait.ge [sflag:s30], $0x1000  }
0xc0: {  	p1 =	por $0x0, $0x0;
	s9 =	simm.s32 $0x2800;
	[sflag:s30] =	ssyncset.done $0x0  }
0xc1: {  	s10 =	simm.s32 $0x5000;
	s11 =	rddreg [dreg:$0x3];
	[sflag:s30] =	ssyncadd.s32 $0xFFFFF000  }
.LBB2_4:
0xc2: {  	s12 =	simm.s32 @!p1 $0x4;
	s11 =	sadd.s32 s0, s11  }
0xc3: {  	[hbm4b:s11+s2] =	stream.linear.scatter [tilespmem:s26], [sflag:$0x4], $0xA000, $0x38;
	[tilespmem:$0x17200] =	vst v63  }
0xc4: {  	s0 =	smov.u32 s9;
	_ =	swait.ge @!p1 [sflag:s12], $0xA000  }
0xc5: {  	s11 =	sshra.s32 s0, $0x2;
	[sflag:s12] =	ssyncset.done @!p1 $0x0  }
0xc6: {  	s15 =	sadd.s32 $0x500, s11;
	[sflag:s12] =	ssyncadd.s32 @!p1 $0xFFFF6000  }
0xc7: {  	[tilespmem:s26], [sflag:$0x2] =	stream.indirect.gather [hbm4b:s3+s7], $0x20, s15, s7, $0xb8;
	[tilespmem:$0x17200] =	vst v63  }
0xc8: {  	s16 =	sadd.s32 $0x580, s11;
	s13 =	rddreg [dreg:$0x4]  }
0xc9: {  	[tilespmem:s13], [sflag:$0x2] =	stream.indirect.gather [hbm4b:s3+s7], $0x20, s16, s7, $0xb8;
	[tilespmem:$0x17200] =	vst v63  }
0xca: {  	s17 =	sadd.s32 $0x600, s11;
	s14 =	rddreg [dreg:$0x5]  }
0xcb: {  	[tilespmem:s14], [sflag:$0x2] =	stream.indirect.gather [hbm4b:s3+s7], $0x20, s17, s7, $0xb8;
	[tilespmem:$0x17200] =	vst v63  }
0xcc: {  	s18 =	rddreg [dreg:$0x6];
	s15 =	sadd.s32 $0x680, s11  }
0xcd: {  	[tilespmem:s18], [sflag:$0x2] =	stream.indirect.gather [hbm4b:s3+s7], $0x20, s15, s7, $0xb8;
	[tilespmem:$0x17200] =	vst v63  }
0xce: {  	s16 =	rddreg [dreg:$0x7];
	s17 =	sadd.s32 $0x700, s11  }
0xcf: {  	[tilespmem:s16], [sflag:$0x2] =	stream.indirect.gather [hbm4b:s3+s7], $0x20, s17, s7, $0xb8;
	[tilespmem:$0x17200] =	vst v63  }
0xd0: {  	s18 =	rddreg [dreg:$0x8];
	s15 =	sadd.s32 $0x780, s11  }
0xd1: {  	[tilespmem:s18], [sflag:$0x2] =	stream.indirect.gather [hbm4b:s3+s7], $0x20, s15, s7, $0xb8;
	[tilespmem:$0x17200] =	vst v63  }
0xd2: {  	s16 =	rddreg [dreg:$0x9];
	s17 =	sadd.s32 $0x800, s11  }
0xd3: {  	[tilespmem:s16], [sflag:$0x2] =	stream.indirect.gather [hbm4b:s3+s7], $0x20, s17, s7, $0xb8;
	[tilespmem:$0x17200] =	vst v63  }
0xd4: {  	s14 =	sadd.s32 $0x880, s11;
	s18 =	rddreg [dreg:$0xa]  }
0xd5: {  	[tilespmem:s18], [sflag:$0x2] =	stream.indirect.gather [hbm4b:s3+s7], $0x20, s14, s7, $0xb8;
	[tilespmem:$0x17200] =	vst v63  }
0xd6: {  	s15 =	rddreg [dreg:$0xb];
	s16 =	sadd.s32 $0x900, s11  }
0xd7: {  	[tilespmem:s15], [sflag:$0x2] =	stream.indirect.gather [hbm4b:s3+s7], $0x20, s16, s7, $0xb8;
	[tilespmem:$0x17200] =	vst v63  }
0xd8: {  	s17 =	rddreg [dreg:$0xc];
	s11 =	sadd.s32 $0x980, s11  }
0xd9: {  	[tilespmem:s17], [sflag:$0x2] =	stream.indirect.gather [hbm4b:s3+s7], $0x20, s11, s7, $0xb8;
	[tilespmem:$0x17200] =	vst v63  }
0xda: {  	_ =	swait.ge [sflag:s28], $0x1000  }
0xdb: {  	[sflag:s28] =	ssyncset.done $0x0  }
0xdc: {  	[sflag:s28] =	ssyncadd.s32 $0xFFFFF000  }
0xdd: {  	_ =	swait.ge [sflag:s28], $0x1000  }
0xde: {  	[sflag:s28] =	ssyncset.done $0x0  }
0xdf: {  	[sflag:s28] =	ssyncadd.s32 $0xFFFFF000  }
0xe0: {  	_ =	swait.ge [sflag:s28], $0x1000  }
0xe1: {  	[sflag:s28] =	ssyncset.done $0x0  }
0xe2: {  	[sflag:s28] =	ssyncadd.s32 $0xFFFFF000  }
0xe3: {  	_ =	swait.ge [sflag:s28], $0x1000  }
0xe4: {  	[sflag:s28] =	ssyncset.done $0x0  }
0xe5: {  	[sflag:s28] =	ssyncadd.s32 $0xFFFFF000  }
0xe6: {  	_ =	swait.ge [sflag:s28], $0x1000  }
0xe7: {  	[sflag:s28] =	ssyncset.done $0x0  }
0xe8: {  	[sflag:s28] =	ssyncadd.s32 $0xFFFFF000  }
0xe9: {  	_ =	swait.ge [sflag:s28], $0x1000  }
0xea: {  	[sflag:s28] =	ssyncset.done $0x0  }
0xeb: {  	[sflag:s28] =	ssyncadd.s32 $0xFFFFF000  }
0xec: {  	_ =	swait.ge [sflag:s28], $0x1000  }
0xed: {  	[sflag:s28] =	ssyncset.done $0x0  }
0xee: {  	[sflag:s28] =	ssyncadd.s32 $0xFFFFF000  }
0xef: {  	_ =	swait.ge [sflag:s28], $0x1000  }
0xf0: {  	[sflag:s28] =	ssyncset.done $0x0  }
0xf1: {  	[sflag:s28] =	ssyncadd.s32 $0xFFFFF000  }
0xf2: {  	_ =	swait.ge [sflag:s28], $0x1000  }
0xf3: {  	[sflag:s28] =	ssyncset.done $0x0  }
0xf4: {  	[sflag:s28] =	ssyncadd.s32 $0xFFFFF000  }
0xf5: {  	_ =	swait.ge [sflag:s28], $0x1000  }
0xf6: {  	s18 =	rddreg [dreg:$0x2];
	[sflag:s28] =	ssyncset.done $0x0  }
0xf7: {  	[sflag:s28] =	ssyncadd.s32 $0xFFFFF000;
	s11 =	sadd.s32 s0, s18  }
0xf8: {  	[hbm4b:s11+s2] =	stream.linear.scatter [tilespmem:s8], [sflag:$0x3], $0xA000, $0x38;
	[tilespmem:$0x17200] =	vst v63  }
0xf9: {  	p1 =	seq.s32 s0, $0xA000;
	_ =	swait.ge [sflag:s29], $0xA000  }
0xfa: {  	s12 =	simm.s32 @!p1 $0x3200;
	s11 =	sshra.s32 @!p1 s0, $0x2;
	[sflag:s29] =	ssyncset.done $0x0  }
0xfb: {  	s14 =	simm.s32 @!p1 $0x80;
	s13 =	sadd.s32 @!p1 $0xA00, s11;
	[sflag:s29] =	ssyncadd.s32 $0xFFFF6000  }
0xfc: {  	[tilespmem:s12], [sflag:$0x1] =	stream.indirect.gather @!p1 [hbm4b:s3+s14], $0x20, s13, s14, $0xb8;
	[tilespmem:$0x17200] =	vst v63  }
0xfd: {  	s12 =	sadd.s32 @!p1 $0xA80, s11;
	s13 =	simm.s32 @!p1 $0x4200  }
0xfe: {  	[tilespmem:s13], [sflag:$0x1] =	stream.indirect.gather @!p1 [hbm4b:s3+s14], $0x20, s12, s14, $0xb8;
	[tilespmem:$0x17200] =	vst v63  }
0xff: {  	s15 =	sadd.s32 @!p1 $0xB00, s11;
	s12 =	simm.s32 @!p1 $0x5200  }
0x100: {  	[tilespmem:s12], [sflag:$0x1] =	stream.indirect.gather @!p1 [hbm4b:s3+s14], $0x20, s15, s14, $0xb8;
	[tilespmem:$0x17200] =	vst v63  }
0x101: {  	s13 =	sadd.s32 @!p1 $0xB80, s11;
	s12 =	simm.s32 @!p1 $0x6200  }
0x102: {  	[tilespmem:s12], [sflag:$0x1] =	stream.indirect.gather @!p1 [hbm4b:s3+s14], $0x20, s13, s14, $0xb8;
	[tilespmem:$0x17200] =	vst v63  }
0x103: {  	s16 =	sadd.s32 @!p1 $0xC00, s11;
	s12 =	simm.s32 @!p1 $0x7200  }
0x104: {  	[tilespmem:s12], [sflag:$0x1] =	stream.indirect.gather @!p1 [hbm4b:s3+s14], $0x20, s16, s14, $0xb8;
	[tilespmem:$0x17200] =	vst v63  }
0x105: {  	s15 =	sadd.s32 @!p1 $0xC80, s11;
	s12 =	simm.s32 @!p1 $0x8200  }
0x106: {  	[tilespmem:s12], [sflag:$0x1] =	stream.indirect.gather @!p1 [hbm4b:s3+s14], $0x20, s15, s14, $0xb8;
	[tilespmem:$0x17200] =	vst v63  }
0x107: {  	s17 =	sadd.s32 @!p1 $0xD00, s11;
	s12 =	simm.s32 @!p1 $0x9200  }
0x108: {  	[tilespmem:s12], [sflag:$0x1] =	stream.indirect.gather @!p1 [hbm4b:s3+s14], $0x20, s17, s14, $0xb8;
	[tilespmem:$0x17200] =	vst v63  }
0x109: {  	s13 =	sadd.s32 @!p1 $0xD80, s11;
	s12 =	simm.s32 @!p1 $0xA200  }
0x10a: {  	[tilespmem:s12], [sflag:$0x1] =	stream.indirect.gather @!p1 [hbm4b:s3+s14], $0x20, s13, s14, $0xb8;
	[tilespmem:$0x17200] =	vst v63  }
0x10b: {  	s18 =	sadd.s32 @!p1 $0xE00, s11;
	s12 =	simm.s32 @!p1 $0xB200  }
0x10c: {  	[tilespmem:s12], [sflag:$0x1] =	stream.indirect.gather @!p1 [hbm4b:s3+s14], $0x20, s18, s14, $0xb8;
	[tilespmem:$0x17200] =	vst v63  }
0x10d: {  	s11 =	sadd.s32 @!p1 $0xE80, s11;
	s12 =	simm.s32 @!p1 $0xC200  }
0x10e: {  	[tilespmem:s12], [sflag:$0x1] =	stream.indirect.gather @!p1 [hbm4b:s3+s14], $0x20, s11, s14, $0xb8;
	[tilespmem:$0x17200] =	vst v63  }
0x10f: {  	_ =	swait.ge [sflag:s30], $0x1000  }
0x110: {  	[sflag:s30] =	ssyncset.done $0x0  }
0x111: {  	[sflag:s30] =	ssyncadd.s32 $0xFFFFF000  }
0x112: {  	_ =	swait.ge [sflag:s30], $0x1000  }
0x113: {  	[sflag:s30] =	ssyncset.done $0x0  }
0x114: {  	[sflag:s30] =	ssyncadd.s32 $0xFFFFF000  }
0x115: {  	_ =	swait.ge [sflag:s30], $0x1000  }
0x116: {  	[sflag:s30] =	ssyncset.done $0x0  }
0x117: {  	[sflag:s30] =	ssyncadd.s32 $0xFFFFF000  }
0x118: {  	_ =	swait.ge [sflag:s30], $0x1000  }
0x119: {  	[sflag:s30] =	ssyncset.done $0x0  }
0x11a: {  	[sflag:s30] =	ssyncadd.s32 $0xFFFFF000  }
0x11b: {  	_ =	swait.ge [sflag:s30], $0x1000  }
0x11c: {  	[sflag:s30] =	ssyncset.done $0x0  }
0x11d: {  	[sflag:s30] =	ssyncadd.s32 $0xFFFFF000  }
0x11e: {  	_ =	swait.ge [sflag:s30], $0x1000  }
0x11f: {  	[sflag:s30] =	ssyncset.done $0x0  }
0x120: {  	[sflag:s30] =	ssyncadd.s32 $0xFFFFF000  }
0x121: {  	_ =	swait.ge [sflag:s30], $0x1000  }
0x122: {  	[sflag:s30] =	ssyncset.done $0x0  }
0x123: {  	[sflag:s30] =	ssyncadd.s32 $0xFFFFF000  }
0x124: {  	_ =	swait.ge [sflag:s30], $0x1000  }
0x125: {  	[sflag:s30] =	ssyncset.done $0x0  }
0x126: {  	s9 =	smov.u32 s10;
	s10 =	sadd.s32 $0x2800, s10;
	[sflag:s30] =	ssyncadd.s32 $0xFFFFF000  }
0x127: {  	p0 =	sne.s32 s10, $0xC800;
	_ =	swait.ge [sflag:s30], $0x1000  }
.Ltmp1:
0x128: {  	[sflag:s30] =	ssyncset.done $0x0;
	(pc) =	sbr.rel @p0 .LBB2_4-.Ltmp1, $4  }
0x129: {  	[sflag:s30] =	ssyncadd.s32 $0xFFFFF000  }
0x12a: {  	_ =	swait.ge [sflag:s30], $0x1000  }
0x12b: {  	[sflag:s30] =	ssyncset.done $0x0  }
0x12c: {  	p1 =	seq.s32 s9, $0x0;
	s11 =	rddreg [dreg:$0x3];
	[sflag:s30] =	ssyncadd.s32 $0xFFFFF000  }
0x12d: {  	s10 =	simm.s32 @!p1 $0x4;
	s0 =	sadd.s32 s0, s11  }
0x12e: {  	[hbm4b:s0+s2] =	stream.linear.scatter [tilespmem:s26], [sflag:$0x4], $0xA000, $0x38;
	[tilespmem:$0x17200] =	vst v63  }
0x12f: {  	_ =	swait.ge @!p1 [sflag:s10], $0xA000  }
0x130: {  	s0 =	sshra.s32 s9, $0x2;
	[sflag:s10] =	ssyncset.done @!p1 $0x0  }
0x131: {  	s12 =	sadd.s32 $0x500, s0;
	[sflag:s10] =	ssyncadd.s32 @!p1 $0xFFFF6000  }
0x132: {  	[tilespmem:s26], [sflag:$0x2] =	stream.indirect.gather [hbm4b:s3+s7], $0x20, s12, s7, $0xb8;
	[tilespmem:$0x17200] =	vst v63  }
0x133: {  	s14 =	sadd.s32 $0x580, s0;
	s13 =	rddreg [dreg:$0x4]  }
0x134: {  	[tilespmem:s13], [sflag:$0x2] =	stream.indirect.gather [hbm4b:s3+s7], $0x20, s14, s7, $0xb8;
	[tilespmem:$0x17200] =	vst v63  }
0x135: {  	s15 =	sadd.s32 $0x600, s0;
	s12 =	rddreg [dreg:$0x5]  }
0x136: {  	[tilespmem:s12], [sflag:$0x2] =	stream.indirect.gather [hbm4b:s3+s7], $0x20, s15, s7, $0xb8;
	[tilespmem:$0x17200] =	vst v63  }
0x137: {  	s17 =	sadd.s32 $0x680, s0;
	s16 =	rddreg [dreg:$0x6]  }
0x138: {  	[tilespmem:s16], [sflag:$0x2] =	stream.indirect.gather [hbm4b:s3+s7], $0x20, s17, s7, $0xb8;
	[tilespmem:$0x17200] =	vst v63  }
0x139: {  	s18 =	rddreg [dreg:$0x7];
	s13 =	sadd.s32 $0x700, s0  }
0x13a: {  	[tilespmem:s18], [sflag:$0x2] =	stream.indirect.gather [hbm4b:s3+s7], $0x20, s13, s7, $0xb8;
	[tilespmem:$0x17200] =	vst v63  }
0x13b: {  	s14 =	rddreg [dreg:$0x8];
	s15 =	sadd.s32 $0x780, s0  }
0x13c: {  	[tilespmem:s14], [sflag:$0x2] =	stream.indirect.gather [hbm4b:s3+s7], $0x20, s15, s7, $0xb8;
	[tilespmem:$0x17200] =	vst v63  }
0x13d: {  	s16 =	rddreg [dreg:$0x9];
	s17 =	sadd.s32 $0x800, s0  }
0x13e: {  	[tilespmem:s16], [sflag:$0x2] =	stream.indirect.gather [hbm4b:s3+s7], $0x20, s17, s7, $0xb8;
	[tilespmem:$0x17200] =	vst v63  }
0x13f: {  	s18 =	rddreg [dreg:$0xa];
	s13 =	sadd.s32 $0x880, s0  }
0x140: {  	[tilespmem:s18], [sflag:$0x2] =	stream.indirect.gather [hbm4b:s3+s7], $0x20, s13, s7, $0xb8;
	[tilespmem:$0x17200] =	vst v63  }
0x141: {  	s14 =	rddreg [dreg:$0xb];
	s15 =	sadd.s32 $0x900, s0  }
0x142: {  	[tilespmem:s14], [sflag:$0x2] =	stream.indirect.gather [hbm4b:s3+s7], $0x20, s15, s7, $0xb8;
	[tilespmem:$0x17200] =	vst v63  }
0x143: {  	s0 =	sadd.s32 $0x980, s0;
	s16 =	rddreg [dreg:$0xc]  }
0x144: {  	[tilespmem:s16], [sflag:$0x2] =	stream.indirect.gather [hbm4b:s3+s7], $0x20, s0, s7, $0xb8;
	[tilespmem:$0x17200] =	vst v63  }
0x145: {  	_ =	swait.ge [sflag:s28], $0x1000  }
0x146: {  	[sflag:s28] =	ssyncset.done $0x0  }
0x147: {  	[sflag:s28] =	ssyncadd.s32 $0xFFFFF000  }
0x148: {  	_ =	swait.ge [sflag:s28], $0x1000  }
0x149: {  	[sflag:s28] =	ssyncset.done $0x0  }
0x14a: {  	[sflag:s28] =	ssyncadd.s32 $0xFFFFF000  }
0x14b: {  	_ =	swait.ge [sflag:s28], $0x1000  }
0x14c: {  	[sflag:s28] =	ssyncset.done $0x0  }
0x14d: {  	[sflag:s28] =	ssyncadd.s32 $0xFFFFF000  }
0x14e: {  	_ =	swait.ge [sflag:s28], $0x1000  }
0x14f: {  	[sflag:s28] =	ssyncset.done $0x0  }
0x150: {  	[sflag:s28] =	ssyncadd.s32 $0xFFFFF000  }
0x151: {  	_ =	swait.ge [sflag:s28], $0x1000  }
0x152: {  	[sflag:s28] =	ssyncset.done $0x0  }
0x153: {  	[sflag:s28] =	ssyncadd.s32 $0xFFFFF000  }
0x154: {  	_ =	swait.ge [sflag:s28], $0x1000  }
0x155: {  	[sflag:s28] =	ssyncset.done $0x0  }
0x156: {  	[sflag:s28] =	ssyncadd.s32 $0xFFFFF000  }
0x157: {  	_ =	swait.ge [sflag:s28], $0x1000  }
0x158: {  	[sflag:s28] =	ssyncset.done $0x0  }
0x159: {  	[sflag:s28] =	ssyncadd.s32 $0xFFFFF000  }
0x15a: {  	_ =	swait.ge [sflag:s28], $0x1000  }
0x15b: {  	[sflag:s28] =	ssyncset.done $0x0  }
0x15c: {  	[sflag:s28] =	ssyncadd.s32 $0xFFFFF000  }
0x15d: {  	_ =	swait.ge [sflag:s28], $0x1000  }
0x15e: {  	[sflag:s28] =	ssyncset.done $0x0  }
0x15f: {  	[sflag:s28] =	ssyncadd.s32 $0xFFFFF000  }
0x160: {  	_ =	swait.ge [sflag:s28], $0x1000  }
0x161: {  	s17 =	rddreg [dreg:$0x2];
	[sflag:s28] =	ssyncset.done $0x0  }
0x162: {  	[sflag:s28] =	ssyncadd.s32 $0xFFFFF000;
	s0 =	sadd.s32 s9, s17  }
0x163: {  	[hbm4b:s0+s2] =	stream.linear.scatter [tilespmem:s8], [sflag:$0x3], $0xA000, $0x38;
	[tilespmem:$0x17200] =	vst v63  }
0x164: {  	p0 =	seq.s32 s9, $0xA000;
	_ =	swait.ge [sflag:s29], $0xA000  }
0x165: {  	s10 =	simm.s32 @!p0 $0x3200;
	s0 =	sshra.s32 @!p0 s9, $0x2;
	[sflag:s29] =	ssyncset.done $0x0  }
0x166: {  	s12 =	simm.s32 @!p0 $0x80;
	s11 =	sadd.s32 @!p0 $0xA00, s0;
	[sflag:s29] =	ssyncadd.s32 $0xFFFF6000  }
0x167: {  	[tilespmem:s10], [sflag:$0x1] =	stream.indirect.gather @!p0 [hbm4b:s3+s12], $0x20, s11, s12, $0xb8;
	[tilespmem:$0x17200] =	vst v63  }
0x168: {  	s10 =	sadd.s32 @!p0 $0xA80, s0;
	s11 =	simm.s32 @!p0 $0x4200  }
0x169: {  	[tilespmem:s11], [sflag:$0x1] =	stream.indirect.gather @!p0 [hbm4b:s3+s12], $0x20, s10, s12, $0xb8;
	[tilespmem:$0x17200] =	vst v63  }
0x16a: {  	s10 =	sadd.s32 @!p0 $0xB00, s0;
	s11 =	simm.s32 @!p0 $0x5200  }
0x16b: {  	[tilespmem:s11], [sflag:$0x1] =	stream.indirect.gather @!p0 [hbm4b:s3+s12], $0x20, s10, s12, $0xb8;
	[tilespmem:$0x17200] =	vst v63  }
0x16c: {  	s10 =	sadd.s32 @!p0 $0xB80, s0;
	s11 =	simm.s32 @!p0 $0x6200  }
0x16d: {  	[tilespmem:s11], [sflag:$0x1] =	stream.indirect.gather @!p0 [hbm4b:s3+s12], $0x20, s10, s12, $0xb8;
	[tilespmem:$0x17200] =	vst v63  }
0x16e: {  	s10 =	sadd.s32 @!p0 $0xC00, s0;
	s11 =	simm.s32 @!p0 $0x7200  }
0x16f: {  	[tilespmem:s11], [sflag:$0x1] =	stream.indirect.gather @!p0 [hbm4b:s3+s12], $0x20, s10, s12, $0xb8;
	[tilespmem:$0x17200] =	vst v63  }
0x170: {  	s10 =	sadd.s32 @!p0 $0xC80, s0;
	s11 =	simm.s32 @!p0 $0x8200  }
0x171: {  	[tilespmem:s11], [sflag:$0x1] =	stream.indirect.gather @!p0 [hbm4b:s3+s12], $0x20, s10, s12, $0xb8;
	[tilespmem:$0x17200] =	vst v63  }
0x172: {  	s10 =	sadd.s32 @!p0 $0xD00, s0;
	s11 =	simm.s32 @!p0 $0x9200  }
0x173: {  	[tilespmem:s11], [sflag:$0x1] =	stream.indirect.gather @!p0 [hbm4b:s3+s12], $0x20, s10, s12, $0xb8;
	[tilespmem:$0x17200] =	vst v63  }
0x174: {  	s10 =	sadd.s32 @!p0 $0xD80, s0;
	s11 =	simm.s32 @!p0 $0xA200  }
0x175: {  	[tilespmem:s11], [sflag:$0x1] =	stream.indirect.gather @!p0 [hbm4b:s3+s12], $0x20, s10, s12, $0xb8;
	[tilespmem:$0x17200] =	vst v63  }
0x176: {  	s10 =	sadd.s32 @!p0 $0xE00, s0;
	s11 =	simm.s32 @!p0 $0xB200  }
0x177: {  	[tilespmem:s11], [sflag:$0x1] =	stream.indirect.gather @!p0 [hbm4b:s3+s12], $0x20, s10, s12, $0xb8;
	[tilespmem:$0x17200] =	vst v63  }
0x178: {  	s0 =	sadd.s32 @!p0 $0xE80, s0;
	s10 =	simm.s32 @!p0 $0xC200  }
0x179: {  	[tilespmem:s10], [sflag:$0x1] =	stream.indirect.gather @!p0 [hbm4b:s3+s12], $0x20, s0, s12, $0xb8;
	[tilespmem:$0x17200] =	vst v63  }
0x17a: {  	_ =	swait.ge [sflag:s30], $0x1000  }
0x17b: {  	[sflag:s30] =	ssyncset.done $0x0  }
0x17c: {  	[sflag:s30] =	ssyncadd.s32 $0xFFFFF000  }
0x17d: {  	_ =	swait.ge [sflag:s30], $0x1000  }
0x17e: {  	[sflag:s30] =	ssyncset.done $0x0  }
0x17f: {  	[sflag:s30] =	ssyncadd.s32 $0xFFFFF000  }
0x180: {  	_ =	swait.ge [sflag:s30], $0x1000  }
0x181: {  	[sflag:s30] =	ssyncset.done $0x0  }
0x182: {  	[sflag:s30] =	ssyncadd.s32 $0xFFFFF000  }
0x183: {  	_ =	swait.ge [sflag:s30], $0x1000  }
0x184: {  	[sflag:s30] =	ssyncset.done $0x0  }
0x185: {  	[sflag:s30] =	ssyncadd.s32 $0xFFFFF000  }
0x186: {  	_ =	swait.ge [sflag:s30], $0x1000  }
0x187: {  	[sflag:s30] =	ssyncset.done $0x0  }
0x188: {  	[sflag:s30] =	ssyncadd.s32 $0xFFFFF000  }
0x189: {  	_ =	swait.ge [sflag:s30], $0x1000  }
0x18a: {  	[sflag:s30] =	ssyncset.done $0x0  }
0x18b: {  	[sflag:s30] =	ssyncadd.s32 $0xFFFFF000  }
0x18c: {  	_ =	swait.ge [sflag:s30], $0x1000  }
0x18d: {  	[sflag:s30] =	ssyncset.done $0x0  }
0x18e: {  	[sflag:s30] =	ssyncadd.s32 $0xFFFFF000  }
0x18f: {  	_ =	swait.ge [sflag:s30], $0x1000  }
0x190: {  	[sflag:s30] =	ssyncset.done $0x0  }
0x191: {  	[sflag:s30] =	ssyncadd.s32 $0xFFFFF000  }
0x192: {  	_ =	swait.ge [sflag:s30], $0x1000  }
0x193: {  	[sflag:s30] =	ssyncset.done $0x0  }
0x194: {  	[sflag:s30] =	ssyncadd.s32 $0xFFFFF000  }
0x195: {  	s1 =	sadd.s32 $0x1, s1;
	_ =	swait.ge [sflag:s30], $0x1000  }
0x196: {  	p0 =	sne.s32 s1, s5;
	s18 =	rddreg [dreg:$0x3];
	[sflag:s30] =	ssyncset.done $0x0  }
.Ltmp2:
0x197: {  	[sflag:s30] =	ssyncadd.s32 $0xFFFFF000;
	s0 =	sadd.s32 s9, s18;
	(pc) =	sbr.rel @p0 .LBB2_1-.Ltmp2, $4  }
0x198: {  	[hbm4b:s0+s2] =	stream.linear.scatter [tilespmem:s26], [sflag:$0x4], $0xA000, $0x38;
	[tilespmem:$0x17200] =	vst v63  }
0x199: {  	_ =	swait.ge [sflag:s31], $0xA000  }
0x19a: {  	[sflag:s31] =	ssyncset.done $0x0  }
0x19b: {  	[sflag:s31] =	ssyncadd.s32 $0xFFFF6000  }
0x19c: {  	_ =	sfence.sel $0x180000  }
0x19d: {  	[bflag:$0x0] =	sbarrier.arrive $0xFFFF  }
0x19e: {  	_ =	strace $0x90000047  }
0x19f: {  	s0 =	stileid.u32;
	[bflag:$0x2] =	sbarrier.arrive $0xFFFF  }
0x1a0: {  	p0 =	sne.s32 s0, $0x0;
	s0 =	rddreg [dreg:$0x1]  }
0x1a1: {  	s0 =	sadd.s32 @!p0 $0x100000, s0  }
0x1a2: {  	[sflag:s0] =	ssyncadd.tile.s32 @!p0 $0x1;
	_ =	shalt  }
.Lfunc_end2:
_tile_overlayer_lowered:
.L_overlay_start_2:
0x1a3: {  	(tag) =	ssettag $0x2  }
0x1a4: {  	s0 =	rddreg [dreg:$0x0];
	s2 =	stileid.u32  }
0x1a5: {  	s1 =	rddreg [dreg:$0x1];
	p0 =	sne.s32 s2, $0x0  }
0x1a6: {  	s3 =	rddreg [dreg:$0x2];
	[bflag:$0x3] =	sbarrier.arrive $0xFFFF;
	s2 =	simm.s32 @!p0 $0x1C05  }
0x1a7: {  	[timem:s3], [sflag:s2] =	dma.local @!p0 [hbm:s0], s1  }
0x1a8: {  	s0 =	simm.s32 @!p0 $0x5  }
0x1a9: {  	_ =	swait.ge @!p0 [sflag:s0], s1  }
0x1aa: {  	s1 =	ssub.s32 @!p0 $0x0, s1;
	[sflag:s0] =	ssyncset.done @!p0 $0x0  }
0x1ab: {  	[sflag:s0] =	ssyncadd.s32 @!p0 s1  }
0x1ac: {  	[bflag:$0x3] =	sbarrier.arrive $0xFFFF  }
0x1ad: {  	_ =	shalt  }

</sc_bundles>
